<compile_context>
chip_gen: v7x
topology: tpu7x:2x2x1
jax: 0.10.2.dev20260603
libtpu: 0.0.44.dev20260713+nightly
codegen_flags: <defaults>
</compile_context>

<pallas_src>
import functools

import jax
import jax.numpy as jnp
from jax import lax
from jax.experimental import pallas as pl
from jax.experimental.pallas import tpu as pltpu
from jax.experimental.pallas import tpu_sc as plsc

B = 4096
M = 1000
MP = 1024
KNN = 4
NEG = -3.0e38

_BR0 = 512


def _rnd_bf16_bits(x):
    b = lax.bitcast_convert_type(x, jnp.int32)
    r = b + jnp.int32(0x7FFF) + (lax.shift_right_logical(b, 16) & jnp.int32(1))
    return lax.shift_right_logical(r, 16)


def _pack_i32(x):
    hi = _rnd_bf16_bits(x[:, :MP // 2])
    lo = _rnd_bf16_bits(x[:, MP // 2:])
    return lax.shift_left(hi, 16) | lo


def _norm_body(ls_ref, lt_ref, tn_ref, lsp_ref, ltp_ref):
    zpad = jnp.zeros((_BR0, MP - M), jnp.float32)
    lt = lt_ref[...]
    ssq = jnp.sum(lt * lt, axis=1, keepdims=True)
    nrm = jnp.maximum(jnp.sqrt(ssq), 1e-12)
    tn_ref[...] = (lt / nrm).astype(jnp.bfloat16)
    lsp_ref[...] = _pack_i32(jnp.concatenate([ls_ref[...], zpad], axis=1))
    ltp_ref[...] = _pack_i32(jnp.concatenate([lt, zpad], axis=1))


def _normalize(logits_s, logits_t):
    return pl.pallas_call(
        _norm_body,
        grid=(B // _BR0,),
        in_specs=[
            pl.BlockSpec((_BR0, M), lambda i: (i, 0)),
            pl.BlockSpec((_BR0, M), lambda i: (i, 0)),
        ],
        out_specs=[
            pl.BlockSpec((_BR0, M), lambda i: (i, 0)),
            pl.BlockSpec((_BR0, MP // 2), lambda i: (i, 0)),
            pl.BlockSpec((_BR0, MP // 2), lambda i: (i, 0)),
        ],
        out_shape=[
            jax.ShapeDtypeStruct((B, M), jnp.bfloat16),
            jax.ShapeDtypeStruct((B, MP // 2), jnp.int32),
            jax.ShapeDtypeStruct((B, MP // 2), jnp.int32),
        ],
    )(logits_s, logits_t)


_BR1 = 512


def _topk_body(row0, lhs_ref, tn_ref, o_ref):
    g = lax.dot_general(lhs_ref[...].astype(jnp.bfloat16), tn_ref[...],
                        (((1,), (1,)), ((), ())),
                        preferred_element_type=jnp.float32)
    r0 = pl.program_id(0) * _BR1 + row0
    col = lax.broadcasted_iota(jnp.int32, (_BR1, B), 1)
    row = lax.broadcasted_iota(jnp.int32, (_BR1, B), 0) + r0
    bits = lax.bitcast_convert_type(g, jnp.int32)
    key = bits ^ ((bits >> 31) & jnp.int32(0x7FFFFFFF))
    packed = (key & jnp.int32(~0xFFF)) | (jnp.int32(B - 1) - col)
    imin = jnp.int32(-0x80000000)
    packed = jnp.where(col == row, imin, packed)
    lane = lax.broadcasted_iota(jnp.int32, (_BR1, 128), 1)
    out = jnp.zeros((_BR1, 128), jnp.int32)
    for k in range(KNN):
        m = jnp.max(packed, axis=1, keepdims=True)
        am = jnp.int32(B - 1) - (m & jnp.int32(0xFFF))
        out = jnp.where(lane == k, am, out)
        packed = jnp.where(packed == m, imin, packed)
    o_ref[...] = out


def _top4(logits_t, t_norm, row0, nrows):
    blk0 = row0 // _BR1
    return pl.pallas_call(
        functools.partial(_topk_body, row0),
        grid=(nrows // _BR1,),
        in_specs=[
            pl.BlockSpec((_BR1, M), lambda i: (i + blk0, 0)),
            pl.BlockSpec((B, M), lambda i: (0, 0)),
        ],
        out_specs=pl.BlockSpec((_BR1, 128), lambda i: (i, 0)),
        out_shape=jax.ShapeDtypeStruct((nrows, 128), jnp.int32),
    )(logits_t, t_norm)


_CH = 8
_NB = 4
_LA = 2


def _make_gather(nrows):
    info = plsc.get_sparse_core_info()
    nw = info.num_cores * info.num_subcores
    bpw = nrows // nw
    nch = bpw // _CH
    mesh = plsc.VectorSubcoreMesh(core_axis_name="c", subcore_axis_name="s")

    @functools.partial(
        pl.kernel,
        mesh=mesh,
        out_type=(jax.ShapeDtypeStruct((nrows, MP // 2), jnp.int32),
                  jax.ShapeDtypeStruct((nrows, MP // 2), jnp.int32)),
        scratch_types=[
            pltpu.VMEM((bpw,), jnp.int32),
            pltpu.VMEM((_NB, _CH, MP // 2), jnp.int32),
            pltpu.VMEM((_NB, _CH, MP // 2), jnp.int32),
            pltpu.SemaphoreType.DMA,
            pltpu.SemaphoreType.DMA,
            pltpu.SemaphoreType.DMA,
            pltpu.SemaphoreType.DMA,
        ],
    )
    def gather(ts_hbm, tt_hbm, idx_hbm, os_hbm, ot_hbm,
               idx_v, bufs, buft, gsem_s, gsem_t, osem_s, osem_t):
        wid = lax.axis_index("s") * info.num_cores + lax.axis_index("c")
        base = wid * bpw
        pltpu.sync_copy(idx_hbm.at[pl.ds(base, bpw)], idx_v)

        def fire_gathers(c, slot):
            ic = idx_v.at[pl.ds(c * _CH, _CH)]
            pltpu.async_copy(ts_hbm.at[ic], bufs.at[slot], gsem_s)
            pltpu.async_copy(tt_hbm.at[ic], buft.at[slot], gsem_t)

        def drain_g(slot):
            pltpu.make_async_copy(ts_hbm.at[pl.ds(0, _CH)], bufs.at[slot],
                                  gsem_s).wait()
            pltpu.make_async_copy(tt_hbm.at[pl.ds(0, _CH)], buft.at[slot],
                                  gsem_t).wait()

        def drain_o(slot):
            pltpu.make_async_copy(bufs.at[slot], os_hbm.at[pl.ds(0, _CH)],
                                  osem_s).wait()
            pltpu.make_async_copy(buft.at[slot], ot_hbm.at[pl.ds(0, _CH)],
                                  osem_t).wait()

        for c in range(_LA):
            fire_gathers(c, c % _NB)

        def body(i, _):
            for j in range(_NB):
                c = i * _NB + j
                slot = j
                off = base + c * _CH
                drain_g(slot)
                pltpu.async_copy(bufs.at[slot], os_hbm.at[pl.ds(off, _CH)],
                                 osem_s)
                pltpu.async_copy(buft.at[slot], ot_hbm.at[pl.ds(off, _CH)],
                                 osem_t)
                cn = c + _LA

                @pl.when(cn >= _NB)
                def _():
                    drain_o((slot + _LA) % _NB)

                @pl.when(cn < nch)
                def _():
                    fire_gathers(cn, (slot + _LA) % _NB)

            return 0

        lax.fori_loop(0, nch // _NB, body, 0)
        for _ in range(_LA):
            drain_o(0)

    return gather


_BR3 = 256
_SCALE = 0.5 / (B * KNN)


def _js_body(ls_ref, lt_ref, gs_ref, gt_ref, o_ref, acc_ref):
    @pl.when(pl.program_id(0) == 0)
    def _():
        acc_ref[0, 0] = 0.0

    ls = ls_ref[...]
    lt = lt_ref[...]
    total = jnp.float32(0.0)
    def unpack(z):
        a = lax.bitcast_convert_type(z & jnp.int32(~0xFFFF), jnp.float32)
        b = lax.bitcast_convert_type(lax.shift_left(z, 16), jnp.float32)
        return jnp.concatenate([a, b], axis=1)[:, :M]

    for k in range(KNN):
        dq = ls - unpack(gs_ref[k])
        dp = lt - unpack(gt_ref[k])

        def softmax_logsoftmax(d):
            m = jnp.max(d, axis=1, keepdims=True)
            e = jnp.exp(d - m)
            s = jnp.sum(e, axis=1, keepdims=True)
            return e / s, (d - m) - jnp.log(s)

        q, logq = softmax_logsoftmax(dq)
        p, logp = softmax_logsoftmax(dp)
        logmean = jnp.log((q + p) * 0.5)
        contrib = q * (logq - logmean) + p * (logp - logmean)
        total = total + jnp.sum(contrib)
    acc_ref[0, 0] += total

    @pl.when(pl.program_id(0) == pl.num_programs(0) - 1)
    def _():
        o_ref[0, 0] = acc_ref[0, 0] * _SCALE


def _js_loss(ls, lt, gs, gt, row0, nrows):
    blk0 = row0 // _BR3
    out = pl.pallas_call(
        _js_body,
        grid=(nrows // _BR3,),
        in_specs=[
            pl.BlockSpec((_BR3, M), lambda i: (i + blk0, 0)),
            pl.BlockSpec((_BR3, M), lambda i: (i + blk0, 0)),
            pl.BlockSpec((KNN, _BR3, MP // 2), lambda i: (0, i, 0)),
            pl.BlockSpec((KNN, _BR3, MP // 2), lambda i: (0, i, 0)),
        ],
        out_specs=pl.BlockSpec(memory_space=pltpu.SMEM),
        out_shape=jax.ShapeDtypeStruct((1, 1), jnp.float32),
        scratch_shapes=[pltpu.SMEM((1, 1), jnp.float32)],
    )(ls, lt, gs, gt)
    return out[0, 0]


_NSPLIT = 2
_HB = B // _NSPLIT


def kernel(logits_s, logits_t):
    t_norm, ls_p, lt_p = _normalize(logits_s, logits_t)
    gather = _make_gather(_HB * KNN)

    partials = []
    for h in range(_NSPLIT):
        idx128 = _top4(logits_t, t_norm, h * _HB, _HB)
        flat_idx = idx128[:, :KNN].T.reshape(-1)
        gs_flat, gt_flat = gather(ls_p, lt_p, flat_idx)
        gs = gs_flat.reshape(KNN, _HB, MP // 2)
        gt = gt_flat.reshape(KNN, _HB, MP // 2)
        partials.append(_js_loss(logits_s, logits_t, gs, gt, h * _HB, _HB))
    return sum(partials)

# --- scband reference (transcript-rebuilt; emitter-appended) ---
"""Pipeline reference for scband-nlrdloss-58248346468819 (READ-ONLY COPY).

The authoritative reference and input builder live on the scoring server;
editing this copy changes nothing except your own understanding.
"""

import jax, jax.numpy as jnp
import numpy as np

K = 4
LAMBDA1 = 1.0


def setup_inputs(seed: int = 0) -> dict:
    key = jax.random.key(seed)
    k1, k2 = jax.random.split(key)
    logits_s = jax.random.normal(k1, (4096, 1000), dtype=jnp.float32)
    logits_t = jax.random.normal(k2, (4096, 1000), dtype=jnp.float32)
    return {"logits_s": logits_s, "logits_t": logits_t}


def reference(logits_s, logits_t):
    b = logits_t.shape[0]
    # angle(): cosine similarity between normalized teacher logits, sorted descending
    norm = jnp.clip(jnp.linalg.norm(logits_t, axis=1, keepdims=True), 1e-12, None)
    t = logits_t / norm
    cosine = jnp.matmul(t, t.T)
    idx = jnp.argsort(-cosine, axis=1)  # descending sort indices
    nebor_idx = idx[:, 1:K + 1]  # [b, K], skip self (most similar)

    # compute_relation_loss(): gather neighbor logits -> [b, K, M]
    nebor_s_p = jnp.take(logits_s, nebor_idx, axis=0)
    nebor_t_p = jnp.take(logits_t, nebor_idx, axis=0)
    l_s = logits_s[:, None, :]
    l_t = logits_t[:, None, :]
    res_s_diff = l_s - nebor_s_p
    res_t_diff = l_t - nebor_t_p

    # js_div(): JS(P||Q) = 0.5*KL(Q||M) + 0.5*KL(P||M), M=(P+Q)/2
    q = jax.nn.softmax(res_s_diff, axis=2)
    p = jax.nn.softmax(res_t_diff, axis=2)
    log_mean = jnp.log((q + p) / 2.0)
    # torch F.kl_div(input=log_mean, target=x, reduction='sum') = sum(x*(log(x)-log_mean))
    kl_q = jnp.sum(q * (jnp.log(q) - log_mean))
    kl_p = jnp.sum(p * (jnp.log(p) - log_mean))
    js = (kl_q + kl_p) / 2.0
    loss_nebor_res = js / (b * K)
    return LAMBDA1 * loss_nebor_res

if __name__ == "__main__":
    import jax
    _d = setup_inputs()
    print(jax.jit(kernel)(*tuple(_d.values())))

</pallas_src>

<mosaic_0001>
#map = affine_map<(d0, d1) -> (0, 0)>
#map1 = affine_map<(d0, d1) -> (0)>
module attributes {stable_mosaic.version = 14 : i64} {
  func.func @gather(%arg0: i32, %arg1: i32, %arg2: memref<4096x512xi32, #tpu.memory_space<hbm>>, %arg3: memref<4096x512xi32, #tpu.memory_space<hbm>>, %arg4: memref<8192xi32, #tpu.memory_space<hbm>>, %arg5: memref<8192x512xi32, #tpu.memory_space<hbm>>, %arg6: memref<8192x512xi32, #tpu.memory_space<hbm>>, %arg7: memref<256xi32, #tpu.memory_space<vmem>>, %arg8: memref<4x8x512xi32, #tpu.memory_space<vmem>>, %arg9: memref<4x8x512xi32, #tpu.memory_space<vmem>>, %arg10: memref<!tpu.dma_semaphore, #tpu.memory_space<semaphore_mem>>, %arg11: memref<!tpu.dma_semaphore, #tpu.memory_space<semaphore_mem>>, %arg12: memref<!tpu.dma_semaphore, #tpu.memory_space<semaphore_mem>>, %arg13: memref<!tpu.dma_semaphore, #tpu.memory_space<semaphore_mem>>) attributes {dimension_semantics = [#tpu.dimension_semantics<core_parallel>, #tpu.dimension_semantics<subcore_parallel>], iteration_bounds = array<i64: 2, 16>, scalar_prefetch = 0 : i64, scratch_operands = 7 : i64, tpu.core_type = #tpu.core_type<sc_vector_subcore>, window_params = [{transform_indices = #map}, {transform_indices = #map}, {transform_indices = #map1}, {transform_indices = #map}, {transform_indices = #map}]} {
    %mul3A = arith.constant 2 : i32
    %mul3A_0 = arith.muli %arg1, %mul3A : i32
    %add3A = arith.addi %mul3A_0, %arg0 : i32
    %mul3A_1 = arith.constant 256 : i32
    %mul3A_2 = arith.muli %add3A, %mul3A_1 : i32
    "tpu.region"() ({
      %run_scoped3A = tpu.sem_alloc : memref<!tpu.dma_semaphore, #tpu.memory_space<semaphore_mem>>
      %dma_start3A_107 = tpu.memref_slice %arg4[%mul3A_2] : memref<8192xi32, #tpu.memory_space<hbm>> -> memref<256xi32, #tpu.memory_space<hbm>>
      %dma_start3A_108 = tpu.memref_slice %arg4[%mul3A_2] : memref<8192xi32, #tpu.memory_space<hbm>> -> memref<256xi32, #tpu.memory_space<hbm>>
      tpu.enqueue_dma source(%dma_start3A_108 : memref<256xi32, #tpu.memory_space<hbm>>) target(%arg7 : memref<256xi32, #tpu.memory_space<vmem>>) target_semaphore(%run_scoped3A : memref<!tpu.dma_semaphore, #tpu.memory_space<semaphore_mem>>)
      %dma_wait3A_109 = tpu.memref_slice %arg4[%mul3A_2] : memref<8192xi32, #tpu.memory_space<hbm>> -> memref<256xi32, #tpu.memory_space<hbm>>
      %dma_wait3A_110 = tpu.memref_slice %arg4[%mul3A_2] : memref<8192xi32, #tpu.memory_space<hbm>> -> memref<256xi32, #tpu.memory_space<hbm>>
      tpu.wait_dma2 semaphore(%run_scoped3A : memref<!tpu.dma_semaphore, #tpu.memory_space<semaphore_mem>>) src(%dma_wait3A_110 : memref<256xi32, #tpu.memory_space<hbm>>) dst(%arg7 : memref<256xi32, #tpu.memory_space<vmem>>)
      tpu.yield
    }) : () -> ()
    %dma_start3A = arith.constant 0 : i32
    %dma_start3A_3 = arith.constant 0 : i32
    %dma_start3A_4 = arith.constant 0 : i32
    %dma_start3A_5 = tpu.memref_slice %arg8[%dma_start3A, %dma_start3A_3, %dma_start3A_4] : memref<4x8x512xi32, #tpu.memory_space<vmem>> -> memref<1x8x512xi32, #tpu.memory_space<vmem>>
    %dma_start3A_6 = tpu.memref_squeeze %dma_start3A_5 : memref<1x8x512xi32, #tpu.memory_space<vmem>> -> memref<8x512xi32, #tpu.memory_space<vmem>>
    %dma_start3A_7 = arith.constant 0 : i32
    %dma_start3A_8 = tpu.memref_slice %arg7[%dma_start3A_7] : memref<256xi32, #tpu.memory_space<vmem>> -> memref<8xi32, #tpu.memory_space<vmem>>
    %dma_start3A_9 = arith.constant 0 : i32
    %dma_start3A_10 = arith.constant 0 : i32
    %dma_start3A_11 = tpu.memref_slice %arg2[%dma_start3A_9, %dma_start3A_10] : memref<4096x512xi32, #tpu.memory_space<hbm>> -> memref<4096x512xi32, #tpu.memory_space<hbm>>
    tpu.enqueue_indirect_dma source(%dma_start3A_11 : memref<4096x512xi32, #tpu.memory_space<hbm>>) target(%dma_start3A_6 : memref<8x512xi32, #tpu.memory_space<vmem>>) offsets(%dma_start3A_8 : memref<8xi32, #tpu.memory_space<vmem>>) semaphore(%arg10 : memref<!tpu.dma_semaphore, #tpu.memory_space<semaphore_mem>>)
    %dma_start3A_12 = arith.constant 0 : i32
    %dma_start3A_13 = arith.constant 0 : i32
    %dma_start3A_14 = arith.constant 0 : i32
    %dma_start3A_15 = tpu.memref_slice %arg9[%dma_start3A_12, %dma_start3A_13, %dma_start3A_14] : memref<4x8x512xi32, #tpu.memory_space<vmem>> -> memref<1x8x512xi32, #tpu.memory_space<vmem>>
    %dma_start3A_16 = tpu.memref_squeeze %dma_start3A_15 : memref<1x8x512xi32, #tpu.memory_space<vmem>> -> memref<8x512xi32, #tpu.memory_space<vmem>>
    %dma_start3A_17 = arith.constant 0 : i32
    %dma_start3A_18 = tpu.memref_slice %arg7[%dma_start3A_17] : memref<256xi32, #tpu.memory_space<vmem>> -> memref<8xi32, #tpu.memory_space<vmem>>
    %dma_start3A_19 = arith.constant 0 : i32
    %dma_start3A_20 = arith.constant 0 : i32
    %dma_start3A_21 = tpu.memref_slice %arg3[%dma_start3A_19, %dma_start3A_20] : memref<4096x512xi32, #tpu.memory_space<hbm>> -> memref<4096x512xi32, #tpu.memory_space<hbm>>
    tpu.enqueue_indirect_dma source(%dma_start3A_21 : memref<4096x512xi32, #tpu.memory_space<hbm>>) target(%dma_start3A_16 : memref<8x512xi32, #tpu.memory_space<vmem>>) offsets(%dma_start3A_18 : memref<8xi32, #tpu.memory_space<vmem>>) semaphore(%arg11 : memref<!tpu.dma_semaphore, #tpu.memory_space<semaphore_mem>>)
    %dma_start3A_22 = arith.constant 1 : i32
    %dma_start3A_23 = arith.constant 0 : i32
    %dma_start3A_24 = arith.constant 0 : i32
    %dma_start3A_25 = tpu.memref_slice %arg8[%dma_start3A_22, %dma_start3A_23, %dma_start3A_24] : memref<4x8x512xi32, #tpu.memory_space<vmem>> -> memref<1x8x512xi32, #tpu.memory_space<vmem>>
    %dma_start3A_26 = tpu.memref_squeeze %dma_start3A_25 : memref<1x8x512xi32, #tpu.memory_space<vmem>> -> memref<8x512xi32, #tpu.memory_space<vmem>>
    %dma_start3A_27 = arith.constant 8 : i32
    %dma_start3A_28 = tpu.memref_slice %arg7[%dma_start3A_27] : memref<256xi32, #tpu.memory_space<vmem>> -> memref<8xi32, #tpu.memory_space<vmem>>
    %dma_start3A_29 = arith.constant 0 : i32
    %dma_start3A_30 = arith.constant 0 : i32
    %dma_start3A_31 = tpu.memref_slice %arg2[%dma_start3A_29, %dma_start3A_30] : memref<4096x512xi32, #tpu.memory_space<hbm>> -> memref<4096x512xi32, #tpu.memory_space<hbm>>
    tpu.enqueue_indirect_dma source(%dma_start3A_31 : memref<4096x512xi32, #tpu.memory_space<hbm>>) target(%dma_start3A_26 : memref<8x512xi32, #tpu.memory_space<vmem>>) offsets(%dma_start3A_28 : memref<8xi32, #tpu.memory_space<vmem>>) semaphore(%arg10 : memref<!tpu.dma_semaphore, #tpu.memory_space<semaphore_mem>>)
    %dma_start3A_32 = arith.constant 1 : i32
    %dma_start3A_33 = arith.constant 0 : i32
    %dma_start3A_34 = arith.constant 0 : i32
    %dma_start3A_35 = tpu.memref_slice %arg9[%dma_start3A_32, %dma_start3A_33, %dma_start3A_34] : memref<4x8x512xi32, #tpu.memory_space<vmem>> -> memref<1x8x512xi32, #tpu.memory_space<vmem>>
    %dma_start3A_36 = tpu.memref_squeeze %dma_start3A_35 : memref<1x8x512xi32, #tpu.memory_space<vmem>> -> memref<8x512xi32, #tpu.memory_space<vmem>>
    %dma_start3A_37 = arith.constant 8 : i32
    %dma_start3A_38 = tpu.memref_slice %arg7[%dma_start3A_37] : memref<256xi32, #tpu.memory_space<vmem>> -> memref<8xi32, #tpu.memory_space<vmem>>
    %dma_start3A_39 = arith.constant 0 : i32
    %dma_start3A_40 = arith.constant 0 : i32
    %dma_start3A_41 = tpu.memref_slice %arg3[%dma_start3A_39, %dma_start3A_40] : memref<4096x512xi32, #tpu.memory_space<hbm>> -> memref<4096x512xi32, #tpu.memory_space<hbm>>
    tpu.enqueue_indirect_dma source(%dma_start3A_41 : memref<4096x512xi32, #tpu.memory_space<hbm>>) target(%dma_start3A_36 : memref<8x512xi32, #tpu.memory_space<vmem>>) offsets(%dma_start3A_38 : memref<8xi32, #tpu.memory_space<vmem>>) semaphore(%arg11 : memref<!tpu.dma_semaphore, #tpu.memory_space<semaphore_mem>>)
    %scan3A = arith.constant 0 : i32
    %scan3A_42 = arith.constant 0 : i32
    %scan3A_43 = arith.constant 8 : i32
    %scan3A_44 = arith.addi %scan3A_42, %scan3A_43 : i32
    %scan3A_45 = arith.constant 1 : i32
    %scan3A_46 = scf.for %scan3A_107 = %scan3A_42 to %scan3A_44 step %scan3A_45 iter_args(%scan3A_108 = %scan3A) -> (i32)  : i32 {
      %mul3A_109 = arith.constant 4 : i32
      %mul3A_110 = arith.muli %scan3A_107, %mul3A_109 : i32
      %add3A_111 = arith.constant 0 : i32
      %add3A_112 = arith.addi %mul3A_110, %add3A_111 : i32
      %mul3A_113 = arith.constant 8 : i32
      %mul3A_114 = arith.muli %add3A_112, %mul3A_113 : i32
      %add3A_115 = arith.addi %mul3A_2, %mul3A_114 : i32
      %dma_wait3A_116 = arith.constant 0 : i32
      %dma_wait3A_117 = arith.constant 0 : i32
      %dma_wait3A_118 = arith.constant 0 : i32
      %dma_wait3A_119 = tpu.memref_slice %arg8[%dma_wait3A_116, %dma_wait3A_117, %dma_wait3A_118] : memref<4x8x512xi32, #tpu.memory_space<vmem>> -> memref<1x8x512xi32, #tpu.memory_space<vmem>>
      %dma_wait3A_120 = tpu.memref_squeeze %dma_wait3A_119 : memref<1x8x512xi32, #tpu.memory_space<vmem>> -> memref<8x512xi32, #tpu.memory_space<vmem>>
      %dma_wait3A_121 = arith.constant 0 : i32
      %dma_wait3A_122 = arith.constant 0 : i32
      %dma_wait3A_123 = tpu.memref_slice %arg2[%dma_wait3A_121, %dma_wait3A_122] : memref<4096x512xi32, #tpu.memory_space<hbm>> -> memref<8x512xi32, #tpu.memory_space<hbm>>
      %dma_wait3A_124 = arith.constant 0 : i32
      %dma_wait3A_125 = arith.constant 0 : i32
      %dma_wait3A_126 = tpu.memref_slice %arg8[%dma_wait3A_116, %dma_wait3A_124, %dma_wait3A_125] : memref<4x8x512xi32, #tpu.memory_space<vmem>> -> memref<1x8x512xi32, #tpu.memory_space<vmem>>
      %dma_wait3A_127 = tpu.memref_squeeze %dma_wait3A_126 : memref<1x8x512xi32, #tpu.memory_space<vmem>> -> memref<8x512xi32, #tpu.memory_space<vmem>>
      %dma_wait3A_128 = arith.constant 0 : i32
      %dma_wait3A_129 = arith.constant 0 : i32
      %dma_wait3A_130 = tpu.memref_slice %arg2[%dma_wait3A_128, %dma_wait3A_129] : memref<4096x512xi32, #tpu.memory_space<hbm>> -> memref<8x512xi32, #tpu.memory_space<hbm>>
      tpu.wait_dma2 semaphore(%arg10 : memref<!tpu.dma_semaphore, #tpu.memory_space<semaphore_mem>>) src(%dma_wait3A_130 : memref<8x512xi32, #tpu.memory_space<hbm>>) dst(%dma_wait3A_127 : memref<8x512xi32, #tpu.memory_space<vmem>>)
      %dma_wait3A_131 = arith.constant 0 : i32
      %dma_wait3A_132 = arith.constant 0 : i32
      %dma_wait3A_133 = arith.constant 0 : i32
      %dma_wait3A_134 = tpu.memref_slice %arg9[%dma_wait3A_131, %dma_wait3A_132, %dma_wait3A_133] : memref<4x8x512xi32, #tpu.memory_space<vmem>> -> memref<1x8x512xi32, #tpu.memory_space<vmem>>
      %dma_wait3A_135 = tpu.memref_squeeze %dma_wait3A_134 : memref<1x8x512xi32, #tpu.memory_space<vmem>> -> memref<8x512xi32, #tpu.memory_space<vmem>>
      %dma_wait3A_136 = arith.constant 0 : i32
      %dma_wait3A_137 = arith.constant 0 : i32
      %dma_wait3A_138 = tpu.memref_slice %arg3[%dma_wait3A_136, %dma_wait3A_137] : memref<4096x512xi32, #tpu.memory_space<hbm>> -> memref<8x512xi32, #tpu.memory_space<hbm>>
      %dma_wait3A_139 = arith.constant 0 : i32
      %dma_wait3A_140 = arith.constant 0 : i32
      %dma_wait3A_141 = tpu.memref_slice %arg9[%dma_wait3A_131, %dma_wait3A_139, %dma_wait3A_140] : memref<4x8x512xi32, #tpu.memory_space<vmem>> -> memref<1x8x512xi32, #tpu.memory_space<vmem>>
      %dma_wait3A_142 = tpu.memref_squeeze %dma_wait3A_141 : memref<1x8x512xi32, #tpu.memory_space<vmem>> -> memref<8x512xi32, #tpu.memory_space<vmem>>
      %dma_wait3A_143 = arith.constant 0 : i32
      %dma_wait3A_144 = arith.constant 0 : i32
      %dma_wait3A_145 = tpu.memref_slice %arg3[%dma_wait3A_143, %dma_wait3A_144] : memref<4096x512xi32, #tpu.memory_space<hbm>> -> memref<8x512xi32, #tpu.memory_space<hbm>>
      tpu.wait_dma2 semaphore(%arg11 : memref<!tpu.dma_semaphore, #tpu.memory_space<semaphore_mem>>) src(%dma_wait3A_145 : memref<8x512xi32, #tpu.memory_space<hbm>>) dst(%dma_wait3A_142 : memref<8x512xi32, #tpu.memory_space<vmem>>)
      %dma_start3A_146 = arith.constant 0 : i32
      %dma_start3A_147 = arith.constant 0 : i32
      %dma_start3A_148 = arith.constant 0 : i32
      %dma_start3A_149 = tpu.memref_slice %arg8[%dma_start3A_146, %dma_start3A_147, %dma_start3A_148] : memref<4x8x512xi32, #tpu.memory_space<vmem>> -> memref<1x8x512xi32, #tpu.memory_space<vmem>>
      %dma_start3A_150 = tpu.memref_squeeze %dma_start3A_149 : memref<1x8x512xi32, #tpu.memory_space<vmem>> -> memref<8x512xi32, #tpu.memory_space<vmem>>
      %dma_start3A_151 = arith.constant 0 : i32
      %dma_start3A_152 = tpu.memref_slice %arg5[%add3A_115, %dma_start3A_151] : memref<8192x512xi32, #tpu.memory_space<hbm>> -> memref<8x512xi32, #tpu.memory_space<hbm>>
      %dma_start3A_153 = arith.constant 0 : i32
      %dma_start3A_154 = tpu.memref_slice %arg5[%add3A_115, %dma_start3A_153] : memref<8192x512xi32, #tpu.memory_space<hbm>> -> memref<8x512xi32, #tpu.memory_space<hbm>>
      %dma_start3A_155 = arith.constant 0 : i32
      %dma_start3A_156 = arith.constant 0 : i32
      %dma_start3A_157 = tpu.memref_slice %arg8[%dma_start3A_146, %dma_start3A_155, %dma_start3A_156] : memref<4x8x512xi32, #tpu.memory_space<vmem>> -> memref<1x8x512xi32, #tpu.memory_space<vmem>>
      %dma_start3A_158 = tpu.memref_squeeze %dma_start3A_157 : memref<1x8x512xi32, #tpu.memory_space<vmem>> -> memref<8x512xi32, #tpu.memory_space<vmem>>
      tpu.enqueue_dma source(%dma_start3A_158 : memref<8x512xi32, #tpu.memory_space<vmem>>) target(%dma_start3A_154 : memref<8x512xi32, #tpu.memory_space<hbm>>) target_semaphore(%arg12 : memref<!tpu.dma_semaphore, #tpu.memory_space<semaphore_mem>>)
      %dma_start3A_159 = arith.constant 0 : i32
      %dma_start3A_160 = arith.constant 0 : i32
      %dma_start3A_161 = arith.constant 0 : i32
      %dma_start3A_162 = tpu.memref_slice %arg9[%dma_start3A_159, %dma_start3A_160, %dma_start3A_161] : memref<4x8x512xi32, #tpu.memory_space<vmem>> -> memref<1x8x512xi32, #tpu.memory_space<vmem>>
      %dma_start3A_163 = tpu.memref_squeeze %dma_start3A_162 : memref<1x8x512xi32, #tpu.memory_space<vmem>> -> memref<8x512xi32, #tpu.memory_space<vmem>>
      %dma_start3A_164 = arith.constant 0 : i32
      %dma_start3A_165 = tpu.memref_slice %arg6[%add3A_115, %dma_start3A_164] : memref<8192x512xi32, #tpu.memory_space<hbm>> -> memref<8x512xi32, #tpu.memory_space<hbm>>
      %dma_start3A_166 = arith.constant 0 : i32
      %dma_start3A_167 = tpu.memref_slice %arg6[%add3A_115, %dma_start3A_166] : memref<8192x512xi32, #tpu.memory_space<hbm>> -> memref<8x512xi32, #tpu.memory_space<hbm>>
      %dma_start3A_168 = arith.constant 0 : i32
      %dma_start3A_169 = arith.constant 0 : i32
      %dma_start3A_170 = tpu.memref_slice %arg9[%dma_start3A_159, %dma_start3A_168, %dma_start3A_169] : memref<4x8x512xi32, #tpu.memory_space<vmem>> -> memref<1x8x512xi32, #tpu.memory_space<vmem>>
      %dma_start3A_171 = tpu.memref_squeeze %dma_start3A_170 : memref<1x8x512xi32, #tpu.memory_space<vmem>> -> memref<8x512xi32, #tpu.memory_space<vmem>>
      tpu.enqueue_dma source(%dma_start3A_171 : memref<8x512xi32, #tpu.memory_space<vmem>>) target(%dma_start3A_167 : memref<8x512xi32, #tpu.memory_space<hbm>>) target_semaphore(%arg13 : memref<!tpu.dma_semaphore, #tpu.memory_space<semaphore_mem>>)
      %add3A_172 = arith.constant 2 : i32
      %add3A_173 = arith.addi %add3A_112, %add3A_172 : i32
      %ge3A = arith.constant 4 : i32
      %ge3A_174 = arith.cmpi sge, %add3A_173, %ge3A : i32
      %convert_element_type3A = arith.extui %ge3A_174 : i1 to i32
      %cond3A = arith.constant 0 : i32
      %cond3A_175 = arith.cmpi ne, %convert_element_type3A, %cond3A : i32
      scf.if %cond3A_175 {
        %dma_wait3A_406 = arith.constant 2 : i32
        %dma_wait3A_407 = arith.constant 0 : i32
        %dma_wait3A_408 = arith.constant 0 : i32
        %dma_wait3A_409 = tpu.memref_slice %arg8[%dma_wait3A_406, %dma_wait3A_407, %dma_wait3A_408] : memref<4x8x512xi32, #tpu.memory_space<vmem>> -> memref<1x8x512xi32, #tpu.memory_space<vmem>>
        %dma_wait3A_410 = tpu.memref_squeeze %dma_wait3A_409 : memref<1x8x512xi32, #tpu.memory_space<vmem>> -> memref<8x512xi32, #tpu.memory_space<vmem>>
        %dma_wait3A_411 = arith.constant 0 : i32
        %dma_wait3A_412 = arith.constant 0 : i32
        %dma_wait3A_413 = tpu.memref_slice %arg5[%dma_wait3A_411, %dma_wait3A_412] : memref<8192x512xi32, #tpu.memory_space<hbm>> -> memref<8x512xi32, #tpu.memory_space<hbm>>
        %dma_wait3A_414 = arith.constant 0 : i32
        %dma_wait3A_415 = arith.constant 0 : i32
        %dma_wait3A_416 = tpu.memref_slice %arg5[%dma_wait3A_414, %dma_wait3A_415] : memref<8192x512xi32, #tpu.memory_space<hbm>> -> memref<8x512xi32, #tpu.memory_space<hbm>>
        %dma_wait3A_417 = arith.constant 0 : i32
        %dma_wait3A_418 = arith.constant 0 : i32
        %dma_wait3A_419 = tpu.memref_slice %arg8[%dma_wait3A_406, %dma_wait3A_417, %dma_wait3A_418] : memref<4x8x512xi32, #tpu.memory_space<vmem>> -> memref<1x8x512xi32, #tpu.memory_space<vmem>>
        %dma_wait3A_420 = tpu.memref_squeeze %dma_wait3A_419 : memref<1x8x512xi32, #tpu.memory_space<vmem>> -> memref<8x512xi32, #tpu.memory_space<vmem>>
        tpu.wait_dma2 semaphore(%arg12 : memref<!tpu.dma_semaphore, #tpu.memory_space<semaphore_mem>>) src(%dma_wait3A_420 : memref<8x512xi32, #tpu.memory_space<vmem>>) dst(%dma_wait3A_416 : memref<8x512xi32, #tpu.memory_space<hbm>>)
        %dma_wait3A_421 = arith.constant 2 : i32
        %dma_wait3A_422 = arith.constant 0 : i32
        %dma_wait3A_423 = arith.constant 0 : i32
        %dma_wait3A_424 = tpu.memref_slice %arg9[%dma_wait3A_421, %dma_wait3A_422, %dma_wait3A_423] : memref<4x8x512xi32, #tpu.memory_space<vmem>> -> memref<1x8x512xi32, #tpu.memory_space<vmem>>
        %dma_wait3A_425 = tpu.memref_squeeze %dma_wait3A_424 : memref<1x8x512xi32, #tpu.memory_space<vmem>> -> memref<8x512xi32, #tpu.memory_space<vmem>>
        %dma_wait3A_426 = arith.constant 0 : i32
        %dma_wait3A_427 = arith.constant 0 : i32
        %dma_wait3A_428 = tpu.memref_slice %arg6[%dma_wait3A_426, %dma_wait3A_427] : memref<8192x512xi32, #tpu.memory_space<hbm>> -> memref<8x512xi32, #tpu.memory_space<hbm>>
        %dma_wait3A_429 = arith.constant 0 : i32
        %dma_wait3A_430 = arith.constant 0 : i32
        %dma_wait3A_431 = tpu.memref_slice %arg6[%dma_wait3A_429, %dma_wait3A_430] : memref<8192x512xi32, #tpu.memory_space<hbm>> -> memref<8x512xi32, #tpu.memory_space<hbm>>
        %dma_wait3A_432 = arith.constant 0 : i32
        %dma_wait3A_433 = arith.constant 0 : i32
        %dma_wait3A_434 = tpu.memref_slice %arg9[%dma_wait3A_421, %dma_wait3A_432, %dma_wait3A_433] : memref<4x8x512xi32, #tpu.memory_space<vmem>> -> memref<1x8x512xi32, #tpu.memory_space<vmem>>
        %dma_wait3A_435 = tpu.memref_squeeze %dma_wait3A_434 : memref<1x8x512xi32, #tpu.memory_space<vmem>> -> memref<8x512xi32, #tpu.memory_space<vmem>>
        tpu.wait_dma2 semaphore(%arg13 : memref<!tpu.dma_semaphore, #tpu.memory_space<semaphore_mem>>) src(%dma_wait3A_435 : memref<8x512xi32, #tpu.memory_space<vmem>>) dst(%dma_wait3A_431 : memref<8x512xi32, #tpu.memory_space<hbm>>)
      } else {
      }
      %lt3A = arith.constant 32 : i32
      %lt3A_176 = arith.cmpi slt, %add3A_173, %lt3A : i32
      %convert_element_type3A_177 = arith.extui %lt3A_176 : i1 to i32
      %cond3A_178 = arith.constant 0 : i32
      %cond3A_179 = arith.cmpi ne, %convert_element_type3A_177, %cond3A_178 : i32
      scf.if %cond3A_179 {
        %mul3A_406 = arith.constant 8 : i32
        %mul3A_407 = arith.muli %add3A_173, %mul3A_406 : i32
        %dma_start3A_408 = arith.constant 2 : i32
        %dma_start3A_409 = arith.constant 0 : i32
        %dma_start3A_410 = arith.constant 0 : i32
        %dma_start3A_411 = tpu.memref_slice %arg8[%dma_start3A_408, %dma_start3A_409, %dma_start3A_410] : memref<4x8x512xi32, #tpu.memory_space<vmem>> -> memref<1x8x512xi32, #tpu.memory_space<vmem>>
        %dma_start3A_412 = tpu.memref_squeeze %dma_start3A_411 : memref<1x8x512xi32, #tpu.memory_space<vmem>> -> memref<8x512xi32, #tpu.memory_space<vmem>>
        %dma_start3A_413 = tpu.memref_slice %arg7[%mul3A_407] : memref<256xi32, #tpu.memory_space<vmem>> -> memref<8xi32, #tpu.memory_space<vmem>>
        %dma_start3A_414 = arith.constant 0 : i32
        %dma_start3A_415 = arith.constant 0 : i32
        %dma_start3A_416 = tpu.memref_slice %arg2[%dma_start3A_414, %dma_start3A_415] : memref<4096x512xi32, #tpu.memory_space<hbm>> -> memref<4096x512xi32, #tpu.memory_space<hbm>>
        tpu.enqueue_indirect_dma source(%dma_start3A_416 : memref<4096x512xi32, #tpu.memory_space<hbm>>) target(%dma_start3A_412 : memref<8x512xi32, #tpu.memory_space<vmem>>) offsets(%dma_start3A_413 : memref<8xi32, #tpu.memory_space<vmem>>) semaphore(%arg10 : memref<!tpu.dma_semaphore, #tpu.memory_space<semaphore_mem>>)
        %dma_start3A_417 = arith.constant 2 : i32
        %dma_start3A_418 = arith.constant 0 : i32
        %dma_start3A_419 = arith.constant 0 : i32
        %dma_start3A_420 = tpu.memref_slice %arg9[%dma_start3A_417, %dma_start3A_418, %dma_start3A_419] : memref<4x8x512xi32, #tpu.memory_space<vmem>> -> memref<1x8x512xi32, #tpu.memory_space<vmem>>
        %dma_start3A_421 = tpu.memref_squeeze %dma_start3A_420 : memref<1x8x512xi32, #tpu.memory_space<vmem>> -> memref<8x512xi32, #tpu.memory_space<vmem>>
        %dma_start3A_422 = tpu.memref_slice %arg7[%mul3A_407] : memref<256xi32, #tpu.memory_space<vmem>> -> memref<8xi32, #tpu.memory_space<vmem>>
        %dma_start3A_423 = arith.constant 0 : i32
        %dma_start3A_424 = arith.constant 0 : i32
        %dma_start3A_425 = tpu.memref_slice %arg3[%dma_start3A_423, %dma_start3A_424] : memref<4096x512xi32, #tpu.memory_space<hbm>> -> memref<4096x512xi32, #tpu.memory_space<hbm>>
        tpu.enqueue_indirect_dma source(%dma_start3A_425 : memref<4096x512xi32, #tpu.memory_space<hbm>>) target(%dma_start3A_421 : memref<8x512xi32, #tpu.memory_space<vmem>>) offsets(%dma_start3A_422 : memref<8xi32, #tpu.memory_space<vmem>>) semaphore(%arg11 : memref<!tpu.dma_semaphore, #tpu.memory_space<semaphore_mem>>)
      } else {
      }
      %mul3A_180 = arith.constant 4 : i32
      %mul3A_181 = arith.muli %scan3A_107, %mul3A_180 : i32
      %add3A_182 = arith.constant 1 : i32
      %add3A_183 = arith.addi %mul3A_181, %add3A_182 : i32
      %mul3A_184 = arith.constant 8 : i32
      %mul3A_185 = arith.muli %add3A_183, %mul3A_184 : i32
      %add3A_186 = arith.addi %mul3A_2, %mul3A_185 : i32
      %dma_wait3A_187 = arith.constant 1 : i32
      %dma_wait3A_188 = arith.constant 0 : i32
      %dma_wait3A_189 = arith.constant 0 : i32
      %dma_wait3A_190 = tpu.memref_slice %arg8[%dma_wait3A_187, %dma_wait3A_188, %dma_wait3A_189] : memref<4x8x512xi32, #tpu.memory_space<vmem>> -> memref<1x8x512xi32, #tpu.memory_space<vmem>>
      %dma_wait3A_191 = tpu.memref_squeeze %dma_wait3A_190 : memref<1x8x512xi32, #tpu.memory_space<vmem>> -> memref<8x512xi32, #tpu.memory_space<vmem>>
      %dma_wait3A_192 = arith.constant 0 : i32
      %dma_wait3A_193 = arith.constant 0 : i32
      %dma_wait3A_194 = tpu.memref_slice %arg2[%dma_wait3A_192, %dma_wait3A_193] : memref<4096x512xi32, #tpu.memory_space<hbm>> -> memref<8x512xi32, #tpu.memory_space<hbm>>
      %dma_wait3A_195 = arith.constant 0 : i32
      %dma_wait3A_196 = arith.constant 0 : i32
      %dma_wait3A_197 = tpu.memref_slice %arg8[%dma_wait3A_187, %dma_wait3A_195, %dma_wait3A_196] : memref<4x8x512xi32, #tpu.memory_space<vmem>> -> memref<1x8x512xi32, #tpu.memory_space<vmem>>
      %dma_wait3A_198 = tpu.memref_squeeze %dma_wait3A_197 : memref<1x8x512xi32, #tpu.memory_space<vmem>> -> memref<8x512xi32, #tpu.memory_space<vmem>>
      %dma_wait3A_199 = arith.constant 0 : i32
      %dma_wait3A_200 = arith.constant 0 : i32
      %dma_wait3A_201 = tpu.memref_slice %arg2[%dma_wait3A_199, %dma_wait3A_200] : memref<4096x512xi32, #tpu.memory_space<hbm>> -> memref<8x512xi32, #tpu.memory_space<hbm>>
      tpu.wait_dma2 semaphore(%arg10 : memref<!tpu.dma_semaphore, #tpu.memory_space<semaphore_mem>>) src(%dma_wait3A_201 : memref<8x512xi32, #tpu.memory_space<hbm>>) dst(%dma_wait3A_198 : memref<8x512xi32, #tpu.memory_space<vmem>>)
      %dma_wait3A_202 = arith.constant 1 : i32
      %dma_wait3A_203 = arith.constant 0 : i32
      %dma_wait3A_204 = arith.constant 0 : i32
      %dma_wait3A_205 = tpu.memref_slice %arg9[%dma_wait3A_202, %dma_wait3A_203, %dma_wait3A_204] : memref<4x8x512xi32, #tpu.memory_space<vmem>> -> memref<1x8x512xi32, #tpu.memory_space<vmem>>
      %dma_wait3A_206 = tpu.memref_squeeze %dma_wait3A_205 : memref<1x8x512xi32, #tpu.memory_space<vmem>> -> memref<8x512xi32, #tpu.memory_space<vmem>>
      %dma_wait3A_207 = arith.constant 0 : i32
      %dma_wait3A_208 = arith.constant 0 : i32
      %dma_wait3A_209 = tpu.memref_slice %arg3[%dma_wait3A_207, %dma_wait3A_208] : memref<4096x512xi32, #tpu.memory_space<hbm>> -> memref<8x512xi32, #tpu.memory_space<hbm>>
      %dma_wait3A_210 = arith.constant 0 : i32
      %dma_wait3A_211 = arith.constant 0 : i32
      %dma_wait3A_212 = tpu.memref_slice %arg9[%dma_wait3A_202, %dma_wait3A_210, %dma_wait3A_211] : memref<4x8x512xi32, #tpu.memory_space<vmem>> -> memref<1x8x512xi32, #tpu.memory_space<vmem>>
      %dma_wait3A_213 = tpu.memref_squeeze %dma_wait3A_212 : memref<1x8x512xi32, #tpu.memory_space<vmem>> -> memref<8x512xi32, #tpu.memory_space<vmem>>
      %dma_wait3A_214 = arith.constant 0 : i32
      %dma_wait3A_215 = arith.constant 0 : i32
      %dma_wait3A_216 = tpu.memref_slice %arg3[%dma_wait3A_214, %dma_wait3A_215] : memref<4096x512xi32, #tpu.memory_space<hbm>> -> memref<8x512xi32, #tpu.memory_space<hbm>>
      tpu.wait_dma2 semaphore(%arg11 : memref<!tpu.dma_semaphore, #tpu.memory_space<semaphore_mem>>) src(%dma_wait3A_216 : memref<8x512xi32, #tpu.memory_space<hbm>>) dst(%dma_wait3A_213 : memref<8x512xi32, #tpu.memory_space<vmem>>)
      %dma_start3A_217 = arith.constant 1 : i32
      %dma_start3A_218 = arith.constant 0 : i32
      %dma_start3A_219 = arith.constant 0 : i32
      %dma_start3A_220 = tpu.memref_slice %arg8[%dma_start3A_217, %dma_start3A_218, %dma_start3A_219] : memref<4x8x512xi32, #tpu.memory_space<vmem>> -> memref<1x8x512xi32, #tpu.memory_space<vmem>>
      %dma_start3A_221 = tpu.memref_squeeze %dma_start3A_220 : memref<1x8x512xi32, #tpu.memory_space<vmem>> -> memref<8x512xi32, #tpu.memory_space<vmem>>
      %dma_start3A_222 = arith.constant 0 : i32
      %dma_start3A_223 = tpu.memref_slice %arg5[%add3A_186, %dma_start3A_222] : memref<8192x512xi32, #tpu.memory_space<hbm>> -> memref<8x512xi32, #tpu.memory_space<hbm>>
      %dma_start3A_224 = arith.constant 0 : i32
      %dma_start3A_225 = tpu.memref_slice %arg5[%add3A_186, %dma_start3A_224] : memref<8192x512xi32, #tpu.memory_space<hbm>> -> memref<8x512xi32, #tpu.memory_space<hbm>>
      %dma_start3A_226 = arith.constant 0 : i32
      %dma_start3A_227 = arith.constant 0 : i32
      %dma_start3A_228 = tpu.memref_slice %arg8[%dma_start3A_217, %dma_start3A_226, %dma_start3A_227] : memref<4x8x512xi32, #tpu.memory_space<vmem>> -> memref<1x8x512xi32, #tpu.memory_space<vmem>>
      %dma_start3A_229 = tpu.memref_squeeze %dma_start3A_228 : memref<1x8x512xi32, #tpu.memory_space<vmem>> -> memref<8x512xi32, #tpu.memory_space<vmem>>
      tpu.enqueue_dma source(%dma_start3A_229 : memref<8x512xi32, #tpu.memory_space<vmem>>) target(%dma_start3A_225 : memref<8x512xi32, #tpu.memory_space<hbm>>) target_semaphore(%arg12 : memref<!tpu.dma_semaphore, #tpu.memory_space<semaphore_mem>>)
      %dma_start3A_230 = arith.constant 1 : i32
      %dma_start3A_231 = arith.constant 0 : i32
      %dma_start3A_232 = arith.constant 0 : i32
      %dma_start3A_233 = tpu.memref_slice %arg9[%dma_start3A_230, %dma_start3A_231, %dma_start3A_232] : memref<4x8x512xi32, #tpu.memory_space<vmem>> -> memref<1x8x512xi32, #tpu.memory_space<vmem>>
      %dma_start3A_234 = tpu.memref_squeeze %dma_start3A_233 : memref<1x8x512xi32, #tpu.memory_space<vmem>> -> memref<8x512xi32, #tpu.memory_space<vmem>>
      %dma_start3A_235 = arith.constant 0 : i32
      %dma_start3A_236 = tpu.memref_slice %arg6[%add3A_186, %dma_start3A_235] : memref<8192x512xi32, #tpu.memory_space<hbm>> -> memref<8x512xi32, #tpu.memory_space<hbm>>
      %dma_start3A_237 = arith.constant 0 : i32
      %dma_start3A_238 = tpu.memref_slice %arg6[%add3A_186, %dma_start3A_237] : memref<8192x512xi32, #tpu.memory_space<hbm>> -> memref<8x512xi32, #tpu.memory_space<hbm>>
      %dma_start3A_239 = arith.constant 0 : i32
      %dma_start3A_240 = arith.constant 0 : i32
      %dma_start3A_241 = tpu.memref_slice %arg9[%dma_start3A_230, %dma_start3A_239, %dma_start3A_240] : memref<4x8x512xi32, #tpu.memory_space<vmem>> -> memref<1x8x512xi32, #tpu.memory_space<vmem>>
      %dma_start3A_242 = tpu.memref_squeeze %dma_start3A_241 : memref<1x8x512xi32, #tpu.memory_space<vmem>> -> memref<8x512xi32, #tpu.memory_space<vmem>>
      tpu.enqueue_dma source(%dma_start3A_242 : memref<8x512xi32, #tpu.memory_space<vmem>>) target(%dma_start3A_238 : memref<8x512xi32, #tpu.memory_space<hbm>>) target_semaphore(%arg13 : memref<!tpu.dma_semaphore, #tpu.memory_space<semaphore_mem>>)
      %add3A_243 = arith.constant 2 : i32
      %add3A_244 = arith.addi %add3A_183, %add3A_243 : i32
      %ge3A_245 = arith.constant 4 : i32
      %ge3A_246 = arith.cmpi sge, %add3A_244, %ge3A_245 : i32
      %convert_element_type3A_247 = arith.extui %ge3A_246 : i1 to i32
      %cond3A_248 = arith.constant 0 : i32
      %cond3A_249 = arith.cmpi ne, %convert_element_type3A_247, %cond3A_248 : i32
      scf.if %cond3A_249 {
        %dma_wait3A_406 = arith.constant 3 : i32
        %dma_wait3A_407 = arith.constant 0 : i32
        %dma_wait3A_408 = arith.constant 0 : i32
        %dma_wait3A_409 = tpu.memref_slice %arg8[%dma_wait3A_406, %dma_wait3A_407, %dma_wait3A_408] : memref<4x8x512xi32, #tpu.memory_space<vmem>> -> memref<1x8x512xi32, #tpu.memory_space<vmem>>
        %dma_wait3A_410 = tpu.memref_squeeze %dma_wait3A_409 : memref<1x8x512xi32, #tpu.memory_space<vmem>> -> memref<8x512xi32, #tpu.memory_space<vmem>>
        %dma_wait3A_411 = arith.constant 0 : i32
        %dma_wait3A_412 = arith.constant 0 : i32
        %dma_wait3A_413 = tpu.memref_slice %arg5[%dma_wait3A_411, %dma_wait3A_412] : memref<8192x512xi32, #tpu.memory_space<hbm>> -> memref<8x512xi32, #tpu.memory_space<hbm>>
        %dma_wait3A_414 = arith.constant 0 : i32
        %dma_wait3A_415 = arith.constant 0 : i32
        %dma_wait3A_416 = tpu.memref_slice %arg5[%dma_wait3A_414, %dma_wait3A_415] : memref<8192x512xi32, #tpu.memory_space<hbm>> -> memref<8x512xi32, #tpu.memory_space<hbm>>
        %dma_wait3A_417 = arith.constant 0 : i32
        %dma_wait3A_418 = arith.constant 0 : i32
        %dma_wait3A_419 = tpu.memref_slice %arg8[%dma_wait3A_406, %dma_wait3A_417, %dma_wait3A_418] : memref<4x8x512xi32, #tpu.memory_space<vmem>> -> memref<1x8x512xi32, #tpu.memory_space<vmem>>
        %dma_wait3A_420 = tpu.memref_squeeze %dma_wait3A_419 : memref<1x8x512xi32, #tpu.memory_space<vmem>> -> memref<8x512xi32, #tpu.memory_space<vmem>>
        tpu.wait_dma2 semaphore(%arg12 : memref<!tpu.dma_semaphore, #tpu.memory_space<semaphore_mem>>) src(%dma_wait3A_420 : memref<8x512xi32, #tpu.memory_space<vmem>>) dst(%dma_wait3A_416 : memref<8x512xi32, #tpu.memory_space<hbm>>)
        %dma_wait3A_421 = arith.constant 3 : i32
        %dma_wait3A_422 = arith.constant 0 : i32
        %dma_wait3A_423 = arith.constant 0 : i32
        %dma_wait3A_424 = tpu.memref_slice %arg9[%dma_wait3A_421, %dma_wait3A_422, %dma_wait3A_423] : memref<4x8x512xi32, #tpu.memory_space<vmem>> -> memref<1x8x512xi32, #tpu.memory_space<vmem>>
        %dma_wait3A_425 = tpu.memref_squeeze %dma_wait3A_424 : memref<1x8x512xi32, #tpu.memory_space<vmem>> -> memref<8x512xi32, #tpu.memory_space<vmem>>
        %dma_wait3A_426 = arith.constant 0 : i32
        %dma_wait3A_427 = arith.constant 0 : i32
        %dma_wait3A_428 = tpu.memref_slice %arg6[%dma_wait3A_426, %dma_wait3A_427] : memref<8192x512xi32, #tpu.memory_space<hbm>> -> memref<8x512xi32, #tpu.memory_space<hbm>>
        %dma_wait3A_429 = arith.constant 0 : i32
        %dma_wait3A_430 = arith.constant 0 : i32
        %dma_wait3A_431 = tpu.memref_slice %arg6[%dma_wait3A_429, %dma_wait3A_430] : memref<8192x512xi32, #tpu.memory_space<hbm>> -> memref<8x512xi32, #tpu.memory_space<hbm>>
        %dma_wait3A_432 = arith.constant 0 : i32
        %dma_wait3A_433 = arith.constant 0 : i32
        %dma_wait3A_434 = tpu.memref_slice %arg9[%dma_wait3A_421, %dma_wait3A_432, %dma_wait3A_433] : memref<4x8x512xi32, #tpu.memory_space<vmem>> -> memref<1x8x512xi32, #tpu.memory_space<vmem>>
        %dma_wait3A_435 = tpu.memref_squeeze %dma_wait3A_434 : memref<1x8x512xi32, #tpu.memory_space<vmem>> -> memref<8x512xi32, #tpu.memory_space<vmem>>
        tpu.wait_dma2 semaphore(%arg13 : memref<!tpu.dma_semaphore, #tpu.memory_space<semaphore_mem>>) src(%dma_wait3A_435 : memref<8x512xi32, #tpu.memory_space<vmem>>) dst(%dma_wait3A_431 : memref<8x512xi32, #tpu.memory_space<hbm>>)
      } else {
      }
      %lt3A_250 = arith.constant 32 : i32
      %lt3A_251 = arith.cmpi slt, %add3A_244, %lt3A_250 : i32
      %convert_element_type3A_252 = arith.extui %lt3A_251 : i1 to i32
      %cond3A_253 = arith.constant 0 : i32
      %cond3A_254 = arith.cmpi ne, %convert_element_type3A_252, %cond3A_253 : i32
      scf.if %cond3A_254 {
        %mul3A_406 = arith.constant 8 : i32
        %mul3A_407 = arith.muli %add3A_244, %mul3A_406 : i32
        %dma_start3A_408 = arith.constant 3 : i32
        %dma_start3A_409 = arith.constant 0 : i32
        %dma_start3A_410 = arith.constant 0 : i32
        %dma_start3A_411 = tpu.memref_slice %arg8[%dma_start3A_408, %dma_start3A_409, %dma_start3A_410] : memref<4x8x512xi32, #tpu.memory_space<vmem>> -> memref<1x8x512xi32, #tpu.memory_space<vmem>>
        %dma_start3A_412 = tpu.memref_squeeze %dma_start3A_411 : memref<1x8x512xi32, #tpu.memory_space<vmem>> -> memref<8x512xi32, #tpu.memory_space<vmem>>
        %dma_start3A_413 = tpu.memref_slice %arg7[%mul3A_407] : memref<256xi32, #tpu.memory_space<vmem>> -> memref<8xi32, #tpu.memory_space<vmem>>
        %dma_start3A_414 = arith.constant 0 : i32
        %dma_start3A_415 = arith.constant 0 : i32
        %dma_start3A_416 = tpu.memref_slice %arg2[%dma_start3A_414, %dma_start3A_415] : memref<4096x512xi32, #tpu.memory_space<hbm>> -> memref<4096x512xi32, #tpu.memory_space<hbm>>
        tpu.enqueue_indirect_dma source(%dma_start3A_416 : memref<4096x512xi32, #tpu.memory_space<hbm>>) target(%dma_start3A_412 : memref<8x512xi32, #tpu.memory_space<vmem>>) offsets(%dma_start3A_413 : memref<8xi32, #tpu.memory_space<vmem>>) semaphore(%arg10 : memref<!tpu.dma_semaphore, #tpu.memory_space<semaphore_mem>>)
        %dma_start3A_417 = arith.constant 3 : i32
        %dma_start3A_418 = arith.constant 0 : i32
        %dma_start3A_419 = arith.constant 0 : i32
        %dma_start3A_420 = tpu.memref_slice %arg9[%dma_start3A_417, %dma_start3A_418, %dma_start3A_419] : memref<4x8x512xi32, #tpu.memory_space<vmem>> -> memref<1x8x512xi32, #tpu.memory_space<vmem>>
        %dma_start3A_421 = tpu.memref_squeeze %dma_start3A_420 : memref<1x8x512xi32, #tpu.memory_space<vmem>> -> memref<8x512xi32, #tpu.memory_space<vmem>>
        %dma_start3A_422 = tpu.memref_slice %arg7[%mul3A_407] : memref<256xi32, #tpu.memory_space<vmem>> -> memref<8xi32, #tpu.memory_space<vmem>>
        %dma_start3A_423 = arith.constant 0 : i32
        %dma_start3A_424 = arith.constant 0 : i32
        %dma_start3A_425 = tpu.memref_slice %arg3[%dma_start3A_423, %dma_start3A_424] : memref<4096x512xi32, #tpu.memory_space<hbm>> -> memref<4096x512xi32, #tpu.memory_space<hbm>>
        tpu.enqueue_indirect_dma source(%dma_start3A_425 : memref<4096x512xi32, #tpu.memory_space<hbm>>) target(%dma_start3A_421 : memref<8x512xi32, #tpu.memory_space<vmem>>) offsets(%dma_start3A_422 : memref<8xi32, #tpu.memory_space<vmem>>) semaphore(%arg11 : memref<!tpu.dma_semaphore, #tpu.memory_space<semaphore_mem>>)
      } else {
      }
      %mul3A_255 = arith.constant 4 : i32
      %mul3A_256 = arith.muli %scan3A_107, %mul3A_255 : i32
      %add3A_257 = arith.constant 2 : i32
      %add3A_258 = arith.addi %mul3A_256, %add3A_257 : i32
      %mul3A_259 = arith.constant 8 : i32
      %mul3A_260 = arith.muli %add3A_258, %mul3A_259 : i32
      %add3A_261 = arith.addi %mul3A_2, %mul3A_260 : i32
      %dma_wait3A_262 = arith.constant 2 : i32
      %dma_wait3A_263 = arith.constant 0 : i32
      %dma_wait3A_264 = arith.constant 0 : i32
      %dma_wait3A_265 = tpu.memref_slice %arg8[%dma_wait3A_262, %dma_wait3A_263, %dma_wait3A_264] : memref<4x8x512xi32, #tpu.memory_space<vmem>> -> memref<1x8x512xi32, #tpu.memory_space<vmem>>
      %dma_wait3A_266 = tpu.memref_squeeze %dma_wait3A_265 : memref<1x8x512xi32, #tpu.memory_space<vmem>> -> memref<8x512xi32, #tpu.memory_space<vmem>>
      %dma_wait3A_267 = arith.constant 0 : i32
      %dma_wait3A_268 = arith.constant 0 : i32
      %dma_wait3A_269 = tpu.memref_slice %arg2[%dma_wait3A_267, %dma_wait3A_268] : memref<4096x512xi32, #tpu.memory_space<hbm>> -> memref<8x512xi32, #tpu.memory_space<hbm>>
      %dma_wait3A_270 = arith.constant 0 : i32
      %dma_wait3A_271 = arith.constant 0 : i32
      %dma_wait3A_272 = tpu.memref_slice %arg8[%dma_wait3A_262, %dma_wait3A_270, %dma_wait3A_271] : memref<4x8x512xi32, #tpu.memory_space<vmem>> -> memref<1x8x512xi32, #tpu.memory_space<vmem>>
      %dma_wait3A_273 = tpu.memref_squeeze %dma_wait3A_272 : memref<1x8x512xi32, #tpu.memory_space<vmem>> -> memref<8x512xi32, #tpu.memory_space<vmem>>
      %dma_wait3A_274 = arith.constant 0 : i32
      %dma_wait3A_275 = arith.constant 0 : i32
      %dma_wait3A_276 = tpu.memref_slice %arg2[%dma_wait3A_274, %dma_wait3A_275] : memref<4096x512xi32, #tpu.memory_space<hbm>> -> memref<8x512xi32, #tpu.memory_space<hbm>>
      tpu.wait_dma2 semaphore(%arg10 : memref<!tpu.dma_semaphore, #tpu.memory_space<semaphore_mem>>) src(%dma_wait3A_276 : memref<8x512xi32, #tpu.memory_space<hbm>>) dst(%dma_wait3A_273 : memref<8x512xi32, #tpu.memory_space<vmem>>)
      %dma_wait3A_277 = arith.constant 2 : i32
      %dma_wait3A_278 = arith.constant 0 : i32
      %dma_wait3A_279 = arith.constant 0 : i32
      %dma_wait3A_280 = tpu.memref_slice %arg9[%dma_wait3A_277, %dma_wait3A_278, %dma_wait3A_279] : memref<4x8x512xi32, #tpu.memory_space<vmem>> -> memref<1x8x512xi32, #tpu.memory_space<vmem>>
      %dma_wait3A_281 = tpu.memref_squeeze %dma_wait3A_280 : memref<1x8x512xi32, #tpu.memory_space<vmem>> -> memref<8x512xi32, #tpu.memory_space<vmem>>
      %dma_wait3A_282 = arith.constant 0 : i32
      %dma_wait3A_283 = arith.constant 0 : i32
      %dma_wait3A_284 = tpu.memref_slice %arg3[%dma_wait3A_282, %dma_wait3A_283] : memref<4096x512xi32, #tpu.memory_space<hbm>> -> memref<8x512xi32, #tpu.memory_space<hbm>>
      %dma_wait3A_285 = arith.constant 0 : i32
      %dma_wait3A_286 = arith.constant 0 : i32
      %dma_wait3A_287 = tpu.memref_slice %arg9[%dma_wait3A_277, %dma_wait3A_285, %dma_wait3A_286] : memref<4x8x512xi32, #tpu.memory_space<vmem>> -> memref<1x8x512xi32, #tpu.memory_space<vmem>>
      %dma_wait3A_288 = tpu.memref_squeeze %dma_wait3A_287 : memref<1x8x512xi32, #tpu.memory_space<vmem>> -> memref<8x512xi32, #tpu.memory_space<vmem>>
      %dma_wait3A_289 = arith.constant 0 : i32
      %dma_wait3A_290 = arith.constant 0 : i32
      %dma_wait3A_291 = tpu.memref_slice %arg3[%dma_wait3A_289, %dma_wait3A_290] : memref<4096x512xi32, #tpu.memory_space<hbm>> -> memref<8x512xi32, #tpu.memory_space<hbm>>
      tpu.wait_dma2 semaphore(%arg11 : memref<!tpu.dma_semaphore, #tpu.memory_space<semaphore_mem>>) src(%dma_wait3A_291 : memref<8x512xi32, #tpu.memory_space<hbm>>) dst(%dma_wait3A_288 : memref<8x512xi32, #tpu.memory_space<vmem>>)
      %dma_start3A_292 = arith.constant 2 : i32
      %dma_start3A_293 = arith.constant 0 : i32
      %dma_start3A_294 = arith.constant 0 : i32
      %dma_start3A_295 = tpu.memref_slice %arg8[%dma_start3A_292, %dma_start3A_293, %dma_start3A_294] : memref<4x8x512xi32, #tpu.memory_space<vmem>> -> memref<1x8x512xi32, #tpu.memory_space<vmem>>
      %dma_start3A_296 = tpu.memref_squeeze %dma_start3A_295 : memref<1x8x512xi32, #tpu.memory_space<vmem>> -> memref<8x512xi32, #tpu.memory_space<vmem>>
      %dma_start3A_297 = arith.constant 0 : i32
      %dma_start3A_298 = tpu.memref_slice %arg5[%add3A_261, %dma_start3A_297] : memref<8192x512xi32, #tpu.memory_space<hbm>> -> memref<8x512xi32, #tpu.memory_space<hbm>>
      %dma_start3A_299 = arith.constant 0 : i32
      %dma_start3A_300 = tpu.memref_slice %arg5[%add3A_261, %dma_start3A_299] : memref<8192x512xi32, #tpu.memory_space<hbm>> -> memref<8x512xi32, #tpu.memory_space<hbm>>
      %dma_start3A_301 = arith.constant 0 : i32
      %dma_start3A_302 = arith.constant 0 : i32
      %dma_start3A_303 = tpu.memref_slice %arg8[%dma_start3A_292, %dma_start3A_301, %dma_start3A_302] : memref<4x8x512xi32, #tpu.memory_space<vmem>> -> memref<1x8x512xi32, #tpu.memory_space<vmem>>
      %dma_start3A_304 = tpu.memref_squeeze %dma_start3A_303 : memref<1x8x512xi32, #tpu.memory_space<vmem>> -> memref<8x512xi32, #tpu.memory_space<vmem>>
      tpu.enqueue_dma source(%dma_start3A_304 : memref<8x512xi32, #tpu.memory_space<vmem>>) target(%dma_start3A_300 : memref<8x512xi32, #tpu.memory_space<hbm>>) target_semaphore(%arg12 : memref<!tpu.dma_semaphore, #tpu.memory_space<semaphore_mem>>)
      %dma_start3A_305 = arith.constant 2 : i32
      %dma_start3A_306 = arith.constant 0 : i32
      %dma_start3A_307 = arith.constant 0 : i32
      %dma_start3A_308 = tpu.memref_slice %arg9[%dma_start3A_305, %dma_start3A_306, %dma_start3A_307] : memref<4x8x512xi32, #tpu.memory_space<vmem>> -> memref<1x8x512xi32, #tpu.memory_space<vmem>>
      %dma_start3A_309 = tpu.memref_squeeze %dma_start3A_308 : memref<1x8x512xi32, #tpu.memory_space<vmem>> -> memref<8x512xi32, #tpu.memory_space<vmem>>
      %dma_start3A_310 = arith.constant 0 : i32
      %dma_start3A_311 = tpu.memref_slice %arg6[%add3A_261, %dma_start3A_310] : memref<8192x512xi32, #tpu.memory_space<hbm>> -> memref<8x512xi32, #tpu.memory_space<hbm>>
      %dma_start3A_312 = arith.constant 0 : i32
      %dma_start3A_313 = tpu.memref_slice %arg6[%add3A_261, %dma_start3A_312] : memref<8192x512xi32, #tpu.memory_space<hbm>> -> memref<8x512xi32, #tpu.memory_space<hbm>>
      %dma_start3A_314 = arith.constant 0 : i32
      %dma_start3A_315 = arith.constant 0 : i32
      %dma_start3A_316 = tpu.memref_slice %arg9[%dma_start3A_305, %dma_start3A_314, %dma_start3A_315] : memref<4x8x512xi32, #tpu.memory_space<vmem>> -> memref<1x8x512xi32, #tpu.memory_space<vmem>>
      %dma_start3A_317 = tpu.memref_squeeze %dma_start3A_316 : memref<1x8x512xi32, #tpu.memory_space<vmem>> -> memref<8x512xi32, #tpu.memory_space<vmem>>
      tpu.enqueue_dma source(%dma_start3A_317 : memref<8x512xi32, #tpu.memory_space<vmem>>) target(%dma_start3A_313 : memref<8x512xi32, #tpu.memory_space<hbm>>) target_semaphore(%arg13 : memref<!tpu.dma_semaphore, #tpu.memory_space<semaphore_mem>>)
      %add3A_318 = arith.constant 2 : i32
      %add3A_319 = arith.addi %add3A_258, %add3A_318 : i32
      %ge3A_320 = arith.constant 4 : i32
      %ge3A_321 = arith.cmpi sge, %add3A_319, %ge3A_320 : i32
      %convert_element_type3A_322 = arith.extui %ge3A_321 : i1 to i32
      %cond3A_323 = arith.constant 0 : i32
      %cond3A_324 = arith.cmpi ne, %convert_element_type3A_322, %cond3A_323 : i32
      scf.if %cond3A_324 {
        %dma_wait3A_406 = arith.constant 0 : i32
        %dma_wait3A_407 = arith.constant 0 : i32
        %dma_wait3A_408 = arith.constant 0 : i32
        %dma_wait3A_409 = tpu.memref_slice %arg8[%dma_wait3A_406, %dma_wait3A_407, %dma_wait3A_408] : memref<4x8x512xi32, #tpu.memory_space<vmem>> -> memref<1x8x512xi32, #tpu.memory_space<vmem>>
        %dma_wait3A_410 = tpu.memref_squeeze %dma_wait3A_409 : memref<1x8x512xi32, #tpu.memory_space<vmem>> -> memref<8x512xi32, #tpu.memory_space<vmem>>
        %dma_wait3A_411 = arith.constant 0 : i32
        %dma_wait3A_412 = arith.constant 0 : i32
        %dma_wait3A_413 = tpu.memref_slice %arg5[%dma_wait3A_411, %dma_wait3A_412] : memref<8192x512xi32, #tpu.memory_space<hbm>> -> memref<8x512xi32, #tpu.memory_space<hbm>>
        %dma_wait3A_414 = arith.constant 0 : i32
        %dma_wait3A_415 = arith.constant 0 : i32
        %dma_wait3A_416 = tpu.memref_slice %arg5[%dma_wait3A_414, %dma_wait3A_415] : memref<8192x512xi32, #tpu.memory_space<hbm>> -> memref<8x512xi32, #tpu.memory_space<hbm>>
        %dma_wait3A_417 = arith.constant 0 : i32
        %dma_wait3A_418 = arith.constant 0 : i32
        %dma_wait3A_419 = tpu.memref_slice %arg8[%dma_wait3A_406, %dma_wait3A_417, %dma_wait3A_418] : memref<4x8x512xi32, #tpu.memory_space<vmem>> -> memref<1x8x512xi32, #tpu.memory_space<vmem>>
        %dma_wait3A_420 = tpu.memref_squeeze %dma_wait3A_419 : memref<1x8x512xi32, #tpu.memory_space<vmem>> -> memref<8x512xi32, #tpu.memory_space<vmem>>
        tpu.wait_dma2 semaphore(%arg12 : memref<!tpu.dma_semaphore, #tpu.memory_space<semaphore_mem>>) src(%dma_wait3A_420 : memref<8x512xi32, #tpu.memory_space<vmem>>) dst(%dma_wait3A_416 : memref<8x512xi32, #tpu.memory_space<hbm>>)
        %dma_wait3A_421 = arith.constant 0 : i32
        %dma_wait3A_422 = arith.constant 0 : i32
        %dma_wait3A_423 = arith.constant 0 : i32
        %dma_wait3A_424 = tpu.memref_slice %arg9[%dma_wait3A_421, %dma_wait3A_422, %dma_wait3A_423] : memref<4x8x512xi32, #tpu.memory_space<vmem>> -> memref<1x8x512xi32, #tpu.memory_space<vmem>>
        %dma_wait3A_425 = tpu.memref_squeeze %dma_wait3A_424 : memref<1x8x512xi32, #tpu.memory_space<vmem>> -> memref<8x512xi32, #tpu.memory_space<vmem>>
        %dma_wait3A_426 = arith.constant 0 : i32
        %dma_wait3A_427 = arith.constant 0 : i32
        %dma_wait3A_428 = tpu.memref_slice %arg6[%dma_wait3A_426, %dma_wait3A_427] : memref<8192x512xi32, #tpu.memory_space<hbm>> -> memref<8x512xi32, #tpu.memory_space<hbm>>
        %dma_wait3A_429 = arith.constant 0 : i32
        %dma_wait3A_430 = arith.constant 0 : i32
        %dma_wait3A_431 = tpu.memref_slice %arg6[%dma_wait3A_429, %dma_wait3A_430] : memref<8192x512xi32, #tpu.memory_space<hbm>> -> memref<8x512xi32, #tpu.memory_space<hbm>>
        %dma_wait3A_432 = arith.constant 0 : i32
        %dma_wait3A_433 = arith.constant 0 : i32
        %dma_wait3A_434 = tpu.memref_slice %arg9[%dma_wait3A_421, %dma_wait3A_432, %dma_wait3A_433] : memref<4x8x512xi32, #tpu.memory_space<vmem>> -> memref<1x8x512xi32, #tpu.memory_space<vmem>>
        %dma_wait3A_435 = tpu.memref_squeeze %dma_wait3A_434 : memref<1x8x512xi32, #tpu.memory_space<vmem>> -> memref<8x512xi32, #tpu.memory_space<vmem>>
        tpu.wait_dma2 semaphore(%arg13 : memref<!tpu.dma_semaphore, #tpu.memory_space<semaphore_mem>>) src(%dma_wait3A_435 : memref<8x512xi32, #tpu.memory_space<vmem>>) dst(%dma_wait3A_431 : memref<8x512xi32, #tpu.memory_space<hbm>>)
      } else {
      }
      %lt3A_325 = arith.constant 32 : i32
      %lt3A_326 = arith.cmpi slt, %add3A_319, %lt3A_325 : i32
      %convert_element_type3A_327 = arith.extui %lt3A_326 : i1 to i32
      %cond3A_328 = arith.constant 0 : i32
      %cond3A_329 = arith.cmpi ne, %convert_element_type3A_327, %cond3A_328 : i32
      scf.if %cond3A_329 {
        %mul3A_406 = arith.constant 8 : i32
        %mul3A_407 = arith.muli %add3A_319, %mul3A_406 : i32
        %dma_start3A_408 = arith.constant 0 : i32
        %dma_start3A_409 = arith.constant 0 : i32
        %dma_start3A_410 = arith.constant 0 : i32
        %dma_start3A_411 = tpu.memref_slice %arg8[%dma_start3A_408, %dma_start3A_409, %dma_start3A_410] : memref<4x8x512xi32, #tpu.memory_space<vmem>> -> memref<1x8x512xi32, #tpu.memory_space<vmem>>
        %dma_start3A_412 = tpu.memref_squeeze %dma_start3A_411 : memref<1x8x512xi32, #tpu.memory_space<vmem>> -> memref<8x512xi32, #tpu.memory_space<vmem>>
        %dma_start3A_413 = tpu.memref_slice %arg7[%mul3A_407] : memref<256xi32, #tpu.memory_space<vmem>> -> memref<8xi32, #tpu.memory_space<vmem>>
        %dma_start3A_414 = arith.constant 0 : i32
        %dma_start3A_415 = arith.constant 0 : i32
        %dma_start3A_416 = tpu.memref_slice %arg2[%dma_start3A_414, %dma_start3A_415] : memref<4096x512xi32, #tpu.memory_space<hbm>> -> memref<4096x512xi32, #tpu.memory_space<hbm>>
        tpu.enqueue_indirect_dma source(%dma_start3A_416 : memref<4096x512xi32, #tpu.memory_space<hbm>>) target(%dma_start3A_412 : memref<8x512xi32, #tpu.memory_space<vmem>>) offsets(%dma_start3A_413 : memref<8xi32, #tpu.memory_space<vmem>>) semaphore(%arg10 : memref<!tpu.dma_semaphore, #tpu.memory_space<semaphore_mem>>)
        %dma_start3A_417 = arith.constant 0 : i32
        %dma_start3A_418 = arith.constant 0 : i32
        %dma_start3A_419 = arith.constant 0 : i32
        %dma_start3A_420 = tpu.memref_slice %arg9[%dma_start3A_417, %dma_start3A_418, %dma_start3A_419] : memref<4x8x512xi32, #tpu.memory_space<vmem>> -> memref<1x8x512xi32, #tpu.memory_space<vmem>>
        %dma_start3A_421 = tpu.memref_squeeze %dma_start3A_420 : memref<1x8x512xi32, #tpu.memory_space<vmem>> -> memref<8x512xi32, #tpu.memory_space<vmem>>
        %dma_start3A_422 = tpu.memref_slice %arg7[%mul3A_407] : memref<256xi32, #tpu.memory_space<vmem>> -> memref<8xi32, #tpu.memory_space<vmem>>
        %dma_start3A_423 = arith.constant 0 : i32
        %dma_start3A_424 = arith.constant 0 : i32
        %dma_start3A_425 = tpu.memref_slice %arg3[%dma_start3A_423, %dma_start3A_424] : memref<4096x512xi32, #tpu.memory_space<hbm>> -> memref<4096x512xi32, #tpu.memory_space<hbm>>
        tpu.enqueue_indirect_dma source(%dma_start3A_425 : memref<4096x512xi32, #tpu.memory_space<hbm>>) target(%dma_start3A_421 : memref<8x512xi32, #tpu.memory_space<vmem>>) offsets(%dma_start3A_422 : memref<8xi32, #tpu.memory_space<vmem>>) semaphore(%arg11 : memref<!tpu.dma_semaphore, #tpu.memory_space<semaphore_mem>>)
      } else {
      }
      %mul3A_330 = arith.constant 4 : i32
      %mul3A_331 = arith.muli %scan3A_107, %mul3A_330 : i32
      %add3A_332 = arith.constant 3 : i32
      %add3A_333 = arith.addi %mul3A_331, %add3A_332 : i32
      %mul3A_334 = arith.constant 8 : i32
      %mul3A_335 = arith.muli %add3A_333, %mul3A_334 : i32
      %add3A_336 = arith.addi %mul3A_2, %mul3A_335 : i32
      %dma_wait3A_337 = arith.constant 3 : i32
      %dma_wait3A_338 = arith.constant 0 : i32
      %dma_wait3A_339 = arith.constant 0 : i32
      %dma_wait3A_340 = tpu.memref_slice %arg8[%dma_wait3A_337, %dma_wait3A_338, %dma_wait3A_339] : memref<4x8x512xi32, #tpu.memory_space<vmem>> -> memref<1x8x512xi32, #tpu.memory_space<vmem>>
      %dma_wait3A_341 = tpu.memref_squeeze %dma_wait3A_340 : memref<1x8x512xi32, #tpu.memory_space<vmem>> -> memref<8x512xi32, #tpu.memory_space<vmem>>
      %dma_wait3A_342 = arith.constant 0 : i32
      %dma_wait3A_343 = arith.constant 0 : i32
      %dma_wait3A_344 = tpu.memref_slice %arg2[%dma_wait3A_342, %dma_wait3A_343] : memref<4096x512xi32, #tpu.memory_space<hbm>> -> memref<8x512xi32, #tpu.memory_space<hbm>>
      %dma_wait3A_345 = arith.constant 0 : i32
      %dma_wait3A_346 = arith.constant 0 : i32
      %dma_wait3A_347 = tpu.memref_slice %arg8[%dma_wait3A_337, %dma_wait3A_345, %dma_wait3A_346] : memref<4x8x512xi32, #tpu.memory_space<vmem>> -> memref<1x8x512xi32, #tpu.memory_space<vmem>>
      %dma_wait3A_348 = tpu.memref_squeeze %dma_wait3A_347 : memref<1x8x512xi32, #tpu.memory_space<vmem>> -> memref<8x512xi32, #tpu.memory_space<vmem>>
      %dma_wait3A_349 = arith.constant 0 : i32
      %dma_wait3A_350 = arith.constant 0 : i32
      %dma_wait3A_351 = tpu.memref_slice %arg2[%dma_wait3A_349, %dma_wait3A_350] : memref<4096x512xi32, #tpu.memory_space<hbm>> -> memref<8x512xi32, #tpu.memory_space<hbm>>
      tpu.wait_dma2 semaphore(%arg10 : memref<!tpu.dma_semaphore, #tpu.memory_space<semaphore_mem>>) src(%dma_wait3A_351 : memref<8x512xi32, #tpu.memory_space<hbm>>) dst(%dma_wait3A_348 : memref<8x512xi32, #tpu.memory_space<vmem>>)
      %dma_wait3A_352 = arith.constant 3 : i32
      %dma_wait3A_353 = arith.constant 0 : i32
      %dma_wait3A_354 = arith.constant 0 : i32
      %dma_wait3A_355 = tpu.memref_slice %arg9[%dma_wait3A_352, %dma_wait3A_353, %dma_wait3A_354] : memref<4x8x512xi32, #tpu.memory_space<vmem>> -> memref<1x8x512xi32, #tpu.memory_space<vmem>>
      %dma_wait3A_356 = tpu.memref_squeeze %dma_wait3A_355 : memref<1x8x512xi32, #tpu.memory_space<vmem>> -> memref<8x512xi32, #tpu.memory_space<vmem>>
      %dma_wait3A_357 = arith.constant 0 : i32
      %dma_wait3A_358 = arith.constant 0 : i32
      %dma_wait3A_359 = tpu.memref_slice %arg3[%dma_wait3A_357, %dma_wait3A_358] : memref<4096x512xi32, #tpu.memory_space<hbm>> -> memref<8x512xi32, #tpu.memory_space<hbm>>
      %dma_wait3A_360 = arith.constant 0 : i32
      %dma_wait3A_361 = arith.constant 0 : i32
      %dma_wait3A_362 = tpu.memref_slice %arg9[%dma_wait3A_352, %dma_wait3A_360, %dma_wait3A_361] : memref<4x8x512xi32, #tpu.memory_space<vmem>> -> memref<1x8x512xi32, #tpu.memory_space<vmem>>
      %dma_wait3A_363 = tpu.memref_squeeze %dma_wait3A_362 : memref<1x8x512xi32, #tpu.memory_space<vmem>> -> memref<8x512xi32, #tpu.memory_space<vmem>>
      %dma_wait3A_364 = arith.constant 0 : i32
      %dma_wait3A_365 = arith.constant 0 : i32
      %dma_wait3A_366 = tpu.memref_slice %arg3[%dma_wait3A_364, %dma_wait3A_365] : memref<4096x512xi32, #tpu.memory_space<hbm>> -> memref<8x512xi32, #tpu.memory_space<hbm>>
      tpu.wait_dma2 semaphore(%arg11 : memref<!tpu.dma_semaphore, #tpu.memory_space<semaphore_mem>>) src(%dma_wait3A_366 : memref<8x512xi32, #tpu.memory_space<hbm>>) dst(%dma_wait3A_363 : memref<8x512xi32, #tpu.memory_space<vmem>>)
      %dma_start3A_367 = arith.constant 3 : i32
      %dma_start3A_368 = arith.constant 0 : i32
      %dma_start3A_369 = arith.constant 0 : i32
      %dma_start3A_370 = tpu.memref_slice %arg8[%dma_start3A_367, %dma_start3A_368, %dma_start3A_369] : memref<4x8x512xi32, #tpu.memory_space<vmem>> -> memref<1x8x512xi32, #tpu.memory_space<vmem>>
      %dma_start3A_371 = tpu.memref_squeeze %dma_start3A_370 : memref<1x8x512xi32, #tpu.memory_space<vmem>> -> memref<8x512xi32, #tpu.memory_space<vmem>>
      %dma_start3A_372 = arith.constant 0 : i32
      %dma_start3A_373 = tpu.memref_slice %arg5[%add3A_336, %dma_start3A_372] : memref<8192x512xi32, #tpu.memory_space<hbm>> -> memref<8x512xi32, #tpu.memory_space<hbm>>
      %dma_start3A_374 = arith.constant 0 : i32
      %dma_start3A_375 = tpu.memref_slice %arg5[%add3A_336, %dma_start3A_374] : memref<8192x512xi32, #tpu.memory_space<hbm>> -> memref<8x512xi32, #tpu.memory_space<hbm>>
      %dma_start3A_376 = arith.constant 0 : i32
      %dma_start3A_377 = arith.constant 0 : i32
      %dma_start3A_378 = tpu.memref_slice %arg8[%dma_start3A_367, %dma_start3A_376, %dma_start3A_377] : memref<4x8x512xi32, #tpu.memory_space<vmem>> -> memref<1x8x512xi32, #tpu.memory_space<vmem>>
      %dma_start3A_379 = tpu.memref_squeeze %dma_start3A_378 : memref<1x8x512xi32, #tpu.memory_space<vmem>> -> memref<8x512xi32, #tpu.memory_space<vmem>>
      tpu.enqueue_dma source(%dma_start3A_379 : memref<8x512xi32, #tpu.memory_space<vmem>>) target(%dma_start3A_375 : memref<8x512xi32, #tpu.memory_space<hbm>>) target_semaphore(%arg12 : memref<!tpu.dma_semaphore, #tpu.memory_space<semaphore_mem>>)
      %dma_start3A_380 = arith.constant 3 : i32
      %dma_start3A_381 = arith.constant 0 : i32
      %dma_start3A_382 = arith.constant 0 : i32
      %dma_start3A_383 = tpu.memref_slice %arg9[%dma_start3A_380, %dma_start3A_381, %dma_start3A_382] : memref<4x8x512xi32, #tpu.memory_space<vmem>> -> memref<1x8x512xi32, #tpu.memory_space<vmem>>
      %dma_start3A_384 = tpu.memref_squeeze %dma_start3A_383 : memref<1x8x512xi32, #tpu.memory_space<vmem>> -> memref<8x512xi32, #tpu.memory_space<vmem>>
      %dma_start3A_385 = arith.constant 0 : i32
      %dma_start3A_386 = tpu.memref_slice %arg6[%add3A_336, %dma_start3A_385] : memref<8192x512xi32, #tpu.memory_space<hbm>> -> memref<8x512xi32, #tpu.memory_space<hbm>>
      %dma_start3A_387 = arith.constant 0 : i32
      %dma_start3A_388 = tpu.memref_slice %arg6[%add3A_336, %dma_start3A_387] : memref<8192x512xi32, #tpu.memory_space<hbm>> -> memref<8x512xi32, #tpu.memory_space<hbm>>
      %dma_start3A_389 = arith.constant 0 : i32
      %dma_start3A_390 = arith.constant 0 : i32
      %dma_start3A_391 = tpu.memref_slice %arg9[%dma_start3A_380, %dma_start3A_389, %dma_start3A_390] : memref<4x8x512xi32, #tpu.memory_space<vmem>> -> memref<1x8x512xi32, #tpu.memory_space<vmem>>
      %dma_start3A_392 = tpu.memref_squeeze %dma_start3A_391 : memref<1x8x512xi32, #tpu.memory_space<vmem>> -> memref<8x512xi32, #tpu.memory_space<vmem>>
      tpu.enqueue_dma source(%dma_start3A_392 : memref<8x512xi32, #tpu.memory_space<vmem>>) target(%dma_start3A_388 : memref<8x512xi32, #tpu.memory_space<hbm>>) target_semaphore(%arg13 : memref<!tpu.dma_semaphore, #tpu.memory_space<semaphore_mem>>)
      %add3A_393 = arith.constant 2 : i32
      %add3A_394 = arith.addi %add3A_333, %add3A_393 : i32
      %ge3A_395 = arith.constant 4 : i32
      %ge3A_396 = arith.cmpi sge, %add3A_394, %ge3A_395 : i32
      %convert_element_type3A_397 = arith.extui %ge3A_396 : i1 to i32
      %cond3A_398 = arith.constant 0 : i32
      %cond3A_399 = arith.cmpi ne, %convert_element_type3A_397, %cond3A_398 : i32
      scf.if %cond3A_399 {
        %dma_wait3A_406 = arith.constant 1 : i32
        %dma_wait3A_407 = arith.constant 0 : i32
        %dma_wait3A_408 = arith.constant 0 : i32
        %dma_wait3A_409 = tpu.memref_slice %arg8[%dma_wait3A_406, %dma_wait3A_407, %dma_wait3A_408] : memref<4x8x512xi32, #tpu.memory_space<vmem>> -> memref<1x8x512xi32, #tpu.memory_space<vmem>>
        %dma_wait3A_410 = tpu.memref_squeeze %dma_wait3A_409 : memref<1x8x512xi32, #tpu.memory_space<vmem>> -> memref<8x512xi32, #tpu.memory_space<vmem>>
        %dma_wait3A_411 = arith.constant 0 : i32
        %dma_wait3A_412 = arith.constant 0 : i32
        %dma_wait3A_413 = tpu.memref_slice %arg5[%dma_wait3A_411, %dma_wait3A_412] : memref<8192x512xi32, #tpu.memory_space<hbm>> -> memref<8x512xi32, #tpu.memory_space<hbm>>
        %dma_wait3A_414 = arith.constant 0 : i32
        %dma_wait3A_415 = arith.constant 0 : i32
        %dma_wait3A_416 = tpu.memref_slice %arg5[%dma_wait3A_414, %dma_wait3A_415] : memref<8192x512xi32, #tpu.memory_space<hbm>> -> memref<8x512xi32, #tpu.memory_space<hbm>>
        %dma_wait3A_417 = arith.constant 0 : i32
        %dma_wait3A_418 = arith.constant 0 : i32
        %dma_wait3A_419 = tpu.memref_slice %arg8[%dma_wait3A_406, %dma_wait3A_417, %dma_wait3A_418] : memref<4x8x512xi32, #tpu.memory_space<vmem>> -> memref<1x8x512xi32, #tpu.memory_space<vmem>>
        %dma_wait3A_420 = tpu.memref_squeeze %dma_wait3A_419 : memref<1x8x512xi32, #tpu.memory_space<vmem>> -> memref<8x512xi32, #tpu.memory_space<vmem>>
        tpu.wait_dma2 semaphore(%arg12 : memref<!tpu.dma_semaphore, #tpu.memory_space<semaphore_mem>>) src(%dma_wait3A_420 : memref<8x512xi32, #tpu.memory_space<vmem>>) dst(%dma_wait3A_416 : memref<8x512xi32, #tpu.memory_space<hbm>>)
        %dma_wait3A_421 = arith.constant 1 : i32
        %dma_wait3A_422 = arith.constant 0 : i32
        %dma_wait3A_423 = arith.constant 0 : i32
        %dma_wait3A_424 = tpu.memref_slice %arg9[%dma_wait3A_421, %dma_wait3A_422, %dma_wait3A_423] : memref<4x8x512xi32, #tpu.memory_space<vmem>> -> memref<1x8x512xi32, #tpu.memory_space<vmem>>
        %dma_wait3A_425 = tpu.memref_squeeze %dma_wait3A_424 : memref<1x8x512xi32, #tpu.memory_space<vmem>> -> memref<8x512xi32, #tpu.memory_space<vmem>>
        %dma_wait3A_426 = arith.constant 0 : i32
        %dma_wait3A_427 = arith.constant 0 : i32
        %dma_wait3A_428 = tpu.memref_slice %arg6[%dma_wait3A_426, %dma_wait3A_427] : memref<8192x512xi32, #tpu.memory_space<hbm>> -> memref<8x512xi32, #tpu.memory_space<hbm>>
        %dma_wait3A_429 = arith.constant 0 : i32
        %dma_wait3A_430 = arith.constant 0 : i32
        %dma_wait3A_431 = tpu.memref_slice %arg6[%dma_wait3A_429, %dma_wait3A_430] : memref<8192x512xi32, #tpu.memory_space<hbm>> -> memref<8x512xi32, #tpu.memory_space<hbm>>
        %dma_wait3A_432 = arith.constant 0 : i32
        %dma_wait3A_433 = arith.constant 0 : i32
        %dma_wait3A_434 = tpu.memref_slice %arg9[%dma_wait3A_421, %dma_wait3A_432, %dma_wait3A_433] : memref<4x8x512xi32, #tpu.memory_space<vmem>> -> memref<1x8x512xi32, #tpu.memory_space<vmem>>
        %dma_wait3A_435 = tpu.memref_squeeze %dma_wait3A_434 : memref<1x8x512xi32, #tpu.memory_space<vmem>> -> memref<8x512xi32, #tpu.memory_space<vmem>>
        tpu.wait_dma2 semaphore(%arg13 : memref<!tpu.dma_semaphore, #tpu.memory_space<semaphore_mem>>) src(%dma_wait3A_435 : memref<8x512xi32, #tpu.memory_space<vmem>>) dst(%dma_wait3A_431 : memref<8x512xi32, #tpu.memory_space<hbm>>)
      } else {
      }
      %lt3A_400 = arith.constant 32 : i32
      %lt3A_401 = arith.cmpi slt, %add3A_394, %lt3A_400 : i32
      %convert_element_type3A_402 = arith.extui %lt3A_401 : i1 to i32
      %cond3A_403 = arith.constant 0 : i32
      %cond3A_404 = arith.cmpi ne, %convert_element_type3A_402, %cond3A_403 : i32
      scf.if %cond3A_404 {
        %mul3A_406 = arith.constant 8 : i32
        %mul3A_407 = arith.muli %add3A_394, %mul3A_406 : i32
        %dma_start3A_408 = arith.constant 1 : i32
        %dma_start3A_409 = arith.constant 0 : i32
        %dma_start3A_410 = arith.constant 0 : i32
        %dma_start3A_411 = tpu.memref_slice %arg8[%dma_start3A_408, %dma_start3A_409, %dma_start3A_410] : memref<4x8x512xi32, #tpu.memory_space<vmem>> -> memref<1x8x512xi32, #tpu.memory_space<vmem>>
        %dma_start3A_412 = tpu.memref_squeeze %dma_start3A_411 : memref<1x8x512xi32, #tpu.memory_space<vmem>> -> memref<8x512xi32, #tpu.memory_space<vmem>>
        %dma_start3A_413 = tpu.memref_slice %arg7[%mul3A_407] : memref<256xi32, #tpu.memory_space<vmem>> -> memref<8xi32, #tpu.memory_space<vmem>>
        %dma_start3A_414 = arith.constant 0 : i32
        %dma_start3A_415 = arith.constant 0 : i32
        %dma_start3A_416 = tpu.memref_slice %arg2[%dma_start3A_414, %dma_start3A_415] : memref<4096x512xi32, #tpu.memory_space<hbm>> -> memref<4096x512xi32, #tpu.memory_space<hbm>>
        tpu.enqueue_indirect_dma source(%dma_start3A_416 : memref<4096x512xi32, #tpu.memory_space<hbm>>) target(%dma_start3A_412 : memref<8x512xi32, #tpu.memory_space<vmem>>) offsets(%dma_start3A_413 : memref<8xi32, #tpu.memory_space<vmem>>) semaphore(%arg10 : memref<!tpu.dma_semaphore, #tpu.memory_space<semaphore_mem>>)
        %dma_start3A_417 = arith.constant 1 : i32
        %dma_start3A_418 = arith.constant 0 : i32
        %dma_start3A_419 = arith.constant 0 : i32
        %dma_start3A_420 = tpu.memref_slice %arg9[%dma_start3A_417, %dma_start3A_418, %dma_start3A_419] : memref<4x8x512xi32, #tpu.memory_space<vmem>> -> memref<1x8x512xi32, #tpu.memory_space<vmem>>
        %dma_start3A_421 = tpu.memref_squeeze %dma_start3A_420 : memref<1x8x512xi32, #tpu.memory_space<vmem>> -> memref<8x512xi32, #tpu.memory_space<vmem>>
        %dma_start3A_422 = tpu.memref_slice %arg7[%mul3A_407] : memref<256xi32, #tpu.memory_space<vmem>> -> memref<8xi32, #tpu.memory_space<vmem>>
        %dma_start3A_423 = arith.constant 0 : i32
        %dma_start3A_424 = arith.constant 0 : i32
        %dma_start3A_425 = tpu.memref_slice %arg3[%dma_start3A_423, %dma_start3A_424] : memref<4096x512xi32, #tpu.memory_space<hbm>> -> memref<4096x512xi32, #tpu.memory_space<hbm>>
        tpu.enqueue_indirect_dma source(%dma_start3A_425 : memref<4096x512xi32, #tpu.memory_space<hbm>>) target(%dma_start3A_421 : memref<8x512xi32, #tpu.memory_space<vmem>>) offsets(%dma_start3A_422 : memref<8xi32, #tpu.memory_space<vmem>>) semaphore(%arg11 : memref<!tpu.dma_semaphore, #tpu.memory_space<semaphore_mem>>)
      } else {
      }
      %scan3A_405 = arith.constant 0 : i32
      scf.yield %scan3A_405 : i32
    }
    %scan3A_47 = arith.constant 8 : i32
    %dma_wait3A = arith.constant 0 : i32
    %dma_wait3A_48 = arith.constant 0 : i32
    %dma_wait3A_49 = arith.constant 0 : i32
    %dma_wait3A_50 = tpu.memref_slice %arg8[%dma_wait3A, %dma_wait3A_48, %dma_wait3A_49] : memref<4x8x512xi32, #tpu.memory_space<vmem>> -> memref<1x8x512xi32, #tpu.memory_space<vmem>>
    %dma_wait3A_51 = tpu.memref_squeeze %dma_wait3A_50 : memref<1x8x512xi32, #tpu.memory_space<vmem>> -> memref<8x512xi32, #tpu.memory_space<vmem>>
    %dma_wait3A_52 = arith.constant 0 : i32
    %dma_wait3A_53 = arith.constant 0 : i32
    %dma_wait3A_54 = tpu.memref_slice %arg5[%dma_wait3A_52, %dma_wait3A_53] : memref<8192x512xi32, #tpu.memory_space<hbm>> -> memref<8x512xi32, #tpu.memory_space<hbm>>
    %dma_wait3A_55 = arith.constant 0 : i32
    %dma_wait3A_56 = arith.constant 0 : i32
    %dma_wait3A_57 = tpu.memref_slice %arg5[%dma_wait3A_55, %dma_wait3A_56] : memref<8192x512xi32, #tpu.memory_space<hbm>> -> memref<8x512xi32, #tpu.memory_space<hbm>>
    %dma_wait3A_58 = arith.constant 0 : i32
    %dma_wait3A_59 = arith.constant 0 : i32
    %dma_wait3A_60 = tpu.memref_slice %arg8[%dma_wait3A, %dma_wait3A_58, %dma_wait3A_59] : memref<4x8x512xi32, #tpu.memory_space<vmem>> -> memref<1x8x512xi32, #tpu.memory_space<vmem>>
    %dma_wait3A_61 = tpu.memref_squeeze %dma_wait3A_60 : memref<1x8x512xi32, #tpu.memory_space<vmem>> -> memref<8x512xi32, #tpu.memory_space<vmem>>
    tpu.wait_dma2 semaphore(%arg12 : memref<!tpu.dma_semaphore, #tpu.memory_space<semaphore_mem>>) src(%dma_wait3A_61 : memref<8x512xi32, #tpu.memory_space<vmem>>) dst(%dma_wait3A_57 : memref<8x512xi32, #tpu.memory_space<hbm>>)
    %dma_wait3A_62 = arith.constant 0 : i32
    %dma_wait3A_63 = arith.constant 0 : i32
    %dma_wait3A_64 = arith.constant 0 : i32
    %dma_wait3A_65 = tpu.memref_slice %arg9[%dma_wait3A_62, %dma_wait3A_63, %dma_wait3A_64] : memref<4x8x512xi32, #tpu.memory_space<vmem>> -> memref<1x8x512xi32, #tpu.memory_space<vmem>>
    %dma_wait3A_66 = tpu.memref_squeeze %dma_wait3A_65 : memref<1x8x512xi32, #tpu.memory_space<vmem>> -> memref<8x512xi32, #tpu.memory_space<vmem>>
    %dma_wait3A_67 = arith.constant 0 : i32
    %dma_wait3A_68 = arith.constant 0 : i32
    %dma_wait3A_69 = tpu.memref_slice %arg6[%dma_wait3A_67, %dma_wait3A_68] : memref<8192x512xi32, #tpu.memory_space<hbm>> -> memref<8x512xi32, #tpu.memory_space<hbm>>
    %dma_wait3A_70 = arith.constant 0 : i32
    %dma_wait3A_71 = arith.constant 0 : i32
    %dma_wait3A_72 = tpu.memref_slice %arg6[%dma_wait3A_70, %dma_wait3A_71] : memref<8192x512xi32, #tpu.memory_space<hbm>> -> memref<8x512xi32, #tpu.memory_space<hbm>>
    %dma_wait3A_73 = arith.constant 0 : i32
    %dma_wait3A_74 = arith.constant 0 : i32
    %dma_wait3A_75 = tpu.memref_slice %arg9[%dma_wait3A_62, %dma_wait3A_73, %dma_wait3A_74] : memref<4x8x512xi32, #tpu.memory_space<vmem>> -> memref<1x8x512xi32, #tpu.memory_space<vmem>>
    %dma_wait3A_76 = tpu.memref_squeeze %dma_wait3A_75 : memref<1x8x512xi32, #tpu.memory_space<vmem>> -> memref<8x512xi32, #tpu.memory_space<vmem>>
    tpu.wait_dma2 semaphore(%arg13 : memref<!tpu.dma_semaphore, #tpu.memory_space<semaphore_mem>>) src(%dma_wait3A_76 : memref<8x512xi32, #tpu.memory_space<vmem>>) dst(%dma_wait3A_72 : memref<8x512xi32, #tpu.memory_space<hbm>>)
    %dma_wait3A_77 = arith.constant 0 : i32
    %dma_wait3A_78 = arith.constant 0 : i32
    %dma_wait3A_79 = arith.constant 0 : i32
    %dma_wait3A_80 = tpu.memref_slice %arg8[%dma_wait3A_77, %dma_wait3A_78, %dma_wait3A_79] : memref<4x8x512xi32, #tpu.memory_space<vmem>> -> memref<1x8x512xi32, #tpu.memory_space<vmem>>
    %dma_wait3A_81 = tpu.memref_squeeze %dma_wait3A_80 : memref<1x8x512xi32, #tpu.memory_space<vmem>> -> memref<8x512xi32, #tpu.memory_space<vmem>>
    %dma_wait3A_82 = arith.constant 0 : i32
    %dma_wait3A_83 = arith.constant 0 : i32
    %dma_wait3A_84 = tpu.memref_slice %arg5[%dma_wait3A_82, %dma_wait3A_83] : memref<8192x512xi32, #tpu.memory_space<hbm>> -> memref<8x512xi32, #tpu.memory_space<hbm>>
    %dma_wait3A_85 = arith.constant 0 : i32
    %dma_wait3A_86 = arith.constant 0 : i32
    %dma_wait3A_87 = tpu.memref_slice %arg5[%dma_wait3A_85, %dma_wait3A_86] : memref<8192x512xi32, #tpu.memory_space<hbm>> -> memref<8x512xi32, #tpu.memory_space<hbm>>
    %dma_wait3A_88 = arith.constant 0 : i32
    %dma_wait3A_89 = arith.constant 0 : i32
    %dma_wait3A_90 = tpu.memref_slice %arg8[%dma_wait3A_77, %dma_wait3A_88, %dma_wait3A_89] : memref<4x8x512xi32, #tpu.memory_space<vmem>> -> memref<1x8x512xi32, #tpu.memory_space<vmem>>
    %dma_wait3A_91 = tpu.memref_squeeze %dma_wait3A_90 : memref<1x8x512xi32, #tpu.memory_space<vmem>> -> memref<8x512xi32, #tpu.memory_space<vmem>>
    tpu.wait_dma2 semaphore(%arg12 : memref<!tpu.dma_semaphore, #tpu.memory_space<semaphore_mem>>) src(%dma_wait3A_91 : memref<8x512xi32, #tpu.memory_space<vmem>>) dst(%dma_wait3A_87 : memref<8x512xi32, #tpu.memory_space<hbm>>)
    %dma_wait3A_92 = arith.constant 0 : i32
    %dma_wait3A_93 = arith.constant 0 : i32
    %dma_wait3A_94 = arith.constant 0 : i32
    %dma_wait3A_95 = tpu.memref_slice %arg9[%dma_wait3A_92, %dma_wait3A_93, %dma_wait3A_94] : memref<4x8x512xi32, #tpu.memory_space<vmem>> -> memref<1x8x512xi32, #tpu.memory_space<vmem>>
    %dma_wait3A_96 = tpu.memref_squeeze %dma_wait3A_95 : memref<1x8x512xi32, #tpu.memory_space<vmem>> -> memref<8x512xi32, #tpu.memory_space<vmem>>
    %dma_wait3A_97 = arith.constant 0 : i32
    %dma_wait3A_98 = arith.constant 0 : i32
    %dma_wait3A_99 = tpu.memref_slice %arg6[%dma_wait3A_97, %dma_wait3A_98] : memref<8192x512xi32, #tpu.memory_space<hbm>> -> memref<8x512xi32, #tpu.memory_space<hbm>>
    %dma_wait3A_100 = arith.constant 0 : i32
    %dma_wait3A_101 = arith.constant 0 : i32
    %dma_wait3A_102 = tpu.memref_slice %arg6[%dma_wait3A_100, %dma_wait3A_101] : memref<8192x512xi32, #tpu.memory_space<hbm>> -> memref<8x512xi32, #tpu.memory_space<hbm>>
    %dma_wait3A_103 = arith.constant 0 : i32
    %dma_wait3A_104 = arith.constant 0 : i32
    %dma_wait3A_105 = tpu.memref_slice %arg9[%dma_wait3A_92, %dma_wait3A_103, %dma_wait3A_104] : memref<4x8x512xi32, #tpu.memory_space<vmem>> -> memref<1x8x512xi32, #tpu.memory_space<vmem>>
    %dma_wait3A_106 = tpu.memref_squeeze %dma_wait3A_105 : memref<1x8x512xi32, #tpu.memory_space<vmem>> -> memref<8x512xi32, #tpu.memory_space<vmem>>
    tpu.wait_dma2 semaphore(%arg13 : memref<!tpu.dma_semaphore, #tpu.memory_space<semaphore_mem>>) src(%dma_wait3A_106 : memref<8x512xi32, #tpu.memory_space<vmem>>) dst(%dma_wait3A_102 : memref<8x512xi32, #tpu.memory_space<hbm>>)
    return
  }
}

#map = affine_map<(d0, d1) -> (0, 0)>
#map1 = affine_map<(d0, d1) -> (0)>
module attributes {stable_mosaic.version = 14 : i64} {
  func.func @gather(%arg0: i32, %arg1: i32, %arg2: memref<4096x512xi32, #tpu.memory_space<hbm>>, %arg3: memref<4096x512xi32, #tpu.memory_space<hbm>>, %arg4: memref<8192xi32, #tpu.memory_space<hbm>>, %arg5: memref<8192x512xi32, #tpu.memory_space<hbm>>, %arg6: memref<8192x512xi32, #tpu.memory_space<hbm>>, %arg7: memref<256xi32, #tpu.memory_space<vmem>>, %arg8: memref<4x8x512xi32, #tpu.memory_space<vmem>>, %arg9: memref<4x8x512xi32, #tpu.memory_space<vmem>>, %arg10: memref<!tpu.dma_semaphore, #tpu.memory_space<semaphore_mem>>, %arg11: memref<!tpu.dma_semaphore, #tpu.memory_space<semaphore_mem>>, %arg12: memref<!tpu.dma_semaphore, #tpu.memory_space<semaphore_mem>>, %arg13: memref<!tpu.dma_semaphore, #tpu.memory_space<semaphore_mem>>) attributes {dimension_semantics = [#tpu.dimension_semantics<core_parallel>, #tpu.dimension_semantics<subcore_parallel>], iteration_bounds = array<i64: 2, 16>, scalar_prefetch = 0 : i64, scratch_operands = 7 : i64, tpu.core_type = #tpu.core_type<sc_vector_subcore>, window_params = [{transform_indices = #map}, {transform_indices = #map}, {transform_indices = #map1}, {transform_indices = #map}, {transform_indices = #map}]} {
    %mul3A = arith.constant 2 : i32
    %mul3A_0 = arith.muli %arg1, %mul3A : i32
    %add3A = arith.addi %mul3A_0, %arg0 : i32
    %mul3A_1 = arith.constant 256 : i32
    %mul3A_2 = arith.muli %add3A, %mul3A_1 : i32
    "tpu.region"() ({
      %run_scoped3A = tpu.sem_alloc : memref<!tpu.dma_semaphore, #tpu.memory_space<semaphore_mem>>
      %dma_start3A_107 = tpu.memref_slice %arg4[%mul3A_2] : memref<8192xi32, #tpu.memory_space<hbm>> -> memref<256xi32, #tpu.memory_space<hbm>>
      %dma_start3A_108 = tpu.memref_slice %arg4[%mul3A_2] : memref<8192xi32, #tpu.memory_space<hbm>> -> memref<256xi32, #tpu.memory_space<hbm>>
      tpu.enqueue_dma source(%dma_start3A_108 : memref<256xi32, #tpu.memory_space<hbm>>) target(%arg7 : memref<256xi32, #tpu.memory_space<vmem>>) target_semaphore(%run_scoped3A : memref<!tpu.dma_semaphore, #tpu.memory_space<semaphore_mem>>)
      %dma_wait3A_109 = tpu.memref_slice %arg4[%mul3A_2] : memref<8192xi32, #tpu.memory_space<hbm>> -> memref<256xi32, #tpu.memory_space<hbm>>
      %dma_wait3A_110 = tpu.memref_slice %arg4[%mul3A_2] : memref<8192xi32, #tpu.memory_space<hbm>> -> memref<256xi32, #tpu.memory_space<hbm>>
      tpu.wait_dma2 semaphore(%run_scoped3A : memref<!tpu.dma_semaphore, #tpu.memory_space<semaphore_mem>>) src(%dma_wait3A_110 : memref<256xi32, #tpu.memory_space<hbm>>) dst(%arg7 : memref<256xi32, #tpu.memory_space<vmem>>)
      tpu.yield
    }) : () -> ()
    %dma_start3A = arith.constant 0 : i32
    %dma_start3A_3 = arith.constant 0 : i32
    %dma_start3A_4 = arith.constant 0 : i32
    %dma_start3A_5 = tpu.memref_slice %arg8[%dma_start3A, %dma_start3A_3, %dma_start3A_4] : memref<4x8x512xi32, #tpu.memory_space<vmem>> -> memref<1x8x512xi32, #tpu.memory_space<vmem>>
    %dma_start3A_6 = tpu.memref_squeeze %dma_start3A_5 : memref<1x8x512xi32, #tpu.memory_space<vmem>> -> memref<8x512xi32, #tpu.memory_space<vmem>>
    %dma_start3A_7 = arith.constant 0 : i32
    %dma_start3A_8 = tpu.memref_slice %arg7[%dma_start3A_7] : memref<256xi32, #tpu.memory_space<vmem>> -> memref<8xi32, #tpu.memory_space<vmem>>
    %dma_start3A_9 = arith.constant 0 : i32
    %dma_start3A_10 = arith.constant 0 : i32
    %dma_start3A_11 = tpu.memref_slice %arg2[%dma_start3A_9, %dma_start3A_10] : memref<4096x512xi32, #tpu.memory_space<hbm>> -> memref<4096x512xi32, #tpu.memory_space<hbm>>
    tpu.enqueue_indirect_dma source(%dma_start3A_11 : memref<4096x512xi32, #tpu.memory_space<hbm>>) target(%dma_start3A_6 : memref<8x512xi32, #tpu.memory_space<vmem>>) offsets(%dma_start3A_8 : memref<8xi32, #tpu.memory_space<vmem>>) semaphore(%arg10 : memref<!tpu.dma_semaphore, #tpu.memory_space<semaphore_mem>>)
    %dma_start3A_12 = arith.constant 0 : i32
    %dma_start3A_13 = arith.constant 0 : i32
    %dma_start3A_14 = arith.constant 0 : i32
    %dma_start3A_15 = tpu.memref_slice %arg9[%dma_start3A_12, %dma_start3A_13, %dma_start3A_14] : memref<4x8x512xi32, #tpu.memory_space<vmem>> -> memref<1x8x512xi32, #tpu.memory_space<vmem>>
    %dma_start3A_16 = tpu.memref_squeeze %dma_start3A_15 : memref<1x8x512xi32, #tpu.memory_space<vmem>> -> memref<8x512xi32, #tpu.memory_space<vmem>>
    %dma_start3A_17 = arith.constant 0 : i32
    %dma_start3A_18 = tpu.memref_slice %arg7[%dma_start3A_17] : memref<256xi32, #tpu.memory_space<vmem>> -> memref<8xi32, #tpu.memory_space<vmem>>
    %dma_start3A_19 = arith.constant 0 : i32
    %dma_start3A_20 = arith.constant 0 : i32
    %dma_start3A_21 = tpu.memref_slice %arg3[%dma_start3A_19, %dma_start3A_20] : memref<4096x512xi32, #tpu.memory_space<hbm>> -> memref<4096x512xi32, #tpu.memory_space<hbm>>
    tpu.enqueue_indirect_dma source(%dma_start3A_21 : memref<4096x512xi32, #tpu.memory_space<hbm>>) target(%dma_start3A_16 : memref<8x512xi32, #tpu.memory_space<vmem>>) offsets(%dma_start3A_18 : memref<8xi32, #tpu.memory_space<vmem>>) semaphore(%arg11 : memref<!tpu.dma_semaphore, #tpu.memory_space<semaphore_mem>>)
    %dma_start3A_22 = arith.constant 1 : i32
    %dma_start3A_23 = arith.constant 0 : i32
    %dma_start3A_24 = arith.constant 0 : i32
    %dma_start3A_25 = tpu.memref_slice %arg8[%dma_start3A_22, %dma_start3A_23, %dma_start3A_24] : memref<4x8x512xi32, #tpu.memory_space<vmem>> -> memref<1x8x512xi32, #tpu.memory_space<vmem>>
    %dma_start3A_26 = tpu.memref_squeeze %dma_start3A_25 : memref<1x8x512xi32, #tpu.memory_space<vmem>> -> memref<8x512xi32, #tpu.memory_space<vmem>>
    %dma_start3A_27 = arith.constant 8 : i32
    %dma_start3A_28 = tpu.memref_slice %arg7[%dma_start3A_27] : memref<256xi32, #tpu.memory_space<vmem>> -> memref<8xi32, #tpu.memory_space<vmem>>
    %dma_start3A_29 = arith.constant 0 : i32
    %dma_start3A_30 = arith.constant 0 : i32
    %dma_start3A_31 = tpu.memref_slice %arg2[%dma_start3A_29, %dma_start3A_30] : memref<4096x512xi32, #tpu.memory_space<hbm>> -> memref<4096x512xi32, #tpu.memory_space<hbm>>
    tpu.enqueue_indirect_dma source(%dma_start3A_31 : memref<4096x512xi32, #tpu.memory_space<hbm>>) target(%dma_start3A_26 : memref<8x512xi32, #tpu.memory_space<vmem>>) offsets(%dma_start3A_28 : memref<8xi32, #tpu.memory_space<vmem>>) semaphore(%arg10 : memref<!tpu.dma_semaphore, #tpu.memory_space<semaphore_mem>>)
    %dma_start3A_32 = arith.constant 1 : i32
    %dma_start3A_33 = arith.constant 0 : i32
    %dma_start3A_34 = arith.constant 0 : i32
    %dma_start3A_35 = tpu.memref_slice %arg9[%dma_start3A_32, %dma_start3A_33, %dma_start3A_34] : memref<4x8x512xi32, #tpu.memory_space<vmem>> -> memref<1x8x512xi32, #tpu.memory_space<vmem>>
    %dma_start3A_36 = tpu.memref_squeeze %dma_start3A_35 : memref<1x8x512xi32, #tpu.memory_space<vmem>> -> memref<8x512xi32, #tpu.memory_space<vmem>>
    %dma_start3A_37 = arith.constant 8 : i32
    %dma_start3A_38 = tpu.memref_slice %arg7[%dma_start3A_37] : memref<256xi32, #tpu.memory_space<vmem>> -> memref<8xi32, #tpu.memory_space<vmem>>
    %dma_start3A_39 = arith.constant 0 : i32
    %dma_start3A_40 = arith.constant 0 : i32
    %dma_start3A_41 = tpu.memref_slice %arg3[%dma_start3A_39, %dma_start3A_40] : memref<4096x512xi32, #tpu.memory_space<hbm>> -> memref<4096x512xi32, #tpu.memory_space<hbm>>
    tpu.enqueue_indirect_dma source(%dma_start3A_41 : memref<4096x512xi32, #tpu.memory_space<hbm>>) target(%dma_start3A_36 : memref<8x512xi32, #tpu.memory_space<vmem>>) offsets(%dma_start3A_38 : memref<8xi32, #tpu.memory_space<vmem>>) semaphore(%arg11 : memref<!tpu.dma_semaphore, #tpu.memory_space<semaphore_mem>>)
    %scan3A = arith.constant 0 : i32
    %scan3A_42 = arith.constant 0 : i32
    %scan3A_43 = arith.constant 8 : i32
    %scan3A_44 = arith.addi %scan3A_42, %scan3A_43 : i32
    %scan3A_45 = arith.constant 1 : i32
    %scan3A_46 = scf.for %scan3A_107 = %scan3A_42 to %scan3A_44 step %scan3A_45 iter_args(%scan3A_108 = %scan3A) -> (i32)  : i32 {
      %mul3A_109 = arith.constant 4 : i32
      %mul3A_110 = arith.muli %scan3A_107, %mul3A_109 : i32
      %add3A_111 = arith.constant 0 : i32
      %add3A_112 = arith.addi %mul3A_110, %add3A_111 : i32
      %mul3A_113 = arith.constant 8 : i32
      %mul3A_114 = arith.muli %add3A_112, %mul3A_113 : i32
      %add3A_115 = arith.addi %mul3A_2, %mul3A_114 : i32
      %dma_wait3A_116 = arith.constant 0 : i32
      %dma_wait3A_117 = arith.constant 0 : i32
      %dma_wait3A_118 = arith.constant 0 : i32
      %dma_wait3A_119 = tpu.memref_slice %arg8[%dma_wait3A_116, %dma_wait3A_117, %dma_wait3A_118] : memref<4x8x512xi32, #tpu.memory_space<vmem>> -> memref<1x8x512xi32, #tpu.memory_space<vmem>>
      %dma_wait3A_120 = tpu.memref_squeeze %dma_wait3A_119 : memref<1x8x512xi32, #tpu.memory_space<vmem>> -> memref<8x512xi32, #tpu.memory_space<vmem>>
      %dma_wait3A_121 = arith.constant 0 : i32
      %dma_wait3A_122 = arith.constant 0 : i32
      %dma_wait3A_123 = tpu.memref_slice %arg2[%dma_wait3A_121, %dma_wait3A_122] : memref<4096x512xi32, #tpu.memory_space<hbm>> -> memref<8x512xi32, #tpu.memory_space<hbm>>
      %dma_wait3A_124 = arith.constant 0 : i32
      %dma_wait3A_125 = arith.constant 0 : i32
      %dma_wait3A_126 = tpu.memref_slice %arg8[%dma_wait3A_116, %dma_wait3A_124, %dma_wait3A_125] : memref<4x8x512xi32, #tpu.memory_space<vmem>> -> memref<1x8x512xi32, #tpu.memory_space<vmem>>
      %dma_wait3A_127 = tpu.memref_squeeze %dma_wait3A_126 : memref<1x8x512xi32, #tpu.memory_space<vmem>> -> memref<8x512xi32, #tpu.memory_space<vmem>>
      %dma_wait3A_128 = arith.constant 0 : i32
      %dma_wait3A_129 = arith.constant 0 : i32
      %dma_wait3A_130 = tpu.memref_slice %arg2[%dma_wait3A_128, %dma_wait3A_129] : memref<4096x512xi32, #tpu.memory_space<hbm>> -> memref<8x512xi32, #tpu.memory_space<hbm>>
      tpu.wait_dma2 semaphore(%arg10 : memref<!tpu.dma_semaphore, #tpu.memory_space<semaphore_mem>>) src(%dma_wait3A_130 : memref<8x512xi32, #tpu.memory_space<hbm>>) dst(%dma_wait3A_127 : memref<8x512xi32, #tpu.memory_space<vmem>>)
      %dma_wait3A_131 = arith.constant 0 : i32
      %dma_wait3A_132 = arith.constant 0 : i32
      %dma_wait3A_133 = arith.constant 0 : i32
      %dma_wait3A_134 = tpu.memref_slice %arg9[%dma_wait3A_131, %dma_wait3A_132, %dma_wait3A_133] : memref<4x8x512xi32, #tpu.memory_space<vmem>> -> memref<1x8x512xi32, #tpu.memory_space<vmem>>
      %dma_wait3A_135 = tpu.memref_squeeze %dma_wait3A_134 : memref<1x8x512xi32, #tpu.memory_space<vmem>> -> memref<8x512xi32, #tpu.memory_space<vmem>>
      %dma_wait3A_136 = arith.constant 0 : i32
      %dma_wait3A_137 = arith.constant 0 : i32
      %dma_wait3A_138 = tpu.memref_slice %arg3[%dma_wait3A_136, %dma_wait3A_137] : memref<4096x512xi32, #tpu.memory_space<hbm>> -> memref<8x512xi32, #tpu.memory_space<hbm>>
      %dma_wait3A_139 = arith.constant 0 : i32
      %dma_wait3A_140 = arith.constant 0 : i32
      %dma_wait3A_141 = tpu.memref_slice %arg9[%dma_wait3A_131, %dma_wait3A_139, %dma_wait3A_140] : memref<4x8x512xi32, #tpu.memory_space<vmem>> -> memref<1x8x512xi32, #tpu.memory_space<vmem>>
      %dma_wait3A_142 = tpu.memref_squeeze %dma_wait3A_141 : memref<1x8x512xi32, #tpu.memory_space<vmem>> -> memref<8x512xi32, #tpu.memory_space<vmem>>
      %dma_wait3A_143 = arith.constant 0 : i32
      %dma_wait3A_144 = arith.constant 0 : i32
      %dma_wait3A_145 = tpu.memref_slice %arg3[%dma_wait3A_143, %dma_wait3A_144] : memref<4096x512xi32, #tpu.memory_space<hbm>> -> memref<8x512xi32, #tpu.memory_space<hbm>>
      tpu.wait_dma2 semaphore(%arg11 : memref<!tpu.dma_semaphore, #tpu.memory_space<semaphore_mem>>) src(%dma_wait3A_145 : memref<8x512xi32, #tpu.memory_space<hbm>>) dst(%dma_wait3A_142 : memref<8x512xi32, #tpu.memory_space<vmem>>)
      %dma_start3A_146 = arith.constant 0 : i32
      %dma_start3A_147 = arith.constant 0 : i32
      %dma_start3A_148 = arith.constant 0 : i32
      %dma_start3A_149 = tpu.memref_slice %arg8[%dma_start3A_146, %dma_start3A_147, %dma_start3A_148] : memref<4x8x512xi32, #tpu.memory_space<vmem>> -> memref<1x8x512xi32, #tpu.memory_space<vmem>>
      %dma_start3A_150 = tpu.memref_squeeze %dma_start3A_149 : memref<1x8x512xi32, #tpu.memory_space<vmem>> -> memref<8x512xi32, #tpu.memory_space<vmem>>
      %dma_start3A_151 = arith.constant 0 : i32
      %dma_start3A_152 = tpu.memref_slice %arg5[%add3A_115, %dma_start3A_151] : memref<8192x512xi32, #tpu.memory_space<hbm>> -> memref<8x512xi32, #tpu.memory_space<hbm>>
      %dma_start3A_153 = arith.constant 0 : i32
      %dma_start3A_154 = tpu.memref_slice %arg5[%add3A_115, %dma_start3A_153] : memref<8192x512xi32, #tpu.memory_space<hbm>> -> memref<8x512xi32, #tpu.memory_space<hbm>>
      %dma_start3A_155 = arith.constant 0 : i32
      %dma_start3A_156 = arith.constant 0 : i32
      %dma_start3A_157 = tpu.memref_slice %arg8[%dma_start3A_146, %dma_start3A_155, %dma_start3A_156] : memref<4x8x512xi32, #tpu.memory_space<vmem>> -> memref<1x8x512xi32, #tpu.memory_space<vmem>>
      %dma_start3A_158 = tpu.memref_squeeze %dma_start3A_157 : memref<1x8x512xi32, #tpu.memory_space<vmem>> -> memref<8x512xi32, #tpu.memory_space<vmem>>
      tpu.enqueue_dma source(%dma_start3A_158 : memref<8x512xi32, #tpu.memory_space<vmem>>) target(%dma_start3A_154 : memref<8x512xi32, #tpu.memory_space<hbm>>) target_semaphore(%arg12 : memref<!tpu.dma_semaphore, #tpu.memory_space<semaphore_mem>>)
      %dma_start3A_159 = arith.constant 0 : i32
      %dma_start3A_160 = arith.constant 0 : i32
      %dma_start3A_161 = arith.constant 0 : i32
      %dma_start3A_162 = tpu.memref_slice %arg9[%dma_start3A_159, %dma_start3A_160, %dma_start3A_161] : memref<4x8x512xi32, #tpu.memory_space<vmem>> -> memref<1x8x512xi32, #tpu.memory_space<vmem>>
      %dma_start3A_163 = tpu.memref_squeeze %dma_start3A_162 : memref<1x8x512xi32, #tpu.memory_space<vmem>> -> memref<8x512xi32, #tpu.memory_space<vmem>>
      %dma_start3A_164 = arith.constant 0 : i32
      %dma_start3A_165 = tpu.memref_slice %arg6[%add3A_115, %dma_start3A_164] : memref<8192x512xi32, #tpu.memory_space<hbm>> -> memref<8x512xi32, #tpu.memory_space<hbm>>
      %dma_start3A_166 = arith.constant 0 : i32
      %dma_start3A_167 = tpu.memref_slice %arg6[%add3A_115, %dma_start3A_166] : memref<8192x512xi32, #tpu.memory_space<hbm>> -> memref<8x512xi32, #tpu.memory_space<hbm>>
      %dma_start3A_168 = arith.constant 0 : i32
      %dma_start3A_169 = arith.constant 0 : i32
      %dma_start3A_170 = tpu.memref_slice %arg9[%dma_start3A_159, %dma_start3A_168, %dma_start3A_169] : memref<4x8x512xi32, #tpu.memory_space<vmem>> -> memref<1x8x512xi32, #tpu.memory_space<vmem>>
      %dma_start3A_171 = tpu.memref_squeeze %dma_start3A_170 : memref<1x8x512xi32, #tpu.memory_space<vmem>> -> memref<8x512xi32, #tpu.memory_space<vmem>>
      tpu.enqueue_dma source(%dma_start3A_171 : memref<8x512xi32, #tpu.memory_space<vmem>>) target(%dma_start3A_167 : memref<8x512xi32, #tpu.memory_space<hbm>>) target_semaphore(%arg13 : memref<!tpu.dma_semaphore, #tpu.memory_space<semaphore_mem>>)
      %add3A_172 = arith.constant 2 : i32
      %add3A_173 = arith.addi %add3A_112, %add3A_172 : i32
      %ge3A = arith.constant 4 : i32
      %ge3A_174 = arith.cmpi sge, %add3A_173, %ge3A : i32
      %convert_element_type3A = arith.extui %ge3A_174 : i1 to i32
      %cond3A = arith.constant 0 : i32
      %cond3A_175 = arith.cmpi ne, %convert_element_type3A, %cond3A : i32
      scf.if %cond3A_175 {
        %dma_wait3A_406 = arith.constant 2 : i32
        %dma_wait3A_407 = arith.constant 0 : i32
        %dma_wait3A_408 = arith.constant 0 : i32
        %dma_wait3A_409 = tpu.memref_slice %arg8[%dma_wait3A_406, %dma_wait3A_407, %dma_wait3A_408] : memref<4x8x512xi32, #tpu.memory_space<vmem>> -> memref<1x8x512xi32, #tpu.memory_space<vmem>>
        %dma_wait3A_410 = tpu.memref_squeeze %dma_wait3A_409 : memref<1x8x512xi32, #tpu.memory_space<vmem>> -> memref<8x512xi32, #tpu.memory_space<vmem>>
        %dma_wait3A_411 = arith.constant 0 : i32
        %dma_wait3A_412 = arith.constant 0 : i32
        %dma_wait3A_413 = tpu.memref_slice %arg5[%dma_wait3A_411, %dma_wait3A_412] : memref<8192x512xi32, #tpu.memory_space<hbm>> -> memref<8x512xi32, #tpu.memory_space<hbm>>
        %dma_wait3A_414 = arith.constant 0 : i32
        %dma_wait3A_415 = arith.constant 0 : i32
        %dma_wait3A_416 = tpu.memref_slice %arg5[%dma_wait3A_414, %dma_wait3A_415] : memref<8192x512xi32, #tpu.memory_space<hbm>> -> memref<8x512xi32, #tpu.memory_space<hbm>>
        %dma_wait3A_417 = arith.constant 0 : i32
        %dma_wait3A_418 = arith.constant 0 : i32
        %dma_wait3A_419 = tpu.memref_slice %arg8[%dma_wait3A_406, %dma_wait3A_417, %dma_wait3A_418] : memref<4x8x512xi32, #tpu.memory_space<vmem>> -> memref<1x8x512xi32, #tpu.memory_space<vmem>>
        %dma_wait3A_420 = tpu.memref_squeeze %dma_wait3A_419 : memref<1x8x512xi32, #tpu.memory_space<vmem>> -> memref<8x512xi32, #tpu.memory_space<vmem>>
        tpu.wait_dma2 semaphore(%arg12 : memref<!tpu.dma_semaphore, #tpu.memory_space<semaphore_mem>>) src(%dma_wait3A_420 : memref<8x512xi32, #tpu.memory_space<vmem>>) dst(%dma_wait3A_416 : memref<8x512xi32, #tpu.memory_space<hbm>>)
        %dma_wait3A_421 = arith.constant 2 : i32
        %dma_wait3A_422 = arith.constant 0 : i32
        %dma_wait3A_423 = arith.constant 0 : i32
        %dma_wait3A_424 = tpu.memref_slice %arg9[%dma_wait3A_421, %dma_wait3A_422, %dma_wait3A_423] : memref<4x8x512xi32, #tpu.memory_space<vmem>> -> memref<1x8x512xi32, #tpu.memory_space<vmem>>
        %dma_wait3A_425 = tpu.memref_squeeze %dma_wait3A_424 : memref<1x8x512xi32, #tpu.memory_space<vmem>> -> memref<8x512xi32, #tpu.memory_space<vmem>>
        %dma_wait3A_426 = arith.constant 0 : i32
        %dma_wait3A_427 = arith.constant 0 : i32
        %dma_wait3A_428 = tpu.memref_slice %arg6[%dma_wait3A_426, %dma_wait3A_427] : memref<8192x512xi32, #tpu.memory_space<hbm>> -> memref<8x512xi32, #tpu.memory_space<hbm>>
        %dma_wait3A_429 = arith.constant 0 : i32
        %dma_wait3A_430 = arith.constant 0 : i32
        %dma_wait3A_431 = tpu.memref_slice %arg6[%dma_wait3A_429, %dma_wait3A_430] : memref<8192x512xi32, #tpu.memory_space<hbm>> -> memref<8x512xi32, #tpu.memory_space<hbm>>
        %dma_wait3A_432 = arith.constant 0 : i32
        %dma_wait3A_433 = arith.constant 0 : i32
        %dma_wait3A_434 = tpu.memref_slice %arg9[%dma_wait3A_421, %dma_wait3A_432, %dma_wait3A_433] : memref<4x8x512xi32, #tpu.memory_space<vmem>> -> memref<1x8x512xi32, #tpu.memory_space<vmem>>
        %dma_wait3A_435 = tpu.memref_squeeze %dma_wait3A_434 : memref<1x8x512xi32, #tpu.memory_space<vmem>> -> memref<8x512xi32, #tpu.memory_space<vmem>>
        tpu.wait_dma2 semaphore(%arg13 : memref<!tpu.dma_semaphore, #tpu.memory_space<semaphore_mem>>) src(%dma_wait3A_435 : memref<8x512xi32, #tpu.memory_space<vmem>>) dst(%dma_wait3A_431 : memref<8x512xi32, #tpu.memory_space<hbm>>)
      } else {
      }
      %lt3A = arith.constant 32 : i32
      %lt3A_176 = arith.cmpi slt, %add3A_173, %lt3A : i32
      %convert_element_type3A_177 = arith.extui %lt3A_176 : i1 to i32
      %cond3A_178 = arith.constant 0 : i32
      %cond3A_179 = arith.cmpi ne, %convert_element_type3A_177, %cond3A_178 : i32
      scf.if %cond3A_179 {
        %mul3A_406 = arith.constant 8 : i32
        %mul3A_407 = arith.muli %add3A_173, %mul3A_406 : i32
        %dma_start3A_408 = arith.constant 2 : i32
        %dma_start3A_409 = arith.constant 0 : i32
        %dma_start3A_410 = arith.constant 0 : i32
        %dma_start3A_411 = tpu.memref_slice %arg8[%dma_start3A_408, %dma_start3A_409, %dma_start3A_410] : memref<4x8x512xi32, #tpu.memory_space<vmem>> -> memref<1x8x512xi32, #tpu.memory_space<vmem>>
        %dma_start3A_412 = tpu.memref_squeeze %dma_start3A_411 : memref<1x8x512xi32, #tpu.memory_space<vmem>> -> memref<8x512xi32, #tpu.memory_space<vmem>>
        %dma_start3A_413 = tpu.memref_slice %arg7[%mul3A_407] : memref<256xi32, #tpu.memory_space<vmem>> -> memref<8xi32, #tpu.memory_space<vmem>>
        %dma_start3A_414 = arith.constant 0 : i32
        %dma_start3A_415 = arith.constant 0 : i32
        %dma_start3A_416 = tpu.memref_slice %arg2[%dma_start3A_414, %dma_start3A_415] : memref<4096x512xi32, #tpu.memory_space<hbm>> -> memref<4096x512xi32, #tpu.memory_space<hbm>>
        tpu.enqueue_indirect_dma source(%dma_start3A_416 : memref<4096x512xi32, #tpu.memory_space<hbm>>) target(%dma_start3A_412 : memref<8x512xi32, #tpu.memory_space<vmem>>) offsets(%dma_start3A_413 : memref<8xi32, #tpu.memory_space<vmem>>) semaphore(%arg10 : memref<!tpu.dma_semaphore, #tpu.memory_space<semaphore_mem>>)
        %dma_start3A_417 = arith.constant 2 : i32
        %dma_start3A_418 = arith.constant 0 : i32
        %dma_start3A_419 = arith.constant 0 : i32
        %dma_start3A_420 = tpu.memref_slice %arg9[%dma_start3A_417, %dma_start3A_418, %dma_start3A_419] : memref<4x8x512xi32, #tpu.memory_space<vmem>> -> memref<1x8x512xi32, #tpu.memory_space<vmem>>
        %dma_start3A_421 = tpu.memref_squeeze %dma_start3A_420 : memref<1x8x512xi32, #tpu.memory_space<vmem>> -> memref<8x512xi32, #tpu.memory_space<vmem>>
        %dma_start3A_422 = tpu.memref_slice %arg7[%mul3A_407] : memref<256xi32, #tpu.memory_space<vmem>> -> memref<8xi32, #tpu.memory_space<vmem>>
        %dma_start3A_423 = arith.constant 0 : i32
        %dma_start3A_424 = arith.constant 0 : i32
        %dma_start3A_425 = tpu.memref_slice %arg3[%dma_start3A_423, %dma_start3A_424] : memref<4096x512xi32, #tpu.memory_space<hbm>> -> memref<4096x512xi32, #tpu.memory_space<hbm>>
        tpu.enqueue_indirect_dma source(%dma_start3A_425 : memref<4096x512xi32, #tpu.memory_space<hbm>>) target(%dma_start3A_421 : memref<8x512xi32, #tpu.memory_space<vmem>>) offsets(%dma_start3A_422 : memref<8xi32, #tpu.memory_space<vmem>>) semaphore(%arg11 : memref<!tpu.dma_semaphore, #tpu.memory_space<semaphore_mem>>)
      } else {
      }
      %mul3A_180 = arith.constant 4 : i32
      %mul3A_181 = arith.muli %scan3A_107, %mul3A_180 : i32
      %add3A_182 = arith.constant 1 : i32
      %add3A_183 = arith.addi %mul3A_181, %add3A_182 : i32
      %mul3A_184 = arith.constant 8 : i32
      %mul3A_185 = arith.muli %add3A_183, %mul3A_184 : i32
      %add3A_186 = arith.addi %mul3A_2, %mul3A_185 : i32
      %dma_wait3A_187 = arith.constant 1 : i32
      %dma_wait3A_188 = arith.constant 0 : i32
      %dma_wait3A_189 = arith.constant 0 : i32
      %dma_wait3A_190 = tpu.memref_slice %arg8[%dma_wait3A_187, %dma_wait3A_188, %dma_wait3A_189] : memref<4x8x512xi32, #tpu.memory_space<vmem>> -> memref<1x8x512xi32, #tpu.memory_space<vmem>>
      %dma_wait3A_191 = tpu.memref_squeeze %dma_wait3A_190 : memref<1x8x512xi32, #tpu.memory_space<vmem>> -> memref<8x512xi32, #tpu.memory_space<vmem>>
      %dma_wait3A_192 = arith.constant 0 : i32
      %dma_wait3A_193 = arith.constant 0 : i32
      %dma_wait3A_194 = tpu.memref_slice %arg2[%dma_wait3A_192, %dma_wait3A_193] : memref<4096x512xi32, #tpu.memory_space<hbm>> -> memref<8x512xi32, #tpu.memory_space<hbm>>
      %dma_wait3A_195 = arith.constant 0 : i32
      %dma_wait3A_196 = arith.constant 0 : i32
      %dma_wait3A_197 = tpu.memref_slice %arg8[%dma_wait3A_187, %dma_wait3A_195, %dma_wait3A_196] : memref<4x8x512xi32, #tpu.memory_space<vmem>> -> memref<1x8x512xi32, #tpu.memory_space<vmem>>
      %dma_wait3A_198 = tpu.memref_squeeze %dma_wait3A_197 : memref<1x8x512xi32, #tpu.memory_space<vmem>> -> memref<8x512xi32, #tpu.memory_space<vmem>>
      %dma_wait3A_199 = arith.constant 0 : i32
      %dma_wait3A_200 = arith.constant 0 : i32
      %dma_wait3A_201 = tpu.memref_slice %arg2[%dma_wait3A_199, %dma_wait3A_200] : memref<4096x512xi32, #tpu.memory_space<hbm>> -> memref<8x512xi32, #tpu.memory_space<hbm>>
      tpu.wait_dma2 semaphore(%arg10 : memref<!tpu.dma_semaphore, #tpu.memory_space<semaphore_mem>>) src(%dma_wait3A_201 : memref<8x512xi32, #tpu.memory_space<hbm>>) dst(%dma_wait3A_198 : memref<8x512xi32, #tpu.memory_space<vmem>>)
      %dma_wait3A_202 = arith.constant 1 : i32
      %dma_wait3A_203 = arith.constant 0 : i32
      %dma_wait3A_204 = arith.constant 0 : i32
      %dma_wait3A_205 = tpu.memref_slice %arg9[%dma_wait3A_202, %dma_wait3A_203, %dma_wait3A_204] : memref<4x8x512xi32, #tpu.memory_space<vmem>> -> memref<1x8x512xi32, #tpu.memory_space<vmem>>
      %dma_wait3A_206 = tpu.memref_squeeze %dma_wait3A_205 : memref<1x8x512xi32, #tpu.memory_space<vmem>> -> memref<8x512xi32, #tpu.memory_space<vmem>>
      %dma_wait3A_207 = arith.constant 0 : i32
      %dma_wait3A_208 = arith.constant 0 : i32
      %dma_wait3A_209 = tpu.memref_slice %arg3[%dma_wait3A_207, %dma_wait3A_208] : memref<4096x512xi32, #tpu.memory_space<hbm>> -> memref<8x512xi32, #tpu.memory_space<hbm>>
      %dma_wait3A_210 = arith.constant 0 : i32
      %dma_wait3A_211 = arith.constant 0 : i32
      %dma_wait3A_212 = tpu.memref_slice %arg9[%dma_wait3A_202, %dma_wait3A_210, %dma_wait3A_211] : memref<4x8x512xi32, #tpu.memory_space<vmem>> -> memref<1x8x512xi32, #tpu.memory_space<vmem>>
      %dma_wait3A_213 = tpu.memref_squeeze %dma_wait3A_212 : memref<1x8x512xi32, #tpu.memory_space<vmem>> -> memref<8x512xi32, #tpu.memory_space<vmem>>
      %dma_wait3A_214 = arith.constant 0 : i32
      %dma_wait3A_215 = arith.constant 0 : i32
      %dma_wait3A_216 = tpu.memref_slice %arg3[%dma_wait3A_214, %dma_wait3A_215] : memref<4096x512xi32, #tpu.memory_space<hbm>> -> memref<8x512xi32, #tpu.memory_space<hbm>>
      tpu.wait_dma2 semaphore(%arg11 : memref<!tpu.dma_semaphore, #tpu.memory_space<semaphore_mem>>) src(%dma_wait3A_216 : memref<8x512xi32, #tpu.memory_space<hbm>>) dst(%dma_wait3A_213 : memref<8x512xi32, #tpu.memory_space<vmem>>)
      %dma_start3A_217 = arith.constant 1 : i32
      %dma_start3A_218 = arith.constant 0 : i32
      %dma_start3A_219 = arith.constant 0 : i32
      %dma_start3A_220 = tpu.memref_slice %arg8[%dma_start3A_217, %dma_start3A_218, %dma_start3A_219] : memref<4x8x512xi32, #tpu.memory_space<vmem>> -> memref<1x8x512xi32, #tpu.memory_space<vmem>>
      %dma_start3A_221 = tpu.memref_squeeze %dma_start3A_220 : memref<1x8x512xi32, #tpu.memory_space<vmem>> -> memref<8x512xi32, #tpu.memory_space<vmem>>
      %dma_start3A_222 = arith.constant 0 : i32
      %dma_start3A_223 = tpu.memref_slice %arg5[%add3A_186, %dma_start3A_222] : memref<8192x512xi32, #tpu.memory_space<hbm>> -> memref<8x512xi32, #tpu.memory_space<hbm>>
      %dma_start3A_224 = arith.constant 0 : i32
      %dma_start3A_225 = tpu.memref_slice %arg5[%add3A_186, %dma_start3A_224] : memref<8192x512xi32, #tpu.memory_space<hbm>> -> memref<8x512xi32, #tpu.memory_space<hbm>>
      %dma_start3A_226 = arith.constant 0 : i32
      %dma_start3A_227 = arith.constant 0 : i32
      %dma_start3A_228 = tpu.memref_slice %arg8[%dma_start3A_217, %dma_start3A_226, %dma_start3A_227] : memref<4x8x512xi32, #tpu.memory_space<vmem>> -> memref<1x8x512xi32, #tpu.memory_space<vmem>>
      %dma_start3A_229 = tpu.memref_squeeze %dma_start3A_228 : memref<1x8x512xi32, #tpu.memory_space<vmem>> -> memref<8x512xi32, #tpu.memory_space<vmem>>
      tpu.enqueue_dma source(%dma_start3A_229 : memref<8x512xi32, #tpu.memory_space<vmem>>) target(%dma_start3A_225 : memref<8x512xi32, #tpu.memory_space<hbm>>) target_semaphore(%arg12 : memref<!tpu.dma_semaphore, #tpu.memory_space<semaphore_mem>>)
      %dma_start3A_230 = arith.constant 1 : i32
      %dma_start3A_231 = arith.constant 0 : i32
      %dma_start3A_232 = arith.constant 0 : i32
      %dma_start3A_233 = tpu.memref_slice %arg9[%dma_start3A_230, %dma_start3A_231, %dma_start3A_232] : memref<4x8x512xi32, #tpu.memory_space<vmem>> -> memref<1x8x512xi32, #tpu.memory_space<vmem>>
      %dma_start3A_234 = tpu.memref_squeeze %dma_start3A_233 : memref<1x8x512xi32, #tpu.memory_space<vmem>> -> memref<8x512xi32, #tpu.memory_space<vmem>>
      %dma_start3A_235 = arith.constant 0 : i32
      %dma_start3A_236 = tpu.memref_slice %arg6[%add3A_186, %dma_start3A_235] : memref<8192x512xi32, #tpu.memory_space<hbm>> -> memref<8x512xi32, #tpu.memory_space<hbm>>
      %dma_start3A_237 = arith.constant 0 : i32
      %dma_start3A_238 = tpu.memref_slice %arg6[%add3A_186, %dma_start3A_237] : memref<8192x512xi32, #tpu.memory_space<hbm>> -> memref<8x512xi32, #tpu.memory_space<hbm>>
      %dma_start3A_239 = arith.constant 0 : i32
      %dma_start3A_240 = arith.constant 0 : i32
      %dma_start3A_241 = tpu.memref_slice %arg9[%dma_start3A_230, %dma_start3A_239, %dma_start3A_240] : memref<4x8x512xi32, #tpu.memory_space<vmem>> -> memref<1x8x512xi32, #tpu.memory_space<vmem>>
      %dma_start3A_242 = tpu.memref_squeeze %dma_start3A_241 : memref<1x8x512xi32, #tpu.memory_space<vmem>> -> memref<8x512xi32, #tpu.memory_space<vmem>>
      tpu.enqueue_dma source(%dma_start3A_242 : memref<8x512xi32, #tpu.memory_space<vmem>>) target(%dma_start3A_238 : memref<8x512xi32, #tpu.memory_space<hbm>>) target_semaphore(%arg13 : memref<!tpu.dma_semaphore, #tpu.memory_space<semaphore_mem>>)
      %add3A_243 = arith.constant 2 : i32
      %add3A_244 = arith.addi %add3A_183, %add3A_243 : i32
      %ge3A_245 = arith.constant 4 : i32
      %ge3A_246 = arith.cmpi sge, %add3A_244, %ge3A_245 : i32
      %convert_element_type3A_247 = arith.extui %ge3A_246 : i1 to i32
      %cond3A_248 = arith.constant 0 : i32
      %cond3A_249 = arith.cmpi ne, %convert_element_type3A_247, %cond3A_248 : i32
      scf.if %cond3A_249 {
        %dma_wait3A_406 = arith.constant 3 : i32
        %dma_wait3A_407 = arith.constant 0 : i32
        %dma_wait3A_408 = arith.constant 0 : i32
        %dma_wait3A_409 = tpu.memref_slice %arg8[%dma_wait3A_406, %dma_wait3A_407, %dma_wait3A_408] : memref<4x8x512xi32, #tpu.memory_space<vmem>> -> memref<1x8x512xi32, #tpu.memory_space<vmem>>
        %dma_wait3A_410 = tpu.memref_squeeze %dma_wait3A_409 : memref<1x8x512xi32, #tpu.memory_space<vmem>> -> memref<8x512xi32, #tpu.memory_space<vmem>>
        %dma_wait3A_411 = arith.constant 0 : i32
        %dma_wait3A_412 = arith.constant 0 : i32
        %dma_wait3A_413 = tpu.memref_slice %arg5[%dma_wait3A_411, %dma_wait3A_412] : memref<8192x512xi32, #tpu.memory_space<hbm>> -> memref<8x512xi32, #tpu.memory_space<hbm>>
        %dma_wait3A_414 = arith.constant 0 : i32
        %dma_wait3A_415 = arith.constant 0 : i32
        %dma_wait3A_416 = tpu.memref_slice %arg5[%dma_wait3A_414, %dma_wait3A_415] : memref<8192x512xi32, #tpu.memory_space<hbm>> -> memref<8x512xi32, #tpu.memory_space<hbm>>
        %dma_wait3A_417 = arith.constant 0 : i32
        %dma_wait3A_418 = arith.constant 0 : i32
        %dma_wait3A_419 = tpu.memref_slice %arg8[%dma_wait3A_406, %dma_wait3A_417, %dma_wait3A_418] : memref<4x8x512xi32, #tpu.memory_space<vmem>> -> memref<1x8x512xi32, #tpu.memory_space<vmem>>
        %dma_wait3A_420 = tpu.memref_squeeze %dma_wait3A_419 : memref<1x8x512xi32, #tpu.memory_space<vmem>> -> memref<8x512xi32, #tpu.memory_space<vmem>>
        tpu.wait_dma2 semaphore(%arg12 : memref<!tpu.dma_semaphore, #tpu.memory_space<semaphore_mem>>) src(%dma_wait3A_420 : memref<8x512xi32, #tpu.memory_space<vmem>>) dst(%dma_wait3A_416 : memref<8x512xi32, #tpu.memory_space<hbm>>)
        %dma_wait3A_421 = arith.constant 3 : i32
        %dma_wait3A_422 = arith.constant 0 : i32
        %dma_wait3A_423 = arith.constant 0 : i32
        %dma_wait3A_424 = tpu.memref_slice %arg9[%dma_wait3A_421, %dma_wait3A_422, %dma_wait3A_423] : memref<4x8x512xi32, #tpu.memory_space<vmem>> -> memref<1x8x512xi32, #tpu.memory_space<vmem>>
        %dma_wait3A_425 = tpu.memref_squeeze %dma_wait3A_424 : memref<1x8x512xi32, #tpu.memory_space<vmem>> -> memref<8x512xi32, #tpu.memory_space<vmem>>
        %dma_wait3A_426 = arith.constant 0 : i32
        %dma_wait3A_427 = arith.constant 0 : i32
        %dma_wait3A_428 = tpu.memref_slice %arg6[%dma_wait3A_426, %dma_wait3A_427] : memref<8192x512xi32, #tpu.memory_space<hbm>> -> memref<8x512xi32, #tpu.memory_space<hbm>>
        %dma_wait3A_429 = arith.constant 0 : i32
        %dma_wait3A_430 = arith.constant 0 : i32
        %dma_wait3A_431 = tpu.memref_slice %arg6[%dma_wait3A_429, %dma_wait3A_430] : memref<8192x512xi32, #tpu.memory_space<hbm>> -> memref<8x512xi32, #tpu.memory_space<hbm>>
        %dma_wait3A_432 = arith.constant 0 : i32
        %dma_wait3A_433 = arith.constant 0 : i32
        %dma_wait3A_434 = tpu.memref_slice %arg9[%dma_wait3A_421, %dma_wait3A_432, %dma_wait3A_433] : memref<4x8x512xi32, #tpu.memory_space<vmem>> -> memref<1x8x512xi32, #tpu.memory_space<vmem>>
        %dma_wait3A_435 = tpu.memref_squeeze %dma_wait3A_434 : memref<1x8x512xi32, #tpu.memory_space<vmem>> -> memref<8x512xi32, #tpu.memory_space<vmem>>
        tpu.wait_dma2 semaphore(%arg13 : memref<!tpu.dma_semaphore, #tpu.memory_space<semaphore_mem>>) src(%dma_wait3A_435 : memref<8x512xi32, #tpu.memory_space<vmem>>) dst(%dma_wait3A_431 : memref<8x512xi32, #tpu.memory_space<hbm>>)
      } else {
      }
      %lt3A_250 = arith.constant 32 : i32
      %lt3A_251 = arith.cmpi slt, %add3A_244, %lt3A_250 : i32
      %convert_element_type3A_252 = arith.extui %lt3A_251 : i1 to i32
      %cond3A_253 = arith.constant 0 : i32
      %cond3A_254 = arith.cmpi ne, %convert_element_type3A_252, %cond3A_253 : i32
      scf.if %cond3A_254 {
        %mul3A_406 = arith.constant 8 : i32
        %mul3A_407 = arith.muli %add3A_244, %mul3A_406 : i32
        %dma_start3A_408 = arith.constant 3 : i32
        %dma_start3A_409 = arith.constant 0 : i32
        %dma_start3A_410 = arith.constant 0 : i32
        %dma_start3A_411 = tpu.memref_slice %arg8[%dma_start3A_408, %dma_start3A_409, %dma_start3A_410] : memref<4x8x512xi32, #tpu.memory_space<vmem>> -> memref<1x8x512xi32, #tpu.memory_space<vmem>>
        %dma_start3A_412 = tpu.memref_squeeze %dma_start3A_411 : memref<1x8x512xi32, #tpu.memory_space<vmem>> -> memref<8x512xi32, #tpu.memory_space<vmem>>
        %dma_start3A_413 = tpu.memref_slice %arg7[%mul3A_407] : memref<256xi32, #tpu.memory_space<vmem>> -> memref<8xi32, #tpu.memory_space<vmem>>
        %dma_start3A_414 = arith.constant 0 : i32
        %dma_start3A_415 = arith.constant 0 : i32
        %dma_start3A_416 = tpu.memref_slice %arg2[%dma_start3A_414, %dma_start3A_415] : memref<4096x512xi32, #tpu.memory_space<hbm>> -> memref<4096x512xi32, #tpu.memory_space<hbm>>
        tpu.enqueue_indirect_dma source(%dma_start3A_416 : memref<4096x512xi32, #tpu.memory_space<hbm>>) target(%dma_start3A_412 : memref<8x512xi32, #tpu.memory_space<vmem>>) offsets(%dma_start3A_413 : memref<8xi32, #tpu.memory_space<vmem>>) semaphore(%arg10 : memref<!tpu.dma_semaphore, #tpu.memory_space<semaphore_mem>>)
        %dma_start3A_417 = arith.constant 3 : i32
        %dma_start3A_418 = arith.constant 0 : i32
        %dma_start3A_419 = arith.constant 0 : i32
        %dma_start3A_420 = tpu.memref_slice %arg9[%dma_start3A_417, %dma_start3A_418, %dma_start3A_419] : memref<4x8x512xi32, #tpu.memory_space<vmem>> -> memref<1x8x512xi32, #tpu.memory_space<vmem>>
        %dma_start3A_421 = tpu.memref_squeeze %dma_start3A_420 : memref<1x8x512xi32, #tpu.memory_space<vmem>> -> memref<8x512xi32, #tpu.memory_space<vmem>>
        %dma_start3A_422 = tpu.memref_slice %arg7[%mul3A_407] : memref<256xi32, #tpu.memory_space<vmem>> -> memref<8xi32, #tpu.memory_space<vmem>>
        %dma_start3A_423 = arith.constant 0 : i32
        %dma_start3A_424 = arith.constant 0 : i32
        %dma_start3A_425 = tpu.memref_slice %arg3[%dma_start3A_423, %dma_start3A_424] : memref<4096x512xi32, #tpu.memory_space<hbm>> -> memref<4096x512xi32, #tpu.memory_space<hbm>>
        tpu.enqueue_indirect_dma source(%dma_start3A_425 : memref<4096x512xi32, #tpu.memory_space<hbm>>) target(%dma_start3A_421 : memref<8x512xi32, #tpu.memory_space<vmem>>) offsets(%dma_start3A_422 : memref<8xi32, #tpu.memory_space<vmem>>) semaphore(%arg11 : memref<!tpu.dma_semaphore, #tpu.memory_space<semaphore_mem>>)
      } else {
      }
      %mul3A_255 = arith.constant 4 : i32
      %mul3A_256 = arith.muli %scan3A_107, %mul3A_255 : i32
      %add3A_257 = arith.constant 2 : i32
      %add3A_258 = arith.addi %mul3A_256, %add3A_257 : i32
      %mul3A_259 = arith.constant 8 : i32
      %mul3A_260 = arith.muli %add3A_258, %mul3A_259 : i32
      %add3A_261 = arith.addi %mul3A_2, %mul3A_260 : i32
      %dma_wait3A_262 = arith.constant 2 : i32
      %dma_wait3A_263 = arith.constant 0 : i32
      %dma_wait3A_264 = arith.constant 0 : i32
      %dma_wait3A_265 = tpu.memref_slice %arg8[%dma_wait3A_262, %dma_wait3A_263, %dma_wait3A_264] : memref<4x8x512xi32, #tpu.memory_space<vmem>> -> memref<1x8x512xi32, #tpu.memory_space<vmem>>
      %dma_wait3A_266 = tpu.memref_squeeze %dma_wait3A_265 : memref<1x8x512xi32, #tpu.memory_space<vmem>> -> memref<8x512xi32, #tpu.memory_space<vmem>>
      %dma_wait3A_267 = arith.constant 0 : i32
      %dma_wait3A_268 = arith.constant 0 : i32
      %dma_wait3A_269 = tpu.memref_slice %arg2[%dma_wait3A_267, %dma_wait3A_268] : memref<4096x512xi32, #tpu.memory_space<hbm>> -> memref<8x512xi32, #tpu.memory_space<hbm>>
      %dma_wait3A_270 = arith.constant 0 : i32
      %dma_wait3A_271 = arith.constant 0 : i32
      %dma_wait3A_272 = tpu.memref_slice %arg8[%dma_wait3A_262, %dma_wait3A_270, %dma_wait3A_271] : memref<4x8x512xi32, #tpu.memory_space<vmem>> -> memref<1x8x512xi32, #tpu.memory_space<vmem>>
      %dma_wait3A_273 = tpu.memref_squeeze %dma_wait3A_272 : memref<1x8x512xi32, #tpu.memory_space<vmem>> -> memref<8x512xi32, #tpu.memory_space<vmem>>
      %dma_wait3A_274 = arith.constant 0 : i32
      %dma_wait3A_275 = arith.constant 0 : i32
      %dma_wait3A_276 = tpu.memref_slice %arg2[%dma_wait3A_274, %dma_wait3A_275] : memref<4096x512xi32, #tpu.memory_space<hbm>> -> memref<8x512xi32, #tpu.memory_space<hbm>>
      tpu.wait_dma2 semaphore(%arg10 : memref<!tpu.dma_semaphore, #tpu.memory_space<semaphore_mem>>) src(%dma_wait3A_276 : memref<8x512xi32, #tpu.memory_space<hbm>>) dst(%dma_wait3A_273 : memref<8x512xi32, #tpu.memory_space<vmem>>)
      %dma_wait3A_277 = arith.constant 2 : i32
      %dma_wait3A_278 = arith.constant 0 : i32
      %dma_wait3A_279 = arith.constant 0 : i32
      %dma_wait3A_280 = tpu.memref_slice %arg9[%dma_wait3A_277, %dma_wait3A_278, %dma_wait3A_279] : memref<4x8x512xi32, #tpu.memory_space<vmem>> -> memref<1x8x512xi32, #tpu.memory_space<vmem>>
      %dma_wait3A_281 = tpu.memref_squeeze %dma_wait3A_280 : memref<1x8x512xi32, #tpu.memory_space<vmem>> -> memref<8x512xi32, #tpu.memory_space<vmem>>
      %dma_wait3A_282 = arith.constant 0 : i32
      %dma_wait3A_283 = arith.constant 0 : i32
      %dma_wait3A_284 = tpu.memref_slice %arg3[%dma_wait3A_282, %dma_wait3A_283] : memref<4096x512xi32, #tpu.memory_space<hbm>> -> memref<8x512xi32, #tpu.memory_space<hbm>>
      %dma_wait3A_285 = arith.constant 0 : i32
      %dma_wait3A_286 = arith.constant 0 : i32
      %dma_wait3A_287 = tpu.memref_slice %arg9[%dma_wait3A_277, %dma_wait3A_285, %dma_wait3A_286] : memref<4x8x512xi32, #tpu.memory_space<vmem>> -> memref<1x8x512xi32, #tpu.memory_space<vmem>>
      %dma_wait3A_288 = tpu.memref_squeeze %dma_wait3A_287 : memref<1x8x512xi32, #tpu.memory_space<vmem>> -> memref<8x512xi32, #tpu.memory_space<vmem>>
      %dma_wait3A_289 = arith.constant 0 : i32
      %dma_wait3A_290 = arith.constant 0 : i32
      %dma_wait3A_291 = tpu.memref_slice %arg3[%dma_wait3A_289, %dma_wait3A_290] : memref<4096x512xi32, #tpu.memory_space<hbm>> -> memref<8x512xi32, #tpu.memory_space<hbm>>
      tpu.wait_dma2 semaphore(%arg11 : memref<!tpu.dma_semaphore, #tpu.memory_space<semaphore_mem>>) src(%dma_wait3A_291 : memref<8x512xi32, #tpu.memory_space<hbm>>) dst(%dma_wait3A_288 : memref<8x512xi32, #tpu.memory_space<vmem>>)
      %dma_start3A_292 = arith.constant 2 : i32
      %dma_start3A_293 = arith.constant 0 : i32
      %dma_start3A_294 = arith.constant 0 : i32
      %dma_start3A_295 = tpu.memref_slice %arg8[%dma_start3A_292, %dma_start3A_293, %dma_start3A_294] : memref<4x8x512xi32, #tpu.memory_space<vmem>> -> memref<1x8x512xi32, #tpu.memory_space<vmem>>
      %dma_start3A_296 = tpu.memref_squeeze %dma_start3A_295 : memref<1x8x512xi32, #tpu.memory_space<vmem>> -> memref<8x512xi32, #tpu.memory_space<vmem>>
      %dma_start3A_297 = arith.constant 0 : i32
      %dma_start3A_298 = tpu.memref_slice %arg5[%add3A_261, %dma_start3A_297] : memref<8192x512xi32, #tpu.memory_space<hbm>> -> memref<8x512xi32, #tpu.memory_space<hbm>>
      %dma_start3A_299 = arith.constant 0 : i32
      %dma_start3A_300 = tpu.memref_slice %arg5[%add3A_261, %dma_start3A_299] : memref<8192x512xi32, #tpu.memory_space<hbm>> -> memref<8x512xi32, #tpu.memory_space<hbm>>
      %dma_start3A_301 = arith.constant 0 : i32
      %dma_start3A_302 = arith.constant 0 : i32
      %dma_start3A_303 = tpu.memref_slice %arg8[%dma_start3A_292, %dma_start3A_301, %dma_start3A_302] : memref<4x8x512xi32, #tpu.memory_space<vmem>> -> memref<1x8x512xi32, #tpu.memory_space<vmem>>
      %dma_start3A_304 = tpu.memref_squeeze %dma_start3A_303 : memref<1x8x512xi32, #tpu.memory_space<vmem>> -> memref<8x512xi32, #tpu.memory_space<vmem>>
      tpu.enqueue_dma source(%dma_start3A_304 : memref<8x512xi32, #tpu.memory_space<vmem>>) target(%dma_start3A_300 : memref<8x512xi32, #tpu.memory_space<hbm>>) target_semaphore(%arg12 : memref<!tpu.dma_semaphore, #tpu.memory_space<semaphore_mem>>)
      %dma_start3A_305 = arith.constant 2 : i32
      %dma_start3A_306 = arith.constant 0 : i32
      %dma_start3A_307 = arith.constant 0 : i32
      %dma_start3A_308 = tpu.memref_slice %arg9[%dma_start3A_305, %dma_start3A_306, %dma_start3A_307] : memref<4x8x512xi32, #tpu.memory_space<vmem>> -> memref<1x8x512xi32, #tpu.memory_space<vmem>>
      %dma_start3A_309 = tpu.memref_squeeze %dma_start3A_308 : memref<1x8x512xi32, #tpu.memory_space<vmem>> -> memref<8x512xi32, #tpu.memory_space<vmem>>
      %dma_start3A_310 = arith.constant 0 : i32
      %dma_start3A_311 = tpu.memref_slice %arg6[%add3A_261, %dma_start3A_310] : memref<8192x512xi32, #tpu.memory_space<hbm>> -> memref<8x512xi32, #tpu.memory_space<hbm>>
      %dma_start3A_312 = arith.constant 0 : i32
      %dma_start3A_313 = tpu.memref_slice %arg6[%add3A_261, %dma_start3A_312] : memref<8192x512xi32, #tpu.memory_space<hbm>> -> memref<8x512xi32, #tpu.memory_space<hbm>>
      %dma_start3A_314 = arith.constant 0 : i32
      %dma_start3A_315 = arith.constant 0 : i32
      %dma_start3A_316 = tpu.memref_slice %arg9[%dma_start3A_305, %dma_start3A_314, %dma_start3A_315] : memref<4x8x512xi32, #tpu.memory_space<vmem>> -> memref<1x8x512xi32, #tpu.memory_space<vmem>>
      %dma_start3A_317 = tpu.memref_squeeze %dma_start3A_316 : memref<1x8x512xi32, #tpu.memory_space<vmem>> -> memref<8x512xi32, #tpu.memory_space<vmem>>
      tpu.enqueue_dma source(%dma_start3A_317 : memref<8x512xi32, #tpu.memory_space<vmem>>) target(%dma_start3A_313 : memref<8x512xi32, #tpu.memory_space<hbm>>) target_semaphore(%arg13 : memref<!tpu.dma_semaphore, #tpu.memory_space<semaphore_mem>>)
      %add3A_318 = arith.constant 2 : i32
      %add3A_319 = arith.addi %add3A_258, %add3A_318 : i32
      %ge3A_320 = arith.constant 4 : i32
      %ge3A_321 = arith.cmpi sge, %add3A_319, %ge3A_320 : i32
      %convert_element_type3A_322 = arith.extui %ge3A_321 : i1 to i32
      %cond3A_323 = arith.constant 0 : i32
      %cond3A_324 = arith.cmpi ne, %convert_element_type3A_322, %cond3A_323 : i32
      scf.if %cond3A_324 {
        %dma_wait3A_406 = arith.constant 0 : i32
        %dma_wait3A_407 = arith.constant 0 : i32
        %dma_wait3A_408 = arith.constant 0 : i32
        %dma_wait3A_409 = tpu.memref_slice %arg8[%dma_wait3A_406, %dma_wait3A_407, %dma_wait3A_408] : memref<4x8x512xi32, #tpu.memory_space<vmem>> -> memref<1x8x512xi32, #tpu.memory_space<vmem>>
        %dma_wait3A_410 = tpu.memref_squeeze %dma_wait3A_409 : memref<1x8x512xi32, #tpu.memory_space<vmem>> -> memref<8x512xi32, #tpu.memory_space<vmem>>
        %dma_wait3A_411 = arith.constant 0 : i32
        %dma_wait3A_412 = arith.constant 0 : i32
        %dma_wait3A_413 = tpu.memref_slice %arg5[%dma_wait3A_411, %dma_wait3A_412] : memref<8192x512xi32, #tpu.memory_space<hbm>> -> memref<8x512xi32, #tpu.memory_space<hbm>>
        %dma_wait3A_414 = arith.constant 0 : i32
        %dma_wait3A_415 = arith.constant 0 : i32
        %dma_wait3A_416 = tpu.memref_slice %arg5[%dma_wait3A_414, %dma_wait3A_415] : memref<8192x512xi32, #tpu.memory_space<hbm>> -> memref<8x512xi32, #tpu.memory_space<hbm>>
        %dma_wait3A_417 = arith.constant 0 : i32
        %dma_wait3A_418 = arith.constant 0 : i32
        %dma_wait3A_419 = tpu.memref_slice %arg8[%dma_wait3A_406, %dma_wait3A_417, %dma_wait3A_418] : memref<4x8x512xi32, #tpu.memory_space<vmem>> -> memref<1x8x512xi32, #tpu.memory_space<vmem>>
        %dma_wait3A_420 = tpu.memref_squeeze %dma_wait3A_419 : memref<1x8x512xi32, #tpu.memory_space<vmem>> -> memref<8x512xi32, #tpu.memory_space<vmem>>
        tpu.wait_dma2 semaphore(%arg12 : memref<!tpu.dma_semaphore, #tpu.memory_space<semaphore_mem>>) src(%dma_wait3A_420 : memref<8x512xi32, #tpu.memory_space<vmem>>) dst(%dma_wait3A_416 : memref<8x512xi32, #tpu.memory_space<hbm>>)
        %dma_wait3A_421 = arith.constant 0 : i32
        %dma_wait3A_422 = arith.constant 0 : i32
        %dma_wait3A_423 = arith.constant 0 : i32
        %dma_wait3A_424 = tpu.memref_slice %arg9[%dma_wait3A_421, %dma_wait3A_422, %dma_wait3A_423] : memref<4x8x512xi32, #tpu.memory_space<vmem>> -> memref<1x8x512xi32, #tpu.memory_space<vmem>>
        %dma_wait3A_425 = tpu.memref_squeeze %dma_wait3A_424 : memref<1x8x512xi32, #tpu.memory_space<vmem>> -> memref<8x512xi32, #tpu.memory_space<vmem>>
        %dma_wait3A_426 = arith.constant 0 : i32
        %dma_wait3A_427 = arith.constant 0 : i32
        %dma_wait3A_428 = tpu.memref_slice %arg6[%dma_wait3A_426, %dma_wait3A_427] : memref<8192x512xi32, #tpu.memory_space<hbm>> -> memref<8x512xi32, #tpu.memory_space<hbm>>
        %dma_wait3A_429 = arith.constant 0 : i32
        %dma_wait3A_430 = arith.constant 0 : i32
        %dma_wait3A_431 = tpu.memref_slice %arg6[%dma_wait3A_429, %dma_wait3A_430] : memref<8192x512xi32, #tpu.memory_space<hbm>> -> memref<8x512xi32, #tpu.memory_space<hbm>>
        %dma_wait3A_432 = arith.constant 0 : i32
        %dma_wait3A_433 = arith.constant 0 : i32
        %dma_wait3A_434 = tpu.memref_slice %arg9[%dma_wait3A_421, %dma_wait3A_432, %dma_wait3A_433] : memref<4x8x512xi32, #tpu.memory_space<vmem>> -> memref<1x8x512xi32, #tpu.memory_space<vmem>>
        %dma_wait3A_435 = tpu.memref_squeeze %dma_wait3A_434 : memref<1x8x512xi32, #tpu.memory_space<vmem>> -> memref<8x512xi32, #tpu.memory_space<vmem>>
        tpu.wait_dma2 semaphore(%arg13 : memref<!tpu.dma_semaphore, #tpu.memory_space<semaphore_mem>>) src(%dma_wait3A_435 : memref<8x512xi32, #tpu.memory_space<vmem>>) dst(%dma_wait3A_431 : memref<8x512xi32, #tpu.memory_space<hbm>>)
      } else {
      }
      %lt3A_325 = arith.constant 32 : i32
      %lt3A_326 = arith.cmpi slt, %add3A_319, %lt3A_325 : i32
      %convert_element_type3A_327 = arith.extui %lt3A_326 : i1 to i32
      %cond3A_328 = arith.constant 0 : i32
      %cond3A_329 = arith.cmpi ne, %convert_element_type3A_327, %cond3A_328 : i32
      scf.if %cond3A_329 {
        %mul3A_406 = arith.constant 8 : i32
        %mul3A_407 = arith.muli %add3A_319, %mul3A_406 : i32
        %dma_start3A_408 = arith.constant 0 : i32
        %dma_start3A_409 = arith.constant 0 : i32
        %dma_start3A_410 = arith.constant 0 : i32
        %dma_start3A_411 = tpu.memref_slice %arg8[%dma_start3A_408, %dma_start3A_409, %dma_start3A_410] : memref<4x8x512xi32, #tpu.memory_space<vmem>> -> memref<1x8x512xi32, #tpu.memory_space<vmem>>
        %dma_start3A_412 = tpu.memref_squeeze %dma_start3A_411 : memref<1x8x512xi32, #tpu.memory_space<vmem>> -> memref<8x512xi32, #tpu.memory_space<vmem>>
        %dma_start3A_413 = tpu.memref_slice %arg7[%mul3A_407] : memref<256xi32, #tpu.memory_space<vmem>> -> memref<8xi32, #tpu.memory_space<vmem>>
        %dma_start3A_414 = arith.constant 0 : i32
        %dma_start3A_415 = arith.constant 0 : i32
        %dma_start3A_416 = tpu.memref_slice %arg2[%dma_start3A_414, %dma_start3A_415] : memref<4096x512xi32, #tpu.memory_space<hbm>> -> memref<4096x512xi32, #tpu.memory_space<hbm>>
        tpu.enqueue_indirect_dma source(%dma_start3A_416 : memref<4096x512xi32, #tpu.memory_space<hbm>>) target(%dma_start3A_412 : memref<8x512xi32, #tpu.memory_space<vmem>>) offsets(%dma_start3A_413 : memref<8xi32, #tpu.memory_space<vmem>>) semaphore(%arg10 : memref<!tpu.dma_semaphore, #tpu.memory_space<semaphore_mem>>)
        %dma_start3A_417 = arith.constant 0 : i32
        %dma_start3A_418 = arith.constant 0 : i32
        %dma_start3A_419 = arith.constant 0 : i32
        %dma_start3A_420 = tpu.memref_slice %arg9[%dma_start3A_417, %dma_start3A_418, %dma_start3A_419] : memref<4x8x512xi32, #tpu.memory_space<vmem>> -> memref<1x8x512xi32, #tpu.memory_space<vmem>>
        %dma_start3A_421 = tpu.memref_squeeze %dma_start3A_420 : memref<1x8x512xi32, #tpu.memory_space<vmem>> -> memref<8x512xi32, #tpu.memory_space<vmem>>
        %dma_start3A_422 = tpu.memref_slice %arg7[%mul3A_407] : memref<256xi32, #tpu.memory_space<vmem>> -> memref<8xi32, #tpu.memory_space<vmem>>
        %dma_start3A_423 = arith.constant 0 : i32
        %dma_start3A_424 = arith.constant 0 : i32
        %dma_start3A_425 = tpu.memref_slice %arg3[%dma_start3A_423, %dma_start3A_424] : memref<4096x512xi32, #tpu.memory_space<hbm>> -> memref<4096x512xi32, #tpu.memory_space<hbm>>
        tpu.enqueue_indirect_dma source(%dma_start3A_425 : memref<4096x512xi32, #tpu.memory_space<hbm>>) target(%dma_start3A_421 : memref<8x512xi32, #tpu.memory_space<vmem>>) offsets(%dma_start3A_422 : memref<8xi32, #tpu.memory_space<vmem>>) semaphore(%arg11 : memref<!tpu.dma_semaphore, #tpu.memory_space<semaphore_mem>>)
      } else {
      }
      %mul3A_330 = arith.constant 4 : i32
      %mul3A_331 = arith.muli %scan3A_107, %mul3A_330 : i32
      %add3A_332 = arith.constant 3 : i32
      %add3A_333 = arith.addi %mul3A_331, %add3A_332 : i32
      %mul3A_334 = arith.constant 8 : i32
      %mul3A_335 = arith.muli %add3A_333, %mul3A_334 : i32
      %add3A_336 = arith.addi %mul3A_2, %mul3A_335 : i32
      %dma_wait3A_337 = arith.constant 3 : i32
      %dma_wait3A_338 = arith.constant 0 : i32
      %dma_wait3A_339 = arith.constant 0 : i32
      %dma_wait3A_340 = tpu.memref_slice %arg8[%dma_wait3A_337, %dma_wait3A_338, %dma_wait3A_339] : memref<4x8x512xi32, #tpu.memory_space<vmem>> -> memref<1x8x512xi32, #tpu.memory_space<vmem>>
      %dma_wait3A_341 = tpu.memref_squeeze %dma_wait3A_340 : memref<1x8x512xi32, #tpu.memory_space<vmem>> -> memref<8x512xi32, #tpu.memory_space<vmem>>
      %dma_wait3A_342 = arith.constant 0 : i32
      %dma_wait3A_343 = arith.constant 0 : i32
      %dma_wait3A_344 = tpu.memref_slice %arg2[%dma_wait3A_342, %dma_wait3A_343] : memref<4096x512xi32, #tpu.memory_space<hbm>> -> memref<8x512xi32, #tpu.memory_space<hbm>>
      %dma_wait3A_345 = arith.constant 0 : i32
      %dma_wait3A_346 = arith.constant 0 : i32
      %dma_wait3A_347 = tpu.memref_slice %arg8[%dma_wait3A_337, %dma_wait3A_345, %dma_wait3A_346] : memref<4x8x512xi32, #tpu.memory_space<vmem>> -> memref<1x8x512xi32, #tpu.memory_space<vmem>>
      %dma_wait3A_348 = tpu.memref_squeeze %dma_wait3A_347 : memref<1x8x512xi32, #tpu.memory_space<vmem>> -> memref<8x512xi32, #tpu.memory_space<vmem>>
      %dma_wait3A_349 = arith.constant 0 : i32
      %dma_wait3A_350 = arith.constant 0 : i32
      %dma_wait3A_351 = tpu.memref_slice %arg2[%dma_wait3A_349, %dma_wait3A_350] : memref<4096x512xi32, #tpu.memory_space<hbm>> -> memref<8x512xi32, #tpu.memory_space<hbm>>
      tpu.wait_dma2 semaphore(%arg10 : memref<!tpu.dma_semaphore, #tpu.memory_space<semaphore_mem>>) src(%dma_wait3A_351 : memref<8x512xi32, #tpu.memory_space<hbm>>) dst(%dma_wait3A_348 : memref<8x512xi32, #tpu.memory_space<vmem>>)
      %dma_wait3A_352 = arith.constant 3 : i32
      %dma_wait3A_353 = arith.constant 0 : i32
      %dma_wait3A_354 = arith.constant 0 : i32
      %dma_wait3A_355 = tpu.memref_slice %arg9[%dma_wait3A_352, %dma_wait3A_353, %dma_wait3A_354] : memref<4x8x512xi32, #tpu.memory_space<vmem>> -> memref<1x8x512xi32, #tpu.memory_space<vmem>>
      %dma_wait3A_356 = tpu.memref_squeeze %dma_wait3A_355 : memref<1x8x512xi32, #tpu.memory_space<vmem>> -> memref<8x512xi32, #tpu.memory_space<vmem>>
      %dma_wait3A_357 = arith.constant 0 : i32
      %dma_wait3A_358 = arith.constant 0 : i32
      %dma_wait3A_359 = tpu.memref_slice %arg3[%dma_wait3A_357, %dma_wait3A_358] : memref<4096x512xi32, #tpu.memory_space<hbm>> -> memref<8x512xi32, #tpu.memory_space<hbm>>
      %dma_wait3A_360 = arith.constant 0 : i32
      %dma_wait3A_361 = arith.constant 0 : i32
      %dma_wait3A_362 = tpu.memref_slice %arg9[%dma_wait3A_352, %dma_wait3A_360, %dma_wait3A_361] : memref<4x8x512xi32, #tpu.memory_space<vmem>> -> memref<1x8x512xi32, #tpu.memory_space<vmem>>
      %dma_wait3A_363 = tpu.memref_squeeze %dma_wait3A_362 : memref<1x8x512xi32, #tpu.memory_space<vmem>> -> memref<8x512xi32, #tpu.memory_space<vmem>>
      %dma_wait3A_364 = arith.constant 0 : i32
      %dma_wait3A_365 = arith.constant 0 : i32
      %dma_wait3A_366 = tpu.memref_slice %arg3[%dma_wait3A_364, %dma_wait3A_365] : memref<4096x512xi32, #tpu.memory_space<hbm>> -> memref<8x512xi32, #tpu.memory_space<hbm>>
      tpu.wait_dma2 semaphore(%arg11 : memref<!tpu.dma_semaphore, #tpu.memory_space<semaphore_mem>>) src(%dma_wait3A_366 : memref<8x512xi32, #tpu.memory_space<hbm>>) dst(%dma_wait3A_363 : memref<8x512xi32, #tpu.memory_space<vmem>>)
      %dma_start3A_367 = arith.constant 3 : i32
      %dma_start3A_368 = arith.constant 0 : i32
      %dma_start3A_369 = arith.constant 0 : i32
      %dma_start3A_370 = tpu.memref_slice %arg8[%dma_start3A_367, %dma_start3A_368, %dma_start3A_369] : memref<4x8x512xi32, #tpu.memory_space<vmem>> -> memref<1x8x512xi32, #tpu.memory_space<vmem>>
      %dma_start3A_371 = tpu.memref_squeeze %dma_start3A_370 : memref<1x8x512xi32, #tpu.memory_space<vmem>> -> memref<8x512xi32, #tpu.memory_space<vmem>>
      %dma_start3A_372 = arith.constant 0 : i32
      %dma_start3A_373 = tpu.memref_slice %arg5[%add3A_336, %dma_start3A_372] : memref<8192x512xi32, #tpu.memory_space<hbm>> -> memref<8x512xi32, #tpu.memory_space<hbm>>
      %dma_start3A_374 = arith.constant 0 : i32
      %dma_start3A_375 = tpu.memref_slice %arg5[%add3A_336, %dma_start3A_374] : memref<8192x512xi32, #tpu.memory_space<hbm>> -> memref<8x512xi32, #tpu.memory_space<hbm>>
      %dma_start3A_376 = arith.constant 0 : i32
      %dma_start3A_377 = arith.constant 0 : i32
      %dma_start3A_378 = tpu.memref_slice %arg8[%dma_start3A_367, %dma_start3A_376, %dma_start3A_377] : memref<4x8x512xi32, #tpu.memory_space<vmem>> -> memref<1x8x512xi32, #tpu.memory_space<vmem>>
      %dma_start3A_379 = tpu.memref_squeeze %dma_start3A_378 : memref<1x8x512xi32, #tpu.memory_space<vmem>> -> memref<8x512xi32, #tpu.memory_space<vmem>>
      tpu.enqueue_dma source(%dma_start3A_379 : memref<8x512xi32, #tpu.memory_space<vmem>>) target(%dma_start3A_375 : memref<8x512xi32, #tpu.memory_space<hbm>>) target_semaphore(%arg12 : memref<!tpu.dma_semaphore, #tpu.memory_space<semaphore_mem>>)
      %dma_start3A_380 = arith.constant 3 : i32
      %dma_start3A_381 = arith.constant 0 : i32
      %dma_start3A_382 = arith.constant 0 : i32
      %dma_start3A_383 = tpu.memref_slice %arg9[%dma_start3A_380, %dma_start3A_381, %dma_start3A_382] : memref<4x8x512xi32, #tpu.memory_space<vmem>> -> memref<1x8x512xi32, #tpu.memory_space<vmem>>
      %dma_start3A_384 = tpu.memref_squeeze %dma_start3A_383 : memref<1x8x512xi32, #tpu.memory_space<vmem>> -> memref<8x512xi32, #tpu.memory_space<vmem>>
      %dma_start3A_385 = arith.constant 0 : i32
      %dma_start3A_386 = tpu.memref_slice %arg6[%add3A_336, %dma_start3A_385] : memref<8192x512xi32, #tpu.memory_space<hbm>> -> memref<8x512xi32, #tpu.memory_space<hbm>>
      %dma_start3A_387 = arith.constant 0 : i32
      %dma_start3A_388 = tpu.memref_slice %arg6[%add3A_336, %dma_start3A_387] : memref<8192x512xi32, #tpu.memory_space<hbm>> -> memref<8x512xi32, #tpu.memory_space<hbm>>
      %dma_start3A_389 = arith.constant 0 : i32
      %dma_start3A_390 = arith.constant 0 : i32
      %dma_start3A_391 = tpu.memref_slice %arg9[%dma_start3A_380, %dma_start3A_389, %dma_start3A_390] : memref<4x8x512xi32, #tpu.memory_space<vmem>> -> memref<1x8x512xi32, #tpu.memory_space<vmem>>
      %dma_start3A_392 = tpu.memref_squeeze %dma_start3A_391 : memref<1x8x512xi32, #tpu.memory_space<vmem>> -> memref<8x512xi32, #tpu.memory_space<vmem>>
      tpu.enqueue_dma source(%dma_start3A_392 : memref<8x512xi32, #tpu.memory_space<vmem>>) target(%dma_start3A_388 : memref<8x512xi32, #tpu.memory_space<hbm>>) target_semaphore(%arg13 : memref<!tpu.dma_semaphore, #tpu.memory_space<semaphore_mem>>)
      %add3A_393 = arith.constant 2 : i32
      %add3A_394 = arith.addi %add3A_333, %add3A_393 : i32
      %ge3A_395 = arith.constant 4 : i32
      %ge3A_396 = arith.cmpi sge, %add3A_394, %ge3A_395 : i32
      %convert_element_type3A_397 = arith.extui %ge3A_396 : i1 to i32
      %cond3A_398 = arith.constant 0 : i32
      %cond3A_399 = arith.cmpi ne, %convert_element_type3A_397, %cond3A_398 : i32
      scf.if %cond3A_399 {
        %dma_wait3A_406 = arith.constant 1 : i32
        %dma_wait3A_407 = arith.constant 0 : i32
        %dma_wait3A_408 = arith.constant 0 : i32
        %dma_wait3A_409 = tpu.memref_slice %arg8[%dma_wait3A_406, %dma_wait3A_407, %dma_wait3A_408] : memref<4x8x512xi32, #tpu.memory_space<vmem>> -> memref<1x8x512xi32, #tpu.memory_space<vmem>>
        %dma_wait3A_410 = tpu.memref_squeeze %dma_wait3A_409 : memref<1x8x512xi32, #tpu.memory_space<vmem>> -> memref<8x512xi32, #tpu.memory_space<vmem>>
        %dma_wait3A_411 = arith.constant 0 : i32
        %dma_wait3A_412 = arith.constant 0 : i32
        %dma_wait3A_413 = tpu.memref_slice %arg5[%dma_wait3A_411, %dma_wait3A_412] : memref<8192x512xi32, #tpu.memory_space<hbm>> -> memref<8x512xi32, #tpu.memory_space<hbm>>
        %dma_wait3A_414 = arith.constant 0 : i32
        %dma_wait3A_415 = arith.constant 0 : i32
        %dma_wait3A_416 = tpu.memref_slice %arg5[%dma_wait3A_414, %dma_wait3A_415] : memref<8192x512xi32, #tpu.memory_space<hbm>> -> memref<8x512xi32, #tpu.memory_space<hbm>>
        %dma_wait3A_417 = arith.constant 0 : i32
        %dma_wait3A_418 = arith.constant 0 : i32
        %dma_wait3A_419 = tpu.memref_slice %arg8[%dma_wait3A_406, %dma_wait3A_417, %dma_wait3A_418] : memref<4x8x512xi32, #tpu.memory_space<vmem>> -> memref<1x8x512xi32, #tpu.memory_space<vmem>>
        %dma_wait3A_420 = tpu.memref_squeeze %dma_wait3A_419 : memref<1x8x512xi32, #tpu.memory_space<vmem>> -> memref<8x512xi32, #tpu.memory_space<vmem>>
        tpu.wait_dma2 semaphore(%arg12 : memref<!tpu.dma_semaphore, #tpu.memory_space<semaphore_mem>>) src(%dma_wait3A_420 : memref<8x512xi32, #tpu.memory_space<vmem>>) dst(%dma_wait3A_416 : memref<8x512xi32, #tpu.memory_space<hbm>>)
        %dma_wait3A_421 = arith.constant 1 : i32
        %dma_wait3A_422 = arith.constant 0 : i32
        %dma_wait3A_423 = arith.constant 0 : i32
        %dma_wait3A_424 = tpu.memref_slice %arg9[%dma_wait3A_421, %dma_wait3A_422, %dma_wait3A_423] : memref<4x8x512xi32, #tpu.memory_space<vmem>> -> memref<1x8x512xi32, #tpu.memory_space<vmem>>
        %dma_wait3A_425 = tpu.memref_squeeze %dma_wait3A_424 : memref<1x8x512xi32, #tpu.memory_space<vmem>> -> memref<8x512xi32, #tpu.memory_space<vmem>>
        %dma_wait3A_426 = arith.constant 0 : i32
        %dma_wait3A_427 = arith.constant 0 : i32
        %dma_wait3A_428 = tpu.memref_slice %arg6[%dma_wait3A_426, %dma_wait3A_427] : memref<8192x512xi32, #tpu.memory_space<hbm>> -> memref<8x512xi32, #tpu.memory_space<hbm>>
        %dma_wait3A_429 = arith.constant 0 : i32
        %dma_wait3A_430 = arith.constant 0 : i32
        %dma_wait3A_431 = tpu.memref_slice %arg6[%dma_wait3A_429, %dma_wait3A_430] : memref<8192x512xi32, #tpu.memory_space<hbm>> -> memref<8x512xi32, #tpu.memory_space<hbm>>
        %dma_wait3A_432 = arith.constant 0 : i32
        %dma_wait3A_433 = arith.constant 0 : i32
        %dma_wait3A_434 = tpu.memref_slice %arg9[%dma_wait3A_421, %dma_wait3A_432, %dma_wait3A_433] : memref<4x8x512xi32, #tpu.memory_space<vmem>> -> memref<1x8x512xi32, #tpu.memory_space<vmem>>
        %dma_wait3A_435 = tpu.memref_squeeze %dma_wait3A_434 : memref<1x8x512xi32, #tpu.memory_space<vmem>> -> memref<8x512xi32, #tpu.memory_space<vmem>>
        tpu.wait_dma2 semaphore(%arg13 : memref<!tpu.dma_semaphore, #tpu.memory_space<semaphore_mem>>) src(%dma_wait3A_435 : memref<8x512xi32, #tpu.memory_space<vmem>>) dst(%dma_wait3A_431 : memref<8x512xi32, #tpu.memory_space<hbm>>)
      } else {
      }
      %lt3A_400 = arith.constant 32 : i32
      %lt3A_401 = arith.cmpi slt, %add3A_394, %lt3A_400 : i32
      %convert_element_type3A_402 = arith.extui %lt3A_401 : i1 to i32
      %cond3A_403 = arith.constant 0 : i32
      %cond3A_404 = arith.cmpi ne, %convert_element_type3A_402, %cond3A_403 : i32
      scf.if %cond3A_404 {
        %mul3A_406 = arith.constant 8 : i32
        %mul3A_407 = arith.muli %add3A_394, %mul3A_406 : i32
        %dma_start3A_408 = arith.constant 1 : i32
        %dma_start3A_409 = arith.constant 0 : i32
        %dma_start3A_410 = arith.constant 0 : i32
        %dma_start3A_411 = tpu.memref_slice %arg8[%dma_start3A_408, %dma_start3A_409, %dma_start3A_410] : memref<4x8x512xi32, #tpu.memory_space<vmem>> -> memref<1x8x512xi32, #tpu.memory_space<vmem>>
        %dma_start3A_412 = tpu.memref_squeeze %dma_start3A_411 : memref<1x8x512xi32, #tpu.memory_space<vmem>> -> memref<8x512xi32, #tpu.memory_space<vmem>>
        %dma_start3A_413 = tpu.memref_slice %arg7[%mul3A_407] : memref<256xi32, #tpu.memory_space<vmem>> -> memref<8xi32, #tpu.memory_space<vmem>>
        %dma_start3A_414 = arith.constant 0 : i32
        %dma_start3A_415 = arith.constant 0 : i32
        %dma_start3A_416 = tpu.memref_slice %arg2[%dma_start3A_414, %dma_start3A_415] : memref<4096x512xi32, #tpu.memory_space<hbm>> -> memref<4096x512xi32, #tpu.memory_space<hbm>>
        tpu.enqueue_indirect_dma source(%dma_start3A_416 : memref<4096x512xi32, #tpu.memory_space<hbm>>) target(%dma_start3A_412 : memref<8x512xi32, #tpu.memory_space<vmem>>) offsets(%dma_start3A_413 : memref<8xi32, #tpu.memory_space<vmem>>) semaphore(%arg10 : memref<!tpu.dma_semaphore, #tpu.memory_space<semaphore_mem>>)
        %dma_start3A_417 = arith.constant 1 : i32
        %dma_start3A_418 = arith.constant 0 : i32
        %dma_start3A_419 = arith.constant 0 : i32
        %dma_start3A_420 = tpu.memref_slice %arg9[%dma_start3A_417, %dma_start3A_418, %dma_start3A_419] : memref<4x8x512xi32, #tpu.memory_space<vmem>> -> memref<1x8x512xi32, #tpu.memory_space<vmem>>
        %dma_start3A_421 = tpu.memref_squeeze %dma_start3A_420 : memref<1x8x512xi32, #tpu.memory_space<vmem>> -> memref<8x512xi32, #tpu.memory_space<vmem>>
        %dma_start3A_422 = tpu.memref_slice %arg7[%mul3A_407] : memref<256xi32, #tpu.memory_space<vmem>> -> memref<8xi32, #tpu.memory_space<vmem>>
        %dma_start3A_423 = arith.constant 0 : i32
        %dma_start3A_424 = arith.constant 0 : i32
        %dma_start3A_425 = tpu.memref_slice %arg3[%dma_start3A_423, %dma_start3A_424] : memref<4096x512xi32, #tpu.memory_space<hbm>> -> memref<4096x512xi32, #tpu.memory_space<hbm>>
        tpu.enqueue_indirect_dma source(%dma_start3A_425 : memref<4096x512xi32, #tpu.memory_space<hbm>>) target(%dma_start3A_421 : memref<8x512xi32, #tpu.memory_space<vmem>>) offsets(%dma_start3A_422 : memref<8xi32, #tpu.memory_space<vmem>>) semaphore(%arg11 : memref<!tpu.dma_semaphore, #tpu.memory_space<semaphore_mem>>)
      } else {
      }
      %scan3A_405 = arith.constant 0 : i32
      scf.yield %scan3A_405 : i32
    }
    %scan3A_47 = arith.constant 8 : i32
    %dma_wait3A = arith.constant 0 : i32
    %dma_wait3A_48 = arith.constant 0 : i32
    %dma_wait3A_49 = arith.constant 0 : i32
    %dma_wait3A_50 = tpu.memref_slice %arg8[%dma_wait3A, %dma_wait3A_48, %dma_wait3A_49] : memref<4x8x512xi32, #tpu.memory_space<vmem>> -> memref<1x8x512xi32, #tpu.memory_space<vmem>>
    %dma_wait3A_51 = tpu.memref_squeeze %dma_wait3A_50 : memref<1x8x512xi32, #tpu.memory_space<vmem>> -> memref<8x512xi32, #tpu.memory_space<vmem>>
    %dma_wait3A_52 = arith.constant 0 : i32
    %dma_wait3A_53 = arith.constant 0 : i32
    %dma_wait3A_54 = tpu.memref_slice %arg5[%dma_wait3A_52, %dma_wait3A_53] : memref<8192x512xi32, #tpu.memory_space<hbm>> -> memref<8x512xi32, #tpu.memory_space<hbm>>
    %dma_wait3A_55 = arith.constant 0 : i32
    %dma_wait3A_56 = arith.constant 0 : i32
    %dma_wait3A_57 = tpu.memref_slice %arg5[%dma_wait3A_55, %dma_wait3A_56] : memref<8192x512xi32, #tpu.memory_space<hbm>> -> memref<8x512xi32, #tpu.memory_space<hbm>>
    %dma_wait3A_58 = arith.constant 0 : i32
    %dma_wait3A_59 = arith.constant 0 : i32
    %dma_wait3A_60 = tpu.memref_slice %arg8[%dma_wait3A, %dma_wait3A_58, %dma_wait3A_59] : memref<4x8x512xi32, #tpu.memory_space<vmem>> -> memref<1x8x512xi32, #tpu.memory_space<vmem>>
    %dma_wait3A_61 = tpu.memref_squeeze %dma_wait3A_60 : memref<1x8x512xi32, #tpu.memory_space<vmem>> -> memref<8x512xi32, #tpu.memory_space<vmem>>
    tpu.wait_dma2 semaphore(%arg12 : memref<!tpu.dma_semaphore, #tpu.memory_space<semaphore_mem>>) src(%dma_wait3A_61 : memref<8x512xi32, #tpu.memory_space<vmem>>) dst(%dma_wait3A_57 : memref<8x512xi32, #tpu.memory_space<hbm>>)
    %dma_wait3A_62 = arith.constant 0 : i32
    %dma_wait3A_63 = arith.constant 0 : i32
    %dma_wait3A_64 = arith.constant 0 : i32
    %dma_wait3A_65 = tpu.memref_slice %arg9[%dma_wait3A_62, %dma_wait3A_63, %dma_wait3A_64] : memref<4x8x512xi32, #tpu.memory_space<vmem>> -> memref<1x8x512xi32, #tpu.memory_space<vmem>>
    %dma_wait3A_66 = tpu.memref_squeeze %dma_wait3A_65 : memref<1x8x512xi32, #tpu.memory_space<vmem>> -> memref<8x512xi32, #tpu.memory_space<vmem>>
    %dma_wait3A_67 = arith.constant 0 : i32
    %dma_wait3A_68 = arith.constant 0 : i32
    %dma_wait3A_69 = tpu.memref_slice %arg6[%dma_wait3A_67, %dma_wait3A_68] : memref<8192x512xi32, #tpu.memory_space<hbm>> -> memref<8x512xi32, #tpu.memory_space<hbm>>
    %dma_wait3A_70 = arith.constant 0 : i32
    %dma_wait3A_71 = arith.constant 0 : i32
    %dma_wait3A_72 = tpu.memref_slice %arg6[%dma_wait3A_70, %dma_wait3A_71] : memref<8192x512xi32, #tpu.memory_space<hbm>> -> memref<8x512xi32, #tpu.memory_space<hbm>>
    %dma_wait3A_73 = arith.constant 0 : i32
    %dma_wait3A_74 = arith.constant 0 : i32
    %dma_wait3A_75 = tpu.memref_slice %arg9[%dma_wait3A_62, %dma_wait3A_73, %dma_wait3A_74] : memref<4x8x512xi32, #tpu.memory_space<vmem>> -> memref<1x8x512xi32, #tpu.memory_space<vmem>>
    %dma_wait3A_76 = tpu.memref_squeeze %dma_wait3A_75 : memref<1x8x512xi32, #tpu.memory_space<vmem>> -> memref<8x512xi32, #tpu.memory_space<vmem>>
    tpu.wait_dma2 semaphore(%arg13 : memref<!tpu.dma_semaphore, #tpu.memory_space<semaphore_mem>>) src(%dma_wait3A_76 : memref<8x512xi32, #tpu.memory_space<vmem>>) dst(%dma_wait3A_72 : memref<8x512xi32, #tpu.memory_space<hbm>>)
    %dma_wait3A_77 = arith.constant 0 : i32
    %dma_wait3A_78 = arith.constant 0 : i32
    %dma_wait3A_79 = arith.constant 0 : i32
    %dma_wait3A_80 = tpu.memref_slice %arg8[%dma_wait3A_77, %dma_wait3A_78, %dma_wait3A_79] : memref<4x8x512xi32, #tpu.memory_space<vmem>> -> memref<1x8x512xi32, #tpu.memory_space<vmem>>
    %dma_wait3A_81 = tpu.memref_squeeze %dma_wait3A_80 : memref<1x8x512xi32, #tpu.memory_space<vmem>> -> memref<8x512xi32, #tpu.memory_space<vmem>>
    %dma_wait3A_82 = arith.constant 0 : i32
    %dma_wait3A_83 = arith.constant 0 : i32
    %dma_wait3A_84 = tpu.memref_slice %arg5[%dma_wait3A_82, %dma_wait3A_83] : memref<8192x512xi32, #tpu.memory_space<hbm>> -> memref<8x512xi32, #tpu.memory_space<hbm>>
    %dma_wait3A_85 = arith.constant 0 : i32
    %dma_wait3A_86 = arith.constant 0 : i32
    %dma_wait3A_87 = tpu.memref_slice %arg5[%dma_wait3A_85, %dma_wait3A_86] : memref<8192x512xi32, #tpu.memory_space<hbm>> -> memref<8x512xi32, #tpu.memory_space<hbm>>
    %dma_wait3A_88 = arith.constant 0 : i32
    %dma_wait3A_89 = arith.constant 0 : i32
    %dma_wait3A_90 = tpu.memref_slice %arg8[%dma_wait3A_77, %dma_wait3A_88, %dma_wait3A_89] : memref<4x8x512xi32, #tpu.memory_space<vmem>> -> memref<1x8x512xi32, #tpu.memory_space<vmem>>
    %dma_wait3A_91 = tpu.memref_squeeze %dma_wait3A_90 : memref<1x8x512xi32, #tpu.memory_space<vmem>> -> memref<8x512xi32, #tpu.memory_space<vmem>>
    tpu.wait_dma2 semaphore(%arg12 : memref<!tpu.dma_semaphore, #tpu.memory_space<semaphore_mem>>) src(%dma_wait3A_91 : memref<8x512xi32, #tpu.memory_space<vmem>>) dst(%dma_wait3A_87 : memref<8x512xi32, #tpu.memory_space<hbm>>)
    %dma_wait3A_92 = arith.constant 0 : i32
    %dma_wait3A_93 = arith.constant 0 : i32
    %dma_wait3A_94 = arith.constant 0 : i32
    %dma_wait3A_95 = tpu.memref_slice %arg9[%dma_wait3A_92, %dma_wait3A_93, %dma_wait3A_94] : memref<4x8x512xi32, #tpu.memory_space<vmem>> -> memref<1x8x512xi32, #tpu.memory_space<vmem>>
    %dma_wait3A_96 = tpu.memref_squeeze %dma_wait3A_95 : memref<1x8x512xi32, #tpu.memory_space<vmem>> -> memref<8x512xi32, #tpu.memory_space<vmem>>
    %dma_wait3A_97 = arith.constant 0 : i32
    %dma_wait3A_98 = arith.constant 0 : i32
    %dma_wait3A_99 = tpu.memref_slice %arg6[%dma_wait3A_97, %dma_wait3A_98] : memref<8192x512xi32, #tpu.memory_space<hbm>> -> memref<8x512xi32, #tpu.memory_space<hbm>>
    %dma_wait3A_100 = arith.constant 0 : i32
    %dma_wait3A_101 = arith.constant 0 : i32
    %dma_wait3A_102 = tpu.memref_slice %arg6[%dma_wait3A_100, %dma_wait3A_101] : memref<8192x512xi32, #tpu.memory_space<hbm>> -> memref<8x512xi32, #tpu.memory_space<hbm>>
    %dma_wait3A_103 = arith.constant 0 : i32
    %dma_wait3A_104 = arith.constant 0 : i32
    %dma_wait3A_105 = tpu.memref_slice %arg9[%dma_wait3A_92, %dma_wait3A_103, %dma_wait3A_104] : memref<4x8x512xi32, #tpu.memory_space<vmem>> -> memref<1x8x512xi32, #tpu.memory_space<vmem>>
    %dma_wait3A_106 = tpu.memref_squeeze %dma_wait3A_105 : memref<1x8x512xi32, #tpu.memory_space<vmem>> -> memref<8x512xi32, #tpu.memory_space<vmem>>
    tpu.wait_dma2 semaphore(%arg13 : memref<!tpu.dma_semaphore, #tpu.memory_space<semaphore_mem>>) src(%dma_wait3A_106 : memref<8x512xi32, #tpu.memory_space<vmem>>) dst(%dma_wait3A_102 : memref<8x512xi32, #tpu.memory_space<hbm>>)
    return
  }
}

module attributes {stable_mosaic.version = 14 : i64} {
  func.func @_topk_body(%arg0: i32, %arg1: memref<512x1000xf32, #tpu.memory_space<vmem>>, %arg2: memref<4096x1000xbf16, #tpu.memory_space<vmem>>, %arg3: memref<512x128xi32, #tpu.memory_space<vmem>>) attributes {dimension_semantics = [#tpu.dimension_semantics<arbitrary>], iteration_bounds = array<i64: 4>, scalar_prefetch = 0 : i64, scratch_operands = 0 : i64, tpu.core_type = #tpu.core_type<tc>, window_params = [{transform_indices = @transform_0, window_bounds = array<i64: 512, 1000>}, {pipeline_mode = #tpu.pipeline_mode<synchronous>, transform_indices = @transform_1, window_bounds = array<i64: 4096, 1000>}, {transform_indices = @transform_2, window_bounds = array<i64: 512, 128>}]} {
    %get3A = arith.constant 0 : index
    %get3A_0 = arith.constant 0 : index
    %get3A_1 = vector.load %arg1[%get3A, %get3A_0] : memref<512x1000xf32, #tpu.memory_space<vmem>>, vector<512x1000xf32>
    %convert_element_type3A = arith.truncf %get3A_1 : vector<512x1000xf32> to vector<512x1000xbf16>
    %get3A_2 = arith.constant 0 : index
    %get3A_3 = arith.constant 0 : index
    %get3A_4 = vector.load %arg2[%get3A_2, %get3A_3] : memref<4096x1000xbf16, #tpu.memory_space<vmem>>, vector<4096x1000xbf16>
    %dot_general3A = arith.constant dense<0.000000e+00> : vector<512x4096xf32>
    %dot_general3A_5 = tpu.matmul %convert_element_type3A, %get3A_4, %dot_general3A {dimension_numbers = #tpu.dot_dimension_numbers<[1], [1], [0], [0], [0, 0, 1, 0], [], []>, transpose_lhs_hint = false} : vector<512x1000xbf16>, vector<4096x1000xbf16>, vector<512x4096xf32> -> vector<512x4096xf32>
    %mul3A = arith.constant 512 : i32
    %mul3A_6 = arith.muli %arg0, %mul3A : i32
    %add3A = arith.constant 2048 : i32
    %add3A_7 = arith.addi %mul3A_6, %add3A : i32
    %iota3A = tpu.iota {dimensions = array<i32: 1>} : vector<512x4096xi32>
    %iota3A_8 = tpu.iota {dimensions = array<i32: 0>} : vector<512x4096xi32>
    %add3A_9 = vector.broadcast %add3A_7 : i32 to vector<512x4096xi32>
    %add3A_10 = arith.addi %iota3A_8, %add3A_9 : vector<512x4096xi32>
    %bitcast_convert_type3A = tpu.bitcast %dot_general3A_5 : vector<512x4096xf32> -> vector<512x4096xi32>
    %shift_right_arithmetic3A = arith.constant 31 : i32
    %shift_right_arithmetic3A_11 = vector.broadcast %shift_right_arithmetic3A : i32 to vector<512x4096xi32>
    %shift_right_arithmetic3A_12 = arith.shrsi %bitcast_convert_type3A, %shift_right_arithmetic3A_11 : vector<512x4096xi32>
    %and3A = arith.constant 2147483647 : i32
    %and3A_13 = vector.broadcast %and3A : i32 to vector<512x4096xi32>
    %and3A_14 = arith.andi %shift_right_arithmetic3A_12, %and3A_13 : vector<512x4096xi32>
    %xor3A = arith.xori %bitcast_convert_type3A, %and3A_14 : vector<512x4096xi32>
    %and3A_15 = arith.constant -4096 : i32
    %and3A_16 = vector.broadcast %and3A_15 : i32 to vector<512x4096xi32>
    %and3A_17 = arith.andi %xor3A, %and3A_16 : vector<512x4096xi32>
    %sub3A = arith.constant 4095 : i32
    %sub3A_18 = vector.broadcast %sub3A : i32 to vector<512x4096xi32>
    %sub3A_19 = arith.subi %sub3A_18, %iota3A : vector<512x4096xi32>
    %or3A = arith.ori %and3A_17, %sub3A_19 : vector<512x4096xi32>
    %eq3A = arith.cmpi eq, %iota3A, %add3A_10 : vector<512x4096xi32>
    %jit3A = arith.constant -2147483648 : i32
    %broadcast_in_dim3A = vector.broadcast %jit3A : i32 to vector<512x4096xi32>
    %select_n3A = arith.select %eq3A, %broadcast_in_dim3A, %or3A : vector<512x4096xi1>, vector<512x4096xi32>
    %iota3A_20 = tpu.iota {dimensions = array<i32: 1>} : vector<512x128xi32>
    %broadcast_in_dim3A_21 = arith.constant 0 : i32
    %broadcast_in_dim3A_22 = vector.broadcast %broadcast_in_dim3A_21 : i32 to vector<512x128xi32>
    %reduce_max3A = arith.constant dense<-2147483648> : vector<512xi32>
    %reduce_max3A_23 = vector.multi_reduction <maxsi>, %select_n3A, %reduce_max3A [1] : vector<512x4096xi32> to vector<512xi32>
    %broadcast_in_dim3A_24 = vector.shape_cast %reduce_max3A_23 : vector<512xi32> to vector<512x1xi32>
    %and3A_25 = arith.constant 4095 : i32
    %and3A_26 = vector.broadcast %and3A_25 : i32 to vector<512x1xi32>
    %and3A_27 = arith.andi %broadcast_in_dim3A_24, %and3A_26 : vector<512x1xi32>
    %sub3A_28 = arith.constant 4095 : i32
    %sub3A_29 = vector.broadcast %sub3A_28 : i32 to vector<512x1xi32>
    %sub3A_30 = arith.subi %sub3A_29, %and3A_27 : vector<512x1xi32>
    %eq3A_31 = arith.constant 0 : i32
    %eq3A_32 = vector.broadcast %eq3A_31 : i32 to vector<512x128xi32>
    %eq3A_33 = arith.cmpi eq, %iota3A_20, %eq3A_32 : vector<512x128xi32>
    %broadcast_in_dim3A_34 = vector.shape_cast %sub3A_30 : vector<512x1xi32> to vector<512x1xi32>
    %broadcast_in_dim3A_35 = vector.broadcast %broadcast_in_dim3A_34 : vector<512x1xi32> to vector<512x128xi32>
    %select_n3A_36 = arith.select %eq3A_33, %broadcast_in_dim3A_35, %broadcast_in_dim3A_22 : vector<512x128xi1>, vector<512x128xi32>
    %eq3A_37 = vector.broadcast %broadcast_in_dim3A_24 : vector<512x1xi32> to vector<512x4096xi32>
    %eq3A_38 = arith.cmpi eq, %select_n3A, %eq3A_37 : vector<512x4096xi32>
    %jit3A_39 = arith.constant -2147483648 : i32
    %broadcast_in_dim3A_40 = vector.broadcast %jit3A_39 : i32 to vector<512x4096xi32>
    %select_n3A_41 = arith.select %eq3A_38, %broadcast_in_dim3A_40, %select_n3A : vector<512x4096xi1>, vector<512x4096xi32>
    %reduce_max3A_42 = arith.constant dense<-2147483648> : vector<512xi32>
    %reduce_max3A_43 = vector.multi_reduction <maxsi>, %select_n3A_41, %reduce_max3A_42 [1] : vector<512x4096xi32> to vector<512xi32>
    %broadcast_in_dim3A_44 = vector.shape_cast %reduce_max3A_43 : vector<512xi32> to vector<512x1xi32>
    %and3A_45 = arith.constant 4095 : i32
    %and3A_46 = vector.broadcast %and3A_45 : i32 to vector<512x1xi32>
    %and3A_47 = arith.andi %broadcast_in_dim3A_44, %and3A_46 : vector<512x1xi32>
    %sub3A_48 = arith.constant 4095 : i32
    %sub3A_49 = vector.broadcast %sub3A_48 : i32 to vector<512x1xi32>
    %sub3A_50 = arith.subi %sub3A_49, %and3A_47 : vector<512x1xi32>
    %eq3A_51 = arith.constant 1 : i32
    %eq3A_52 = vector.broadcast %eq3A_51 : i32 to vector<512x128xi32>
    %eq3A_53 = arith.cmpi eq, %iota3A_20, %eq3A_52 : vector<512x128xi32>
    %broadcast_in_dim3A_54 = vector.shape_cast %sub3A_50 : vector<512x1xi32> to vector<512x1xi32>
    %broadcast_in_dim3A_55 = vector.broadcast %broadcast_in_dim3A_54 : vector<512x1xi32> to vector<512x128xi32>
    %select_n3A_56 = arith.select %eq3A_53, %broadcast_in_dim3A_55, %select_n3A_36 : vector<512x128xi1>, vector<512x128xi32>
    %eq3A_57 = vector.broadcast %broadcast_in_dim3A_44 : vector<512x1xi32> to vector<512x4096xi32>
    %eq3A_58 = arith.cmpi eq, %select_n3A_41, %eq3A_57 : vector<512x4096xi32>
    %jit3A_59 = arith.constant -2147483648 : i32
    %broadcast_in_dim3A_60 = vector.broadcast %jit3A_59 : i32 to vector<512x4096xi32>
    %select_n3A_61 = arith.select %eq3A_58, %broadcast_in_dim3A_60, %select_n3A_41 : vector<512x4096xi1>, vector<512x4096xi32>
    %reduce_max3A_62 = arith.constant dense<-2147483648> : vector<512xi32>
    %reduce_max3A_63 = vector.multi_reduction <maxsi>, %select_n3A_61, %reduce_max3A_62 [1] : vector<512x4096xi32> to vector<512xi32>
    %broadcast_in_dim3A_64 = vector.shape_cast %reduce_max3A_63 : vector<512xi32> to vector<512x1xi32>
    %and3A_65 = arith.constant 4095 : i32
    %and3A_66 = vector.broadcast %and3A_65 : i32 to vector<512x1xi32>
    %and3A_67 = arith.andi %broadcast_in_dim3A_64, %and3A_66 : vector<512x1xi32>
    %sub3A_68 = arith.constant 4095 : i32
    %sub3A_69 = vector.broadcast %sub3A_68 : i32 to vector<512x1xi32>
    %sub3A_70 = arith.subi %sub3A_69, %and3A_67 : vector<512x1xi32>
    %eq3A_71 = arith.constant 2 : i32
    %eq3A_72 = vector.broadcast %eq3A_71 : i32 to vector<512x128xi32>
    %eq3A_73 = arith.cmpi eq, %iota3A_20, %eq3A_72 : vector<512x128xi32>
    %broadcast_in_dim3A_74 = vector.shape_cast %sub3A_70 : vector<512x1xi32> to vector<512x1xi32>
    %broadcast_in_dim3A_75 = vector.broadcast %broadcast_in_dim3A_74 : vector<512x1xi32> to vector<512x128xi32>
    %select_n3A_76 = arith.select %eq3A_73, %broadcast_in_dim3A_75, %select_n3A_56 : vector<512x128xi1>, vector<512x128xi32>
    %eq3A_77 = vector.broadcast %broadcast_in_dim3A_64 : vector<512x1xi32> to vector<512x4096xi32>
    %eq3A_78 = arith.cmpi eq, %select_n3A_61, %eq3A_77 : vector<512x4096xi32>
    %jit3A_79 = arith.constant -2147483648 : i32
    %broadcast_in_dim3A_80 = vector.broadcast %jit3A_79 : i32 to vector<512x4096xi32>
    %select_n3A_81 = arith.select %eq3A_78, %broadcast_in_dim3A_80, %select_n3A_61 : vector<512x4096xi1>, vector<512x4096xi32>
    %reduce_max3A_82 = arith.constant dense<-2147483648> : vector<512xi32>
    %reduce_max3A_83 = vector.multi_reduction <maxsi>, %select_n3A_81, %reduce_max3A_82 [1] : vector<512x4096xi32> to vector<512xi32>
    %broadcast_in_dim3A_84 = vector.shape_cast %reduce_max3A_83 : vector<512xi32> to vector<512x1xi32>
    %and3A_85 = arith.constant 4095 : i32
    %and3A_86 = vector.broadcast %and3A_85 : i32 to vector<512x1xi32>
    %and3A_87 = arith.andi %broadcast_in_dim3A_84, %and3A_86 : vector<512x1xi32>
    %sub3A_88 = arith.constant 4095 : i32
    %sub3A_89 = vector.broadcast %sub3A_88 : i32 to vector<512x1xi32>
    %sub3A_90 = arith.subi %sub3A_89, %and3A_87 : vector<512x1xi32>
    %eq3A_91 = arith.constant 3 : i32
    %eq3A_92 = vector.broadcast %eq3A_91 : i32 to vector<512x128xi32>
    %eq3A_93 = arith.cmpi eq, %iota3A_20, %eq3A_92 : vector<512x128xi32>
    %broadcast_in_dim3A_94 = vector.shape_cast %sub3A_90 : vector<512x1xi32> to vector<512x1xi32>
    %broadcast_in_dim3A_95 = vector.broadcast %broadcast_in_dim3A_94 : vector<512x1xi32> to vector<512x128xi32>
    %select_n3A_96 = arith.select %eq3A_93, %broadcast_in_dim3A_95, %select_n3A_76 : vector<512x128xi1>, vector<512x128xi32>
    %swap3A = arith.constant 0 : index
    %swap3A_97 = arith.constant 0 : index
    %swap3A_98 = vector.load %arg3[%swap3A, %swap3A_97] : memref<512x128xi32, #tpu.memory_space<vmem>>, vector<512x128xi32>
    tpu.vector_store %arg3[%swap3A, %swap3A_97], %select_n3A_96 {strides = array<i32>} : memref<512x128xi32, #tpu.memory_space<vmem>>, vector<512x128xi32>,
    return
  }
  func.func @transform_0(%arg0: i32) -> (i32, i32) {
    %add3A = arith.constant 4 : i32
    %add3A_0 = arith.addi %arg0, %add3A : i32
    %c0_i32 = arith.constant 0 : i32
    %c0_i32_1 = arith.constant 0 : i32
    return %add3A_0, %c0_i32 : i32, i32
  }
  func.func @transform_1(%arg0: i32) -> (i32, i32) {
    %c0_i32 = arith.constant 0 : i32
    %c0_i32_0 = arith.constant 0 : i32
    %c0_i32_1 = arith.constant 0 : i32
    return %c0_i32, %c0_i32_0 : i32, i32
  }
  func.func @transform_2(%arg0: i32) -> (i32, i32) {
    %c0_i32 = arith.constant 0 : i32
    %c0_i32_0 = arith.constant 0 : i32
    return %arg0, %c0_i32 : i32, i32
  }
}

module attributes {stable_mosaic.version = 14 : i64} {
  func.func @_norm_body(%arg0: i32, %arg1: memref<512x1000xf32, #tpu.memory_space<vmem>>, %arg2: memref<512x1000xf32, #tpu.memory_space<vmem>>, %arg3: memref<512x1000xbf16, #tpu.memory_space<vmem>>, %arg4: memref<512x512xi32, #tpu.memory_space<vmem>>, %arg5: memref<512x512xi32, #tpu.memory_space<vmem>>) attributes {dimension_semantics = [#tpu.dimension_semantics<arbitrary>], iteration_bounds = array<i64: 8>, scalar_prefetch = 0 : i64, scratch_operands = 0 : i64, tpu.core_type = #tpu.core_type<tc>, window_params = [{transform_indices = @transform_0, window_bounds = array<i64: 512, 1000>}, {transform_indices = @transform_1, window_bounds = array<i64: 512, 1000>}, {transform_indices = @transform_2, window_bounds = array<i64: 512, 1000>}, {transform_indices = @transform_3, window_bounds = array<i64: 512, 512>}, {transform_indices = @transform_4, window_bounds = array<i64: 512, 512>}]} {
    %broadcast_in_dim3A = arith.constant 0.000000e+00 : f32
    %broadcast_in_dim3A_0 = vector.broadcast %broadcast_in_dim3A : f32 to vector<512x24xf32>
    %get3A = arith.constant 0 : index
    %get3A_1 = arith.constant 0 : index
    %get3A_2 = vector.load %arg2[%get3A, %get3A_1] : memref<512x1000xf32, #tpu.memory_space<vmem>>, vector<512x1000xf32>
    %mul3A = arith.mulf %get3A_2, %get3A_2 : vector<512x1000xf32>
    %reduce_sum3A = arith.constant dense<0.000000e+00> : vector<512xf32>
    %reduce_sum3A_3 = vector.multi_reduction <add>, %mul3A, %reduce_sum3A [1] : vector<512x1000xf32> to vector<512xf32>
    %broadcast_in_dim3A_4 = vector.shape_cast %reduce_sum3A_3 : vector<512xf32> to vector<512x1xf32>
    %sqrt3A = math.sqrt %broadcast_in_dim3A_4 : vector<512x1xf32>
    %max3A = arith.constant 9.99999996E-13 : f32
    %max3A_5 = vector.broadcast %max3A : f32 to vector<512x1xf32>
    %max3A_6 = arith.maximumf %sqrt3A, %max3A_5 : vector<512x1xf32>
    %div3A = vector.broadcast %max3A_6 : vector<512x1xf32> to vector<512x1000xf32>
    %div3A_7 = arith.divf %get3A_2, %div3A : vector<512x1000xf32>
    %convert_element_type3A = arith.truncf %div3A_7 : vector<512x1000xf32> to vector<512x1000xbf16>
    %swap3A = arith.constant 0 : index
    %swap3A_8 = arith.constant 0 : index
    %swap3A_9 = vector.load %arg3[%swap3A, %swap3A_8] : memref<512x1000xbf16, #tpu.memory_space<vmem>>, vector<512x1000xbf16>
    tpu.vector_store %arg3[%swap3A, %swap3A_8], %convert_element_type3A {strides = array<i32>} : memref<512x1000xbf16, #tpu.memory_space<vmem>>, vector<512x1000xbf16>,
    %get3A_10 = arith.constant 0 : index
    %get3A_11 = arith.constant 0 : index
    %get3A_12 = vector.load %arg1[%get3A_10, %get3A_11] : memref<512x1000xf32, #tpu.memory_space<vmem>>, vector<512x1000xf32>
    %concatenate3A = tpu.concatenate %get3A_12, %broadcast_in_dim3A_0 in 1 : vector<512x1000xf32>, vector<512x24xf32> -> vector<512x1024xf32>
    %slice3A = vector.extract_strided_slice %concatenate3A {offsets = [0, 0], sizes = [512, 512], strides = [1, 1]} : vector<512x1024xf32> to vector<512x512xf32>
    %bitcast_convert_type3A = tpu.bitcast %slice3A : vector<512x512xf32> -> vector<512x512xi32>
    %add3A = arith.constant 32767 : i32
    %add3A_13 = vector.broadcast %add3A : i32 to vector<512x512xi32>
    %add3A_14 = arith.addi %bitcast_convert_type3A, %add3A_13 : vector<512x512xi32>
    %shift_right_logical3A = arith.constant 16 : i32
    %shift_right_logical3A_15 = vector.broadcast %shift_right_logical3A : i32 to vector<512x512xi32>
    %shift_right_logical3A_16 = arith.shrui %bitcast_convert_type3A, %shift_right_logical3A_15 : vector<512x512xi32>
    %and3A = arith.constant 1 : i32
    %and3A_17 = vector.broadcast %and3A : i32 to vector<512x512xi32>
    %and3A_18 = arith.andi %shift_right_logical3A_16, %and3A_17 : vector<512x512xi32>
    %add3A_19 = arith.addi %add3A_14, %and3A_18 : vector<512x512xi32>
    %shift_right_logical3A_20 = arith.constant 16 : i32
    %shift_right_logical3A_21 = vector.broadcast %shift_right_logical3A_20 : i32 to vector<512x512xi32>
    %shift_right_logical3A_22 = arith.shrui %add3A_19, %shift_right_logical3A_21 : vector<512x512xi32>
    %slice3A_23 = vector.extract_strided_slice %concatenate3A {offsets = [0, 512], sizes = [512, 512], strides = [1, 1]} : vector<512x1024xf32> to vector<512x512xf32>
    %bitcast_convert_type3A_24 = tpu.bitcast %slice3A_23 : vector<512x512xf32> -> vector<512x512xi32>
    %add3A_25 = arith.constant 32767 : i32
    %add3A_26 = vector.broadcast %add3A_25 : i32 to vector<512x512xi32>
    %add3A_27 = arith.addi %bitcast_convert_type3A_24, %add3A_26 : vector<512x512xi32>
    %shift_right_logical3A_28 = arith.constant 16 : i32
    %shift_right_logical3A_29 = vector.broadcast %shift_right_logical3A_28 : i32 to vector<512x512xi32>
    %shift_right_logical3A_30 = arith.shrui %bitcast_convert_type3A_24, %shift_right_logical3A_29 : vector<512x512xi32>
    %and3A_31 = arith.constant 1 : i32
    %and3A_32 = vector.broadcast %and3A_31 : i32 to vector<512x512xi32>
    %and3A_33 = arith.andi %shift_right_logical3A_30, %and3A_32 : vector<512x512xi32>
    %add3A_34 = arith.addi %add3A_27, %and3A_33 : vector<512x512xi32>
    %shift_right_logical3A_35 = arith.constant 16 : i32
    %shift_right_logical3A_36 = vector.broadcast %shift_right_logical3A_35 : i32 to vector<512x512xi32>
    %shift_right_logical3A_37 = arith.shrui %add3A_34, %shift_right_logical3A_36 : vector<512x512xi32>
    %shift_left3A = arith.constant 16 : i32
    %shift_left3A_38 = vector.broadcast %shift_left3A : i32 to vector<512x512xi32>
    %shift_left3A_39 = arith.shli %shift_right_logical3A_22, %shift_left3A_38 : vector<512x512xi32>
    %or3A = arith.ori %shift_left3A_39, %shift_right_logical3A_37 : vector<512x512xi32>
    %swap3A_40 = arith.constant 0 : index
    %swap3A_41 = arith.constant 0 : index
    %swap3A_42 = vector.load %arg4[%swap3A_40, %swap3A_41] : memref<512x512xi32, #tpu.memory_space<vmem>>, vector<512x512xi32>
    tpu.vector_store %arg4[%swap3A_40, %swap3A_41], %or3A {strides = array<i32>} : memref<512x512xi32, #tpu.memory_space<vmem>>, vector<512x512xi32>,
    %concatenate3A_43 = tpu.concatenate %get3A_2, %broadcast_in_dim3A_0 in 1 : vector<512x1000xf32>, vector<512x24xf32> -> vector<512x1024xf32>
    %slice3A_44 = vector.extract_strided_slice %concatenate3A_43 {offsets = [0, 0], sizes = [512, 512], strides = [1, 1]} : vector<512x1024xf32> to vector<512x512xf32>
    %bitcast_convert_type3A_45 = tpu.bitcast %slice3A_44 : vector<512x512xf32> -> vector<512x512xi32>
    %add3A_46 = arith.constant 32767 : i32
    %add3A_47 = vector.broadcast %add3A_46 : i32 to vector<512x512xi32>
    %add3A_48 = arith.addi %bitcast_convert_type3A_45, %add3A_47 : vector<512x512xi32>
    %shift_right_logical3A_49 = arith.constant 16 : i32
    %shift_right_logical3A_50 = vector.broadcast %shift_right_logical3A_49 : i32 to vector<512x512xi32>
    %shift_right_logical3A_51 = arith.shrui %bitcast_convert_type3A_45, %shift_right_logical3A_50 : vector<512x512xi32>
    %and3A_52 = arith.constant 1 : i32
    %and3A_53 = vector.broadcast %and3A_52 : i32 to vector<512x512xi32>
    %and3A_54 = arith.andi %shift_right_logical3A_51, %and3A_53 : vector<512x512xi32>
    %add3A_55 = arith.addi %add3A_48, %and3A_54 : vector<512x512xi32>
    %shift_right_logical3A_56 = arith.constant 16 : i32
    %shift_right_logical3A_57 = vector.broadcast %shift_right_logical3A_56 : i32 to vector<512x512xi32>
    %shift_right_logical3A_58 = arith.shrui %add3A_55, %shift_right_logical3A_57 : vector<512x512xi32>
    %slice3A_59 = vector.extract_strided_slice %concatenate3A_43 {offsets = [0, 512], sizes = [512, 512], strides = [1, 1]} : vector<512x1024xf32> to vector<512x512xf32>
    %bitcast_convert_type3A_60 = tpu.bitcast %slice3A_59 : vector<512x512xf32> -> vector<512x512xi32>
    %add3A_61 = arith.constant 32767 : i32
    %add3A_62 = vector.broadcast %add3A_61 : i32 to vector<512x512xi32>
    %add3A_63 = arith.addi %bitcast_convert_type3A_60, %add3A_62 : vector<512x512xi32>
    %shift_right_logical3A_64 = arith.constant 16 : i32
    %shift_right_logical3A_65 = vector.broadcast %shift_right_logical3A_64 : i32 to vector<512x512xi32>
    %shift_right_logical3A_66 = arith.shrui %bitcast_convert_type3A_60, %shift_right_logical3A_65 : vector<512x512xi32>
    %and3A_67 = arith.constant 1 : i32
    %and3A_68 = vector.broadcast %and3A_67 : i32 to vector<512x512xi32>
    %and3A_69 = arith.andi %shift_right_logical3A_66, %and3A_68 : vector<512x512xi32>
    %add3A_70 = arith.addi %add3A_63, %and3A_69 : vector<512x512xi32>
    %shift_right_logical3A_71 = arith.constant 16 : i32
    %shift_right_logical3A_72 = vector.broadcast %shift_right_logical3A_71 : i32 to vector<512x512xi32>
    %shift_right_logical3A_73 = arith.shrui %add3A_70, %shift_right_logical3A_72 : vector<512x512xi32>
    %shift_left3A_74 = arith.constant 16 : i32
    %shift_left3A_75 = vector.broadcast %shift_left3A_74 : i32 to vector<512x512xi32>
    %shift_left3A_76 = arith.shli %shift_right_logical3A_58, %shift_left3A_75 : vector<512x512xi32>
    %or3A_77 = arith.ori %shift_left3A_76, %shift_right_logical3A_73 : vector<512x512xi32>
    %swap3A_78 = arith.constant 0 : index
    %swap3A_79 = arith.constant 0 : index
    %swap3A_80 = vector.load %arg5[%swap3A_78, %swap3A_79] : memref<512x512xi32, #tpu.memory_space<vmem>>, vector<512x512xi32>
    tpu.vector_store %arg5[%swap3A_78, %swap3A_79], %or3A_77 {strides = array<i32>} : memref<512x512xi32, #tpu.memory_space<vmem>>, vector<512x512xi32>,
    return
  }
  func.func @transform_0(%arg0: i32) -> (i32, i32) {
    %c0_i32 = arith.constant 0 : i32
    %c0_i32_0 = arith.constant 0 : i32
    return %arg0, %c0_i32 : i32, i32
  }
  func.func @transform_1(%arg0: i32) -> (i32, i32) {
    %c0_i32 = arith.constant 0 : i32
    %c0_i32_0 = arith.constant 0 : i32
    return %arg0, %c0_i32 : i32, i32
  }
  func.func @transform_2(%arg0: i32) -> (i32, i32) {
    %c0_i32 = arith.constant 0 : i32
    %c0_i32_0 = arith.constant 0 : i32
    return %arg0, %c0_i32 : i32, i32
  }
  func.func @transform_3(%arg0: i32) -> (i32, i32) {
    %c0_i32 = arith.constant 0 : i32
    %c0_i32_0 = arith.constant 0 : i32
    return %arg0, %c0_i32 : i32, i32
  }
  func.func @transform_4(%arg0: i32) -> (i32, i32) {
    %c0_i32 = arith.constant 0 : i32
    %c0_i32_0 = arith.constant 0 : i32
    return %arg0, %c0_i32 : i32, i32
  }
}

module attributes {stable_mosaic.version = 14 : i64} {
  func.func @_topk_body(%arg0: i32, %arg1: memref<512x1000xf32, #tpu.memory_space<vmem>>, %arg2: memref<4096x1000xbf16, #tpu.memory_space<vmem>>, %arg3: memref<512x128xi32, #tpu.memory_space<vmem>>) attributes {dimension_semantics = [#tpu.dimension_semantics<arbitrary>], iteration_bounds = array<i64: 4>, scalar_prefetch = 0 : i64, scratch_operands = 0 : i64, tpu.core_type = #tpu.core_type<tc>, window_params = [{transform_indices = @transform_0, window_bounds = array<i64: 512, 1000>}, {pipeline_mode = #tpu.pipeline_mode<synchronous>, transform_indices = @transform_1, window_bounds = array<i64: 4096, 1000>}, {transform_indices = @transform_2, window_bounds = array<i64: 512, 128>}]} {
    %get3A = arith.constant 0 : index
    %get3A_0 = arith.constant 0 : index
    %get3A_1 = vector.load %arg1[%get3A, %get3A_0] : memref<512x1000xf32, #tpu.memory_space<vmem>>, vector<512x1000xf32>
    %convert_element_type3A = arith.truncf %get3A_1 : vector<512x1000xf32> to vector<512x1000xbf16>
    %get3A_2 = arith.constant 0 : index
    %get3A_3 = arith.constant 0 : index
    %get3A_4 = vector.load %arg2[%get3A_2, %get3A_3] : memref<4096x1000xbf16, #tpu.memory_space<vmem>>, vector<4096x1000xbf16>
    %dot_general3A = arith.constant dense<0.000000e+00> : vector<512x4096xf32>
    %dot_general3A_5 = tpu.matmul %convert_element_type3A, %get3A_4, %dot_general3A {dimension_numbers = #tpu.dot_dimension_numbers<[1], [1], [0], [0], [0, 0, 1, 0], [], []>, transpose_lhs_hint = false} : vector<512x1000xbf16>, vector<4096x1000xbf16>, vector<512x4096xf32> -> vector<512x4096xf32>
    %mul3A = arith.constant 512 : i32
    %mul3A_6 = arith.muli %arg0, %mul3A : i32
    %add3A = arith.constant 0 : i32
    %add3A_7 = arith.addi %mul3A_6, %add3A : i32
    %iota3A = tpu.iota {dimensions = array<i32: 1>} : vector<512x4096xi32>
    %iota3A_8 = tpu.iota {dimensions = array<i32: 0>} : vector<512x4096xi32>
    %add3A_9 = vector.broadcast %add3A_7 : i32 to vector<512x4096xi32>
    %add3A_10 = arith.addi %iota3A_8, %add3A_9 : vector<512x4096xi32>
    %bitcast_convert_type3A = tpu.bitcast %dot_general3A_5 : vector<512x4096xf32> -> vector<512x4096xi32>
    %shift_right_arithmetic3A = arith.constant 31 : i32
    %shift_right_arithmetic3A_11 = vector.broadcast %shift_right_arithmetic3A : i32 to vector<512x4096xi32>
    %shift_right_arithmetic3A_12 = arith.shrsi %bitcast_convert_type3A, %shift_right_arithmetic3A_11 : vector<512x4096xi32>
    %and3A = arith.constant 2147483647 : i32
    %and3A_13 = vector.broadcast %and3A : i32 to vector<512x4096xi32>
    %and3A_14 = arith.andi %shift_right_arithmetic3A_12, %and3A_13 : vector<512x4096xi32>
    %xor3A = arith.xori %bitcast_convert_type3A, %and3A_14 : vector<512x4096xi32>
    %and3A_15 = arith.constant -4096 : i32
    %and3A_16 = vector.broadcast %and3A_15 : i32 to vector<512x4096xi32>
    %and3A_17 = arith.andi %xor3A, %and3A_16 : vector<512x4096xi32>
    %sub3A = arith.constant 4095 : i32
    %sub3A_18 = vector.broadcast %sub3A : i32 to vector<512x4096xi32>
    %sub3A_19 = arith.subi %sub3A_18, %iota3A : vector<512x4096xi32>
    %or3A = arith.ori %and3A_17, %sub3A_19 : vector<512x4096xi32>
    %eq3A = arith.cmpi eq, %iota3A, %add3A_10 : vector<512x4096xi32>
    %jit3A = arith.constant -2147483648 : i32
    %broadcast_in_dim3A = vector.broadcast %jit3A : i32 to vector<512x4096xi32>
    %select_n3A = arith.select %eq3A, %broadcast_in_dim3A, %or3A : vector<512x4096xi1>, vector<512x4096xi32>
    %iota3A_20 = tpu.iota {dimensions = array<i32: 1>} : vector<512x128xi32>
    %broadcast_in_dim3A_21 = arith.constant 0 : i32
    %broadcast_in_dim3A_22 = vector.broadcast %broadcast_in_dim3A_21 : i32 to vector<512x128xi32>
    %reduce_max3A = arith.constant dense<-2147483648> : vector<512xi32>
    %reduce_max3A_23 = vector.multi_reduction <maxsi>, %select_n3A, %reduce_max3A [1] : vector<512x4096xi32> to vector<512xi32>
    %broadcast_in_dim3A_24 = vector.shape_cast %reduce_max3A_23 : vector<512xi32> to vector<512x1xi32>
    %and3A_25 = arith.constant 4095 : i32
    %and3A_26 = vector.broadcast %and3A_25 : i32 to vector<512x1xi32>
    %and3A_27 = arith.andi %broadcast_in_dim3A_24, %and3A_26 : vector<512x1xi32>
    %sub3A_28 = arith.constant 4095 : i32
    %sub3A_29 = vector.broadcast %sub3A_28 : i32 to vector<512x1xi32>
    %sub3A_30 = arith.subi %sub3A_29, %and3A_27 : vector<512x1xi32>
    %eq3A_31 = arith.constant 0 : i32
    %eq3A_32 = vector.broadcast %eq3A_31 : i32 to vector<512x128xi32>
    %eq3A_33 = arith.cmpi eq, %iota3A_20, %eq3A_32 : vector<512x128xi32>
    %broadcast_in_dim3A_34 = vector.shape_cast %sub3A_30 : vector<512x1xi32> to vector<512x1xi32>
    %broadcast_in_dim3A_35 = vector.broadcast %broadcast_in_dim3A_34 : vector<512x1xi32> to vector<512x128xi32>
    %select_n3A_36 = arith.select %eq3A_33, %broadcast_in_dim3A_35, %broadcast_in_dim3A_22 : vector<512x128xi1>, vector<512x128xi32>
    %eq3A_37 = vector.broadcast %broadcast_in_dim3A_24 : vector<512x1xi32> to vector<512x4096xi32>
    %eq3A_38 = arith.cmpi eq, %select_n3A, %eq3A_37 : vector<512x4096xi32>
    %jit3A_39 = arith.constant -2147483648 : i32
    %broadcast_in_dim3A_40 = vector.broadcast %jit3A_39 : i32 to vector<512x4096xi32>
    %select_n3A_41 = arith.select %eq3A_38, %broadcast_in_dim3A_40, %select_n3A : vector<512x4096xi1>, vector<512x4096xi32>
    %reduce_max3A_42 = arith.constant dense<-2147483648> : vector<512xi32>
    %reduce_max3A_43 = vector.multi_reduction <maxsi>, %select_n3A_41, %reduce_max3A_42 [1] : vector<512x4096xi32> to vector<512xi32>
    %broadcast_in_dim3A_44 = vector.shape_cast %reduce_max3A_43 : vector<512xi32> to vector<512x1xi32>
    %and3A_45 = arith.constant 4095 : i32
    %and3A_46 = vector.broadcast %and3A_45 : i32 to vector<512x1xi32>
    %and3A_47 = arith.andi %broadcast_in_dim3A_44, %and3A_46 : vector<512x1xi32>
    %sub3A_48 = arith.constant 4095 : i32
    %sub3A_49 = vector.broadcast %sub3A_48 : i32 to vector<512x1xi32>
    %sub3A_50 = arith.subi %sub3A_49, %and3A_47 : vector<512x1xi32>
    %eq3A_51 = arith.constant 1 : i32
    %eq3A_52 = vector.broadcast %eq3A_51 : i32 to vector<512x128xi32>
    %eq3A_53 = arith.cmpi eq, %iota3A_20, %eq3A_52 : vector<512x128xi32>
    %broadcast_in_dim3A_54 = vector.shape_cast %sub3A_50 : vector<512x1xi32> to vector<512x1xi32>
    %broadcast_in_dim3A_55 = vector.broadcast %broadcast_in_dim3A_54 : vector<512x1xi32> to vector<512x128xi32>
    %select_n3A_56 = arith.select %eq3A_53, %broadcast_in_dim3A_55, %select_n3A_36 : vector<512x128xi1>, vector<512x128xi32>
    %eq3A_57 = vector.broadcast %broadcast_in_dim3A_44 : vector<512x1xi32> to vector<512x4096xi32>
    %eq3A_58 = arith.cmpi eq, %select_n3A_41, %eq3A_57 : vector<512x4096xi32>
    %jit3A_59 = arith.constant -2147483648 : i32
    %broadcast_in_dim3A_60 = vector.broadcast %jit3A_59 : i32 to vector<512x4096xi32>
    %select_n3A_61 = arith.select %eq3A_58, %broadcast_in_dim3A_60, %select_n3A_41 : vector<512x4096xi1>, vector<512x4096xi32>
    %reduce_max3A_62 = arith.constant dense<-2147483648> : vector<512xi32>
    %reduce_max3A_63 = vector.multi_reduction <maxsi>, %select_n3A_61, %reduce_max3A_62 [1] : vector<512x4096xi32> to vector<512xi32>
    %broadcast_in_dim3A_64 = vector.shape_cast %reduce_max3A_63 : vector<512xi32> to vector<512x1xi32>
    %and3A_65 = arith.constant 4095 : i32
    %and3A_66 = vector.broadcast %and3A_65 : i32 to vector<512x1xi32>
    %and3A_67 = arith.andi %broadcast_in_dim3A_64, %and3A_66 : vector<512x1xi32>
    %sub3A_68 = arith.constant 4095 : i32
    %sub3A_69 = vector.broadcast %sub3A_68 : i32 to vector<512x1xi32>
    %sub3A_70 = arith.subi %sub3A_69, %and3A_67 : vector<512x1xi32>
    %eq3A_71 = arith.constant 2 : i32
    %eq3A_72 = vector.broadcast %eq3A_71 : i32 to vector<512x128xi32>
    %eq3A_73 = arith.cmpi eq, %iota3A_20, %eq3A_72 : vector<512x128xi32>
    %broadcast_in_dim3A_74 = vector.shape_cast %sub3A_70 : vector<512x1xi32> to vector<512x1xi32>
    %broadcast_in_dim3A_75 = vector.broadcast %broadcast_in_dim3A_74 : vector<512x1xi32> to vector<512x128xi32>
    %select_n3A_76 = arith.select %eq3A_73, %broadcast_in_dim3A_75, %select_n3A_56 : vector<512x128xi1>, vector<512x128xi32>
    %eq3A_77 = vector.broadcast %broadcast_in_dim3A_64 : vector<512x1xi32> to vector<512x4096xi32>
    %eq3A_78 = arith.cmpi eq, %select_n3A_61, %eq3A_77 : vector<512x4096xi32>
    %jit3A_79 = arith.constant -2147483648 : i32
    %broadcast_in_dim3A_80 = vector.broadcast %jit3A_79 : i32 to vector<512x4096xi32>
    %select_n3A_81 = arith.select %eq3A_78, %broadcast_in_dim3A_80, %select_n3A_61 : vector<512x4096xi1>, vector<512x4096xi32>
    %reduce_max3A_82 = arith.constant dense<-2147483648> : vector<512xi32>
    %reduce_max3A_83 = vector.multi_reduction <maxsi>, %select_n3A_81, %reduce_max3A_82 [1] : vector<512x4096xi32> to vector<512xi32>
    %broadcast_in_dim3A_84 = vector.shape_cast %reduce_max3A_83 : vector<512xi32> to vector<512x1xi32>
    %and3A_85 = arith.constant 4095 : i32
    %and3A_86 = vector.broadcast %and3A_85 : i32 to vector<512x1xi32>
    %and3A_87 = arith.andi %broadcast_in_dim3A_84, %and3A_86 : vector<512x1xi32>
    %sub3A_88 = arith.constant 4095 : i32
    %sub3A_89 = vector.broadcast %sub3A_88 : i32 to vector<512x1xi32>
    %sub3A_90 = arith.subi %sub3A_89, %and3A_87 : vector<512x1xi32>
    %eq3A_91 = arith.constant 3 : i32
    %eq3A_92 = vector.broadcast %eq3A_91 : i32 to vector<512x128xi32>
    %eq3A_93 = arith.cmpi eq, %iota3A_20, %eq3A_92 : vector<512x128xi32>
    %broadcast_in_dim3A_94 = vector.shape_cast %sub3A_90 : vector<512x1xi32> to vector<512x1xi32>
    %broadcast_in_dim3A_95 = vector.broadcast %broadcast_in_dim3A_94 : vector<512x1xi32> to vector<512x128xi32>
    %select_n3A_96 = arith.select %eq3A_93, %broadcast_in_dim3A_95, %select_n3A_76 : vector<512x128xi1>, vector<512x128xi32>
    %swap3A = arith.constant 0 : index
    %swap3A_97 = arith.constant 0 : index
    %swap3A_98 = vector.load %arg3[%swap3A, %swap3A_97] : memref<512x128xi32, #tpu.memory_space<vmem>>, vector<512x128xi32>
    tpu.vector_store %arg3[%swap3A, %swap3A_97], %select_n3A_96 {strides = array<i32>} : memref<512x128xi32, #tpu.memory_space<vmem>>, vector<512x128xi32>,
    return
  }
  func.func @transform_0(%arg0: i32) -> (i32, i32) {
    %add3A = arith.constant 0 : i32
    %add3A_0 = arith.addi %arg0, %add3A : i32
    %c0_i32 = arith.constant 0 : i32
    %c0_i32_1 = arith.constant 0 : i32
    return %add3A_0, %c0_i32 : i32, i32
  }
  func.func @transform_1(%arg0: i32) -> (i32, i32) {
    %c0_i32 = arith.constant 0 : i32
    %c0_i32_0 = arith.constant 0 : i32
    %c0_i32_1 = arith.constant 0 : i32
    return %c0_i32, %c0_i32_0 : i32, i32
  }
  func.func @transform_2(%arg0: i32) -> (i32, i32) {
    %c0_i32 = arith.constant 0 : i32
    %c0_i32_0 = arith.constant 0 : i32
    return %arg0, %c0_i32 : i32, i32
  }
}

module attributes {stable_mosaic.version = 14 : i64} {
  func.func @_js_body(%arg0: i32, %arg1: memref<256x1000xf32, #tpu.memory_space<vmem>>, %arg2: memref<256x1000xf32, #tpu.memory_space<vmem>>, %arg3: memref<4x256x512xi32, #tpu.memory_space<vmem>>, %arg4: memref<4x256x512xi32, #tpu.memory_space<vmem>>, %arg5: memref<1x1xf32, #tpu.memory_space<smem>>, %arg6: memref<1x1xf32, #tpu.memory_space<smem>>) attributes {dimension_semantics = [#tpu.dimension_semantics<arbitrary>], iteration_bounds = array<i64: 8>, scalar_prefetch = 0 : i64, scratch_operands = 1 : i64, tpu.core_type = #tpu.core_type<tc>, window_params = [{transform_indices = @transform_0, window_bounds = array<i64: 256, 1000>}, {transform_indices = @transform_1, window_bounds = array<i64: 256, 1000>}, {transform_indices = @transform_2, window_bounds = array<i64: 4, 256, 512>}, {transform_indices = @transform_3, window_bounds = array<i64: 4, 256, 512>}, {transform_indices = @transform_4, window_bounds = array<i64: 1, 1>}]} {
    %eq3A = arith.constant 0 : i32
    %eq3A_0 = arith.cmpi eq, %arg0, %eq3A : i32
    %convert_element_type3A = arith.extui %eq3A_0 : i1 to i32
    %cond3A = arith.constant 0 : i32
    %cond3A_1 = arith.cmpi ne, %convert_element_type3A, %cond3A : i32
    scf.if %cond3A_1 {
      %swap3A_325 = arith.constant 0.000000e+00 : f32
      %swap3A_326 = arith.constant 0 : index
      %swap3A_327 = arith.constant 0 : index
      %swap3A_328 = memref.load %arg6[%swap3A_326, %swap3A_327] : memref<1x1xf32, #tpu.memory_space<smem>>
      memref.store %swap3A_325, %arg6[%swap3A_326, %swap3A_327] : memref<1x1xf32, #tpu.memory_space<smem>>
    } else {
    }
    %get3A = arith.constant 0 : index
    %get3A_2 = arith.constant 0 : index
    %get3A_3 = vector.load %arg1[%get3A, %get3A_2] : memref<256x1000xf32, #tpu.memory_space<vmem>>, vector<256x1000xf32>
    %get3A_4 = arith.constant 0 : index
    %get3A_5 = arith.constant 0 : index
    %get3A_6 = vector.load %arg2[%get3A_4, %get3A_5] : memref<256x1000xf32, #tpu.memory_space<vmem>>, vector<256x1000xf32>
    %get3A_7 = arith.constant 0 : index
    %get3A_8 = arith.constant 0 : index
    %get3A_9 = arith.constant 0 : index
    %get3A_10 = vector.load %arg3[%get3A_7, %get3A_8, %get3A_9] : memref<4x256x512xi32, #tpu.memory_space<vmem>>, vector<1x256x512xi32>
    %get3A_11 = vector.shape_cast %get3A_10 : vector<1x256x512xi32> to vector<256x512xi32>
    %and3A = arith.constant -65536 : i32
    %and3A_12 = vector.broadcast %and3A : i32 to vector<256x512xi32>
    %and3A_13 = arith.andi %get3A_11, %and3A_12 : vector<256x512xi32>
    %bitcast_convert_type3A = tpu.bitcast %and3A_13 : vector<256x512xi32> -> vector<256x512xf32>
    %shift_left3A = arith.constant 16 : i32
    %shift_left3A_14 = vector.broadcast %shift_left3A : i32 to vector<256x512xi32>
    %shift_left3A_15 = arith.shli %get3A_11, %shift_left3A_14 : vector<256x512xi32>
    %bitcast_convert_type3A_16 = tpu.bitcast %shift_left3A_15 : vector<256x512xi32> -> vector<256x512xf32>
    %concatenate3A = tpu.concatenate %bitcast_convert_type3A, %bitcast_convert_type3A_16 in 1 : vector<256x512xf32>, vector<256x512xf32> -> vector<256x1024xf32>
    %slice3A = vector.extract_strided_slice %concatenate3A {offsets = [0, 0], sizes = [256, 1000], strides = [1, 1]} : vector<256x1024xf32> to vector<256x1000xf32>
    %sub3A = arith.subf %get3A_3, %slice3A : vector<256x1000xf32>
    %get3A_17 = arith.constant 0 : index
    %get3A_18 = arith.constant 0 : index
    %get3A_19 = arith.constant 0 : index
    %get3A_20 = vector.load %arg4[%get3A_17, %get3A_18, %get3A_19] : memref<4x256x512xi32, #tpu.memory_space<vmem>>, vector<1x256x512xi32>
    %get3A_21 = vector.shape_cast %get3A_20 : vector<1x256x512xi32> to vector<256x512xi32>
    %and3A_22 = arith.constant -65536 : i32
    %and3A_23 = vector.broadcast %and3A_22 : i32 to vector<256x512xi32>
    %and3A_24 = arith.andi %get3A_21, %and3A_23 : vector<256x512xi32>
    %bitcast_convert_type3A_25 = tpu.bitcast %and3A_24 : vector<256x512xi32> -> vector<256x512xf32>
    %shift_left3A_26 = arith.constant 16 : i32
    %shift_left3A_27 = vector.broadcast %shift_left3A_26 : i32 to vector<256x512xi32>
    %shift_left3A_28 = arith.shli %get3A_21, %shift_left3A_27 : vector<256x512xi32>
    %bitcast_convert_type3A_29 = tpu.bitcast %shift_left3A_28 : vector<256x512xi32> -> vector<256x512xf32>
    %concatenate3A_30 = tpu.concatenate %bitcast_convert_type3A_25, %bitcast_convert_type3A_29 in 1 : vector<256x512xf32>, vector<256x512xf32> -> vector<256x1024xf32>
    %slice3A_31 = vector.extract_strided_slice %concatenate3A_30 {offsets = [0, 0], sizes = [256, 1000], strides = [1, 1]} : vector<256x1024xf32> to vector<256x1000xf32>
    %sub3A_32 = arith.subf %get3A_6, %slice3A_31 : vector<256x1000xf32>
    %reduce_max3A = arith.constant dense<0xFF800000> : vector<256xf32>
    %reduce_max3A_33 = vector.multi_reduction <maximumf>, %sub3A, %reduce_max3A [1] : vector<256x1000xf32> to vector<256xf32>
    %broadcast_in_dim3A = vector.shape_cast %reduce_max3A_33 : vector<256xf32> to vector<256x1xf32>
    %sub3A_34 = vector.broadcast %broadcast_in_dim3A : vector<256x1xf32> to vector<256x1000xf32>
    %sub3A_35 = arith.subf %sub3A, %sub3A_34 : vector<256x1000xf32>
    %exp3A = math.exp %sub3A_35 : vector<256x1000xf32>
    %reduce_sum3A = arith.constant dense<0.000000e+00> : vector<256xf32>
    %reduce_sum3A_36 = vector.multi_reduction <add>, %exp3A, %reduce_sum3A [1] : vector<256x1000xf32> to vector<256xf32>
    %broadcast_in_dim3A_37 = vector.shape_cast %reduce_sum3A_36 : vector<256xf32> to vector<256x1xf32>
    %div3A = vector.broadcast %broadcast_in_dim3A_37 : vector<256x1xf32> to vector<256x1000xf32>
    %div3A_38 = arith.divf %exp3A, %div3A : vector<256x1000xf32>
    %sub3A_39 = vector.broadcast %broadcast_in_dim3A : vector<256x1xf32> to vector<256x1000xf32>
    %sub3A_40 = arith.subf %sub3A, %sub3A_39 : vector<256x1000xf32>
    %log3A = math.log %broadcast_in_dim3A_37 : vector<256x1xf32>
    %sub3A_41 = vector.broadcast %log3A : vector<256x1xf32> to vector<256x1000xf32>
    %sub3A_42 = arith.subf %sub3A_40, %sub3A_41 : vector<256x1000xf32>
    %reduce_max3A_43 = arith.constant dense<0xFF800000> : vector<256xf32>
    %reduce_max3A_44 = vector.multi_reduction <maximumf>, %sub3A_32, %reduce_max3A_43 [1] : vector<256x1000xf32> to vector<256xf32>
    %broadcast_in_dim3A_45 = vector.shape_cast %reduce_max3A_44 : vector<256xf32> to vector<256x1xf32>
    %sub3A_46 = vector.broadcast %broadcast_in_dim3A_45 : vector<256x1xf32> to vector<256x1000xf32>
    %sub3A_47 = arith.subf %sub3A_32, %sub3A_46 : vector<256x1000xf32>
    %exp3A_48 = math.exp %sub3A_47 : vector<256x1000xf32>
    %reduce_sum3A_49 = arith.constant dense<0.000000e+00> : vector<256xf32>
    %reduce_sum3A_50 = vector.multi_reduction <add>, %exp3A_48, %reduce_sum3A_49 [1] : vector<256x1000xf32> to vector<256xf32>
    %broadcast_in_dim3A_51 = vector.shape_cast %reduce_sum3A_50 : vector<256xf32> to vector<256x1xf32>
    %div3A_52 = vector.broadcast %broadcast_in_dim3A_51 : vector<256x1xf32> to vector<256x1000xf32>
    %div3A_53 = arith.divf %exp3A_48, %div3A_52 : vector<256x1000xf32>
    %sub3A_54 = vector.broadcast %broadcast_in_dim3A_45 : vector<256x1xf32> to vector<256x1000xf32>
    %sub3A_55 = arith.subf %sub3A_32, %sub3A_54 : vector<256x1000xf32>
    %log3A_56 = math.log %broadcast_in_dim3A_51 : vector<256x1xf32>
    %sub3A_57 = vector.broadcast %log3A_56 : vector<256x1xf32> to vector<256x1000xf32>
    %sub3A_58 = arith.subf %sub3A_55, %sub3A_57 : vector<256x1000xf32>
    %add3A = arith.addf %div3A_38, %div3A_53 : vector<256x1000xf32>
    %mul3A = arith.constant 5.000000e-01 : f32
    %mul3A_59 = vector.broadcast %mul3A : f32 to vector<256x1000xf32>
    %mul3A_60 = arith.mulf %add3A, %mul3A_59 : vector<256x1000xf32>
    %log3A_61 = math.log %mul3A_60 : vector<256x1000xf32>
    %sub3A_62 = arith.subf %sub3A_42, %log3A_61 : vector<256x1000xf32>
    %mul3A_63 = arith.mulf %div3A_38, %sub3A_62 : vector<256x1000xf32>
    %sub3A_64 = arith.subf %sub3A_58, %log3A_61 : vector<256x1000xf32>
    %mul3A_65 = arith.mulf %div3A_53, %sub3A_64 : vector<256x1000xf32>
    %add3A_66 = arith.addf %mul3A_63, %mul3A_65 : vector<256x1000xf32>
    %reduce_sum3A_67 = vector.shape_cast %add3A_66 : vector<256x1000xf32> to vector<1x256x1000xf32>
    %reduce_sum3A_68 = arith.constant dense<0.000000e+00> : vector<1xf32>
    %reduce_sum3A_69 = vector.multi_reduction <add>, %reduce_sum3A_67, %reduce_sum3A_68 [1, 2] : vector<1x256x1000xf32> to vector<1xf32>
    %reduce_sum3A_70 = vector.shape_cast %reduce_sum3A_69 : vector<1xf32> to vector<1x1x1xf32>
    %reduce_sum3A_71 = vector.extract %reduce_sum3A_70[0, 0, 0] : f32 from vector<1x1x1xf32>
    %add3A_72 = arith.constant 0.000000e+00 : f32
    %add3A_73 = arith.addf %add3A_72, %reduce_sum3A_71 : f32
    %get3A_74 = arith.constant 1 : index
    %get3A_75 = arith.constant 0 : index
    %get3A_76 = arith.constant 0 : index
    %get3A_77 = vector.load %arg3[%get3A_74, %get3A_75, %get3A_76] : memref<4x256x512xi32, #tpu.memory_space<vmem>>, vector<1x256x512xi32>
    %get3A_78 = vector.shape_cast %get3A_77 : vector<1x256x512xi32> to vector<256x512xi32>
    %and3A_79 = arith.constant -65536 : i32
    %and3A_80 = vector.broadcast %and3A_79 : i32 to vector<256x512xi32>
    %and3A_81 = arith.andi %get3A_78, %and3A_80 : vector<256x512xi32>
    %bitcast_convert_type3A_82 = tpu.bitcast %and3A_81 : vector<256x512xi32> -> vector<256x512xf32>
    %shift_left3A_83 = arith.constant 16 : i32
    %shift_left3A_84 = vector.broadcast %shift_left3A_83 : i32 to vector<256x512xi32>
    %shift_left3A_85 = arith.shli %get3A_78, %shift_left3A_84 : vector<256x512xi32>
    %bitcast_convert_type3A_86 = tpu.bitcast %shift_left3A_85 : vector<256x512xi32> -> vector<256x512xf32>
    %concatenate3A_87 = tpu.concatenate %bitcast_convert_type3A_82, %bitcast_convert_type3A_86 in 1 : vector<256x512xf32>, vector<256x512xf32> -> vector<256x1024xf32>
    %slice3A_88 = vector.extract_strided_slice %concatenate3A_87 {offsets = [0, 0], sizes = [256, 1000], strides = [1, 1]} : vector<256x1024xf32> to vector<256x1000xf32>
    %sub3A_89 = arith.subf %get3A_3, %slice3A_88 : vector<256x1000xf32>
    %get3A_90 = arith.constant 1 : index
    %get3A_91 = arith.constant 0 : index
    %get3A_92 = arith.constant 0 : index
    %get3A_93 = vector.load %arg4[%get3A_90, %get3A_91, %get3A_92] : memref<4x256x512xi32, #tpu.memory_space<vmem>>, vector<1x256x512xi32>
    %get3A_94 = vector.shape_cast %get3A_93 : vector<1x256x512xi32> to vector<256x512xi32>
    %and3A_95 = arith.constant -65536 : i32
    %and3A_96 = vector.broadcast %and3A_95 : i32 to vector<256x512xi32>
    %and3A_97 = arith.andi %get3A_94, %and3A_96 : vector<256x512xi32>
    %bitcast_convert_type3A_98 = tpu.bitcast %and3A_97 : vector<256x512xi32> -> vector<256x512xf32>
    %shift_left3A_99 = arith.constant 16 : i32
    %shift_left3A_100 = vector.broadcast %shift_left3A_99 : i32 to vector<256x512xi32>
    %shift_left3A_101 = arith.shli %get3A_94, %shift_left3A_100 : vector<256x512xi32>
    %bitcast_convert_type3A_102 = tpu.bitcast %shift_left3A_101 : vector<256x512xi32> -> vector<256x512xf32>
    %concatenate3A_103 = tpu.concatenate %bitcast_convert_type3A_98, %bitcast_convert_type3A_102 in 1 : vector<256x512xf32>, vector<256x512xf32> -> vector<256x1024xf32>
    %slice3A_104 = vector.extract_strided_slice %concatenate3A_103 {offsets = [0, 0], sizes = [256, 1000], strides = [1, 1]} : vector<256x1024xf32> to vector<256x1000xf32>
    %sub3A_105 = arith.subf %get3A_6, %slice3A_104 : vector<256x1000xf32>
    %reduce_max3A_106 = arith.constant dense<0xFF800000> : vector<256xf32>
    %reduce_max3A_107 = vector.multi_reduction <maximumf>, %sub3A_89, %reduce_max3A_106 [1] : vector<256x1000xf32> to vector<256xf32>
    %broadcast_in_dim3A_108 = vector.shape_cast %reduce_max3A_107 : vector<256xf32> to vector<256x1xf32>
    %sub3A_109 = vector.broadcast %broadcast_in_dim3A_108 : vector<256x1xf32> to vector<256x1000xf32>
    %sub3A_110 = arith.subf %sub3A_89, %sub3A_109 : vector<256x1000xf32>
    %exp3A_111 = math.exp %sub3A_110 : vector<256x1000xf32>
    %reduce_sum3A_112 = arith.constant dense<0.000000e+00> : vector<256xf32>
    %reduce_sum3A_113 = vector.multi_reduction <add>, %exp3A_111, %reduce_sum3A_112 [1] : vector<256x1000xf32> to vector<256xf32>
    %broadcast_in_dim3A_114 = vector.shape_cast %reduce_sum3A_113 : vector<256xf32> to vector<256x1xf32>
    %div3A_115 = vector.broadcast %broadcast_in_dim3A_114 : vector<256x1xf32> to vector<256x1000xf32>
    %div3A_116 = arith.divf %exp3A_111, %div3A_115 : vector<256x1000xf32>
    %sub3A_117 = vector.broadcast %broadcast_in_dim3A_108 : vector<256x1xf32> to vector<256x1000xf32>
    %sub3A_118 = arith.subf %sub3A_89, %sub3A_117 : vector<256x1000xf32>
    %log3A_119 = math.log %broadcast_in_dim3A_114 : vector<256x1xf32>
    %sub3A_120 = vector.broadcast %log3A_119 : vector<256x1xf32> to vector<256x1000xf32>
    %sub3A_121 = arith.subf %sub3A_118, %sub3A_120 : vector<256x1000xf32>
    %reduce_max3A_122 = arith.constant dense<0xFF800000> : vector<256xf32>
    %reduce_max3A_123 = vector.multi_reduction <maximumf>, %sub3A_105, %reduce_max3A_122 [1] : vector<256x1000xf32> to vector<256xf32>
    %broadcast_in_dim3A_124 = vector.shape_cast %reduce_max3A_123 : vector<256xf32> to vector<256x1xf32>
    %sub3A_125 = vector.broadcast %broadcast_in_dim3A_124 : vector<256x1xf32> to vector<256x1000xf32>
    %sub3A_126 = arith.subf %sub3A_105, %sub3A_125 : vector<256x1000xf32>
    %exp3A_127 = math.exp %sub3A_126 : vector<256x1000xf32>
    %reduce_sum3A_128 = arith.constant dense<0.000000e+00> : vector<256xf32>
    %reduce_sum3A_129 = vector.multi_reduction <add>, %exp3A_127, %reduce_sum3A_128 [1] : vector<256x1000xf32> to vector<256xf32>
    %broadcast_in_dim3A_130 = vector.shape_cast %reduce_sum3A_129 : vector<256xf32> to vector<256x1xf32>
    %div3A_131 = vector.broadcast %broadcast_in_dim3A_130 : vector<256x1xf32> to vector<256x1000xf32>
    %div3A_132 = arith.divf %exp3A_127, %div3A_131 : vector<256x1000xf32>
    %sub3A_133 = vector.broadcast %broadcast_in_dim3A_124 : vector<256x1xf32> to vector<256x1000xf32>
    %sub3A_134 = arith.subf %sub3A_105, %sub3A_133 : vector<256x1000xf32>
    %log3A_135 = math.log %broadcast_in_dim3A_130 : vector<256x1xf32>
    %sub3A_136 = vector.broadcast %log3A_135 : vector<256x1xf32> to vector<256x1000xf32>
    %sub3A_137 = arith.subf %sub3A_134, %sub3A_136 : vector<256x1000xf32>
    %add3A_138 = arith.addf %div3A_116, %div3A_132 : vector<256x1000xf32>
    %mul3A_139 = arith.constant 5.000000e-01 : f32
    %mul3A_140 = vector.broadcast %mul3A_139 : f32 to vector<256x1000xf32>
    %mul3A_141 = arith.mulf %add3A_138, %mul3A_140 : vector<256x1000xf32>
    %log3A_142 = math.log %mul3A_141 : vector<256x1000xf32>
    %sub3A_143 = arith.subf %sub3A_121, %log3A_142 : vector<256x1000xf32>
    %mul3A_144 = arith.mulf %div3A_116, %sub3A_143 : vector<256x1000xf32>
    %sub3A_145 = arith.subf %sub3A_137, %log3A_142 : vector<256x1000xf32>
    %mul3A_146 = arith.mulf %div3A_132, %sub3A_145 : vector<256x1000xf32>
    %add3A_147 = arith.addf %mul3A_144, %mul3A_146 : vector<256x1000xf32>
    %reduce_sum3A_148 = vector.shape_cast %add3A_147 : vector<256x1000xf32> to vector<1x256x1000xf32>
    %reduce_sum3A_149 = arith.constant dense<0.000000e+00> : vector<1xf32>
    %reduce_sum3A_150 = vector.multi_reduction <add>, %reduce_sum3A_148, %reduce_sum3A_149 [1, 2] : vector<1x256x1000xf32> to vector<1xf32>
    %reduce_sum3A_151 = vector.shape_cast %reduce_sum3A_150 : vector<1xf32> to vector<1x1x1xf32>
    %reduce_sum3A_152 = vector.extract %reduce_sum3A_151[0, 0, 0] : f32 from vector<1x1x1xf32>
    %add3A_153 = arith.addf %add3A_73, %reduce_sum3A_152 : f32
    %get3A_154 = arith.constant 2 : index
    %get3A_155 = arith.constant 0 : index
    %get3A_156 = arith.constant 0 : index
    %get3A_157 = vector.load %arg3[%get3A_154, %get3A_155, %get3A_156] : memref<4x256x512xi32, #tpu.memory_space<vmem>>, vector<1x256x512xi32>
    %get3A_158 = vector.shape_cast %get3A_157 : vector<1x256x512xi32> to vector<256x512xi32>
    %and3A_159 = arith.constant -65536 : i32
    %and3A_160 = vector.broadcast %and3A_159 : i32 to vector<256x512xi32>
    %and3A_161 = arith.andi %get3A_158, %and3A_160 : vector<256x512xi32>
    %bitcast_convert_type3A_162 = tpu.bitcast %and3A_161 : vector<256x512xi32> -> vector<256x512xf32>
    %shift_left3A_163 = arith.constant 16 : i32
    %shift_left3A_164 = vector.broadcast %shift_left3A_163 : i32 to vector<256x512xi32>
    %shift_left3A_165 = arith.shli %get3A_158, %shift_left3A_164 : vector<256x512xi32>
    %bitcast_convert_type3A_166 = tpu.bitcast %shift_left3A_165 : vector<256x512xi32> -> vector<256x512xf32>
    %concatenate3A_167 = tpu.concatenate %bitcast_convert_type3A_162, %bitcast_convert_type3A_166 in 1 : vector<256x512xf32>, vector<256x512xf32> -> vector<256x1024xf32>
    %slice3A_168 = vector.extract_strided_slice %concatenate3A_167 {offsets = [0, 0], sizes = [256, 1000], strides = [1, 1]} : vector<256x1024xf32> to vector<256x1000xf32>
    %sub3A_169 = arith.subf %get3A_3, %slice3A_168 : vector<256x1000xf32>
    %get3A_170 = arith.constant 2 : index
    %get3A_171 = arith.constant 0 : index
    %get3A_172 = arith.constant 0 : index
    %get3A_173 = vector.load %arg4[%get3A_170, %get3A_171, %get3A_172] : memref<4x256x512xi32, #tpu.memory_space<vmem>>, vector<1x256x512xi32>
    %get3A_174 = vector.shape_cast %get3A_173 : vector<1x256x512xi32> to vector<256x512xi32>
    %and3A_175 = arith.constant -65536 : i32
    %and3A_176 = vector.broadcast %and3A_175 : i32 to vector<256x512xi32>
    %and3A_177 = arith.andi %get3A_174, %and3A_176 : vector<256x512xi32>
    %bitcast_convert_type3A_178 = tpu.bitcast %and3A_177 : vector<256x512xi32> -> vector<256x512xf32>
    %shift_left3A_179 = arith.constant 16 : i32
    %shift_left3A_180 = vector.broadcast %shift_left3A_179 : i32 to vector<256x512xi32>
    %shift_left3A_181 = arith.shli %get3A_174, %shift_left3A_180 : vector<256x512xi32>
    %bitcast_convert_type3A_182 = tpu.bitcast %shift_left3A_181 : vector<256x512xi32> -> vector<256x512xf32>
    %concatenate3A_183 = tpu.concatenate %bitcast_convert_type3A_178, %bitcast_convert_type3A_182 in 1 : vector<256x512xf32>, vector<256x512xf32> -> vector<256x1024xf32>
    %slice3A_184 = vector.extract_strided_slice %concatenate3A_183 {offsets = [0, 0], sizes = [256, 1000], strides = [1, 1]} : vector<256x1024xf32> to vector<256x1000xf32>
    %sub3A_185 = arith.subf %get3A_6, %slice3A_184 : vector<256x1000xf32>
    %reduce_max3A_186 = arith.constant dense<0xFF800000> : vector<256xf32>
    %reduce_max3A_187 = vector.multi_reduction <maximumf>, %sub3A_169, %reduce_max3A_186 [1] : vector<256x1000xf32> to vector<256xf32>
    %broadcast_in_dim3A_188 = vector.shape_cast %reduce_max3A_187 : vector<256xf32> to vector<256x1xf32>
    %sub3A_189 = vector.broadcast %broadcast_in_dim3A_188 : vector<256x1xf32> to vector<256x1000xf32>
    %sub3A_190 = arith.subf %sub3A_169, %sub3A_189 : vector<256x1000xf32>
    %exp3A_191 = math.exp %sub3A_190 : vector<256x1000xf32>
    %reduce_sum3A_192 = arith.constant dense<0.000000e+00> : vector<256xf32>
    %reduce_sum3A_193 = vector.multi_reduction <add>, %exp3A_191, %reduce_sum3A_192 [1] : vector<256x1000xf32> to vector<256xf32>
    %broadcast_in_dim3A_194 = vector.shape_cast %reduce_sum3A_193 : vector<256xf32> to vector<256x1xf32>
    %div3A_195 = vector.broadcast %broadcast_in_dim3A_194 : vector<256x1xf32> to vector<256x1000xf32>
    %div3A_196 = arith.divf %exp3A_191, %div3A_195 : vector<256x1000xf32>
    %sub3A_197 = vector.broadcast %broadcast_in_dim3A_188 : vector<256x1xf32> to vector<256x1000xf32>
    %sub3A_198 = arith.subf %sub3A_169, %sub3A_197 : vector<256x1000xf32>
    %log3A_199 = math.log %broadcast_in_dim3A_194 : vector<256x1xf32>
    %sub3A_200 = vector.broadcast %log3A_199 : vector<256x1xf32> to vector<256x1000xf32>
    %sub3A_201 = arith.subf %sub3A_198, %sub3A_200 : vector<256x1000xf32>
    %reduce_max3A_202 = arith.constant dense<0xFF800000> : vector<256xf32>
    %reduce_max3A_203 = vector.multi_reduction <maximumf>, %sub3A_185, %reduce_max3A_202 [1] : vector<256x1000xf32> to vector<256xf32>
    %broadcast_in_dim3A_204 = vector.shape_cast %reduce_max3A_203 : vector<256xf32> to vector<256x1xf32>
    %sub3A_205 = vector.broadcast %broadcast_in_dim3A_204 : vector<256x1xf32> to vector<256x1000xf32>
    %sub3A_206 = arith.subf %sub3A_185, %sub3A_205 : vector<256x1000xf32>
    %exp3A_207 = math.exp %sub3A_206 : vector<256x1000xf32>
    %reduce_sum3A_208 = arith.constant dense<0.000000e+00> : vector<256xf32>
    %reduce_sum3A_209 = vector.multi_reduction <add>, %exp3A_207, %reduce_sum3A_208 [1] : vector<256x1000xf32> to vector<256xf32>
    %broadcast_in_dim3A_210 = vector.shape_cast %reduce_sum3A_209 : vector<256xf32> to vector<256x1xf32>
    %div3A_211 = vector.broadcast %broadcast_in_dim3A_210 : vector<256x1xf32> to vector<256x1000xf32>
    %div3A_212 = arith.divf %exp3A_207, %div3A_211 : vector<256x1000xf32>
    %sub3A_213 = vector.broadcast %broadcast_in_dim3A_204 : vector<256x1xf32> to vector<256x1000xf32>
    %sub3A_214 = arith.subf %sub3A_185, %sub3A_213 : vector<256x1000xf32>
    %log3A_215 = math.log %broadcast_in_dim3A_210 : vector<256x1xf32>
    %sub3A_216 = vector.broadcast %log3A_215 : vector<256x1xf32> to vector<256x1000xf32>
    %sub3A_217 = arith.subf %sub3A_214, %sub3A_216 : vector<256x1000xf32>
    %add3A_218 = arith.addf %div3A_196, %div3A_212 : vector<256x1000xf32>
    %mul3A_219 = arith.constant 5.000000e-01 : f32
    %mul3A_220 = vector.broadcast %mul3A_219 : f32 to vector<256x1000xf32>
    %mul3A_221 = arith.mulf %add3A_218, %mul3A_220 : vector<256x1000xf32>
    %log3A_222 = math.log %mul3A_221 : vector<256x1000xf32>
    %sub3A_223 = arith.subf %sub3A_201, %log3A_222 : vector<256x1000xf32>
    %mul3A_224 = arith.mulf %div3A_196, %sub3A_223 : vector<256x1000xf32>
    %sub3A_225 = arith.subf %sub3A_217, %log3A_222 : vector<256x1000xf32>
    %mul3A_226 = arith.mulf %div3A_212, %sub3A_225 : vector<256x1000xf32>
    %add3A_227 = arith.addf %mul3A_224, %mul3A_226 : vector<256x1000xf32>
    %reduce_sum3A_228 = vector.shape_cast %add3A_227 : vector<256x1000xf32> to vector<1x256x1000xf32>
    %reduce_sum3A_229 = arith.constant dense<0.000000e+00> : vector<1xf32>
    %reduce_sum3A_230 = vector.multi_reduction <add>, %reduce_sum3A_228, %reduce_sum3A_229 [1, 2] : vector<1x256x1000xf32> to vector<1xf32>
    %reduce_sum3A_231 = vector.shape_cast %reduce_sum3A_230 : vector<1xf32> to vector<1x1x1xf32>
    %reduce_sum3A_232 = vector.extract %reduce_sum3A_231[0, 0, 0] : f32 from vector<1x1x1xf32>
    %add3A_233 = arith.addf %add3A_153, %reduce_sum3A_232 : f32
    %get3A_234 = arith.constant 3 : index
    %get3A_235 = arith.constant 0 : index
    %get3A_236 = arith.constant 0 : index
    %get3A_237 = vector.load %arg3[%get3A_234, %get3A_235, %get3A_236] : memref<4x256x512xi32, #tpu.memory_space<vmem>>, vector<1x256x512xi32>
    %get3A_238 = vector.shape_cast %get3A_237 : vector<1x256x512xi32> to vector<256x512xi32>
    %and3A_239 = arith.constant -65536 : i32
    %and3A_240 = vector.broadcast %and3A_239 : i32 to vector<256x512xi32>
    %and3A_241 = arith.andi %get3A_238, %and3A_240 : vector<256x512xi32>
    %bitcast_convert_type3A_242 = tpu.bitcast %and3A_241 : vector<256x512xi32> -> vector<256x512xf32>
    %shift_left3A_243 = arith.constant 16 : i32
    %shift_left3A_244 = vector.broadcast %shift_left3A_243 : i32 to vector<256x512xi32>
    %shift_left3A_245 = arith.shli %get3A_238, %shift_left3A_244 : vector<256x512xi32>
    %bitcast_convert_type3A_246 = tpu.bitcast %shift_left3A_245 : vector<256x512xi32> -> vector<256x512xf32>
    %concatenate3A_247 = tpu.concatenate %bitcast_convert_type3A_242, %bitcast_convert_type3A_246 in 1 : vector<256x512xf32>, vector<256x512xf32> -> vector<256x1024xf32>
    %slice3A_248 = vector.extract_strided_slice %concatenate3A_247 {offsets = [0, 0], sizes = [256, 1000], strides = [1, 1]} : vector<256x1024xf32> to vector<256x1000xf32>
    %sub3A_249 = arith.subf %get3A_3, %slice3A_248 : vector<256x1000xf32>
    %get3A_250 = arith.constant 3 : index
    %get3A_251 = arith.constant 0 : index
    %get3A_252 = arith.constant 0 : index
    %get3A_253 = vector.load %arg4[%get3A_250, %get3A_251, %get3A_252] : memref<4x256x512xi32, #tpu.memory_space<vmem>>, vector<1x256x512xi32>
    %get3A_254 = vector.shape_cast %get3A_253 : vector<1x256x512xi32> to vector<256x512xi32>
    %and3A_255 = arith.constant -65536 : i32
    %and3A_256 = vector.broadcast %and3A_255 : i32 to vector<256x512xi32>
    %and3A_257 = arith.andi %get3A_254, %and3A_256 : vector<256x512xi32>
    %bitcast_convert_type3A_258 = tpu.bitcast %and3A_257 : vector<256x512xi32> -> vector<256x512xf32>
    %shift_left3A_259 = arith.constant 16 : i32
    %shift_left3A_260 = vector.broadcast %shift_left3A_259 : i32 to vector<256x512xi32>
    %shift_left3A_261 = arith.shli %get3A_254, %shift_left3A_260 : vector<256x512xi32>
    %bitcast_convert_type3A_262 = tpu.bitcast %shift_left3A_261 : vector<256x512xi32> -> vector<256x512xf32>
    %concatenate3A_263 = tpu.concatenate %bitcast_convert_type3A_258, %bitcast_convert_type3A_262 in 1 : vector<256x512xf32>, vector<256x512xf32> -> vector<256x1024xf32>
    %slice3A_264 = vector.extract_strided_slice %concatenate3A_263 {offsets = [0, 0], sizes = [256, 1000], strides = [1, 1]} : vector<256x1024xf32> to vector<256x1000xf32>
    %sub3A_265 = arith.subf %get3A_6, %slice3A_264 : vector<256x1000xf32>
    %reduce_max3A_266 = arith.constant dense<0xFF800000> : vector<256xf32>
    %reduce_max3A_267 = vector.multi_reduction <maximumf>, %sub3A_249, %reduce_max3A_266 [1] : vector<256x1000xf32> to vector<256xf32>
    %broadcast_in_dim3A_268 = vector.shape_cast %reduce_max3A_267 : vector<256xf32> to vector<256x1xf32>
    %sub3A_269 = vector.broadcast %broadcast_in_dim3A_268 : vector<256x1xf32> to vector<256x1000xf32>
    %sub3A_270 = arith.subf %sub3A_249, %sub3A_269 : vector<256x1000xf32>
    %exp3A_271 = math.exp %sub3A_270 : vector<256x1000xf32>
    %reduce_sum3A_272 = arith.constant dense<0.000000e+00> : vector<256xf32>
    %reduce_sum3A_273 = vector.multi_reduction <add>, %exp3A_271, %reduce_sum3A_272 [1] : vector<256x1000xf32> to vector<256xf32>
    %broadcast_in_dim3A_274 = vector.shape_cast %reduce_sum3A_273 : vector<256xf32> to vector<256x1xf32>
    %div3A_275 = vector.broadcast %broadcast_in_dim3A_274 : vector<256x1xf32> to vector<256x1000xf32>
    %div3A_276 = arith.divf %exp3A_271, %div3A_275 : vector<256x1000xf32>
    %sub3A_277 = vector.broadcast %broadcast_in_dim3A_268 : vector<256x1xf32> to vector<256x1000xf32>
    %sub3A_278 = arith.subf %sub3A_249, %sub3A_277 : vector<256x1000xf32>
    %log3A_279 = math.log %broadcast_in_dim3A_274 : vector<256x1xf32>
    %sub3A_280 = vector.broadcast %log3A_279 : vector<256x1xf32> to vector<256x1000xf32>
    %sub3A_281 = arith.subf %sub3A_278, %sub3A_280 : vector<256x1000xf32>
    %reduce_max3A_282 = arith.constant dense<0xFF800000> : vector<256xf32>
    %reduce_max3A_283 = vector.multi_reduction <maximumf>, %sub3A_265, %reduce_max3A_282 [1] : vector<256x1000xf32> to vector<256xf32>
    %broadcast_in_dim3A_284 = vector.shape_cast %reduce_max3A_283 : vector<256xf32> to vector<256x1xf32>
    %sub3A_285 = vector.broadcast %broadcast_in_dim3A_284 : vector<256x1xf32> to vector<256x1000xf32>
    %sub3A_286 = arith.subf %sub3A_265, %sub3A_285 : vector<256x1000xf32>
    %exp3A_287 = math.exp %sub3A_286 : vector<256x1000xf32>
    %reduce_sum3A_288 = arith.constant dense<0.000000e+00> : vector<256xf32>
    %reduce_sum3A_289 = vector.multi_reduction <add>, %exp3A_287, %reduce_sum3A_288 [1] : vector<256x1000xf32> to vector<256xf32>
    %broadcast_in_dim3A_290 = vector.shape_cast %reduce_sum3A_289 : vector<256xf32> to vector<256x1xf32>
    %div3A_291 = vector.broadcast %broadcast_in_dim3A_290 : vector<256x1xf32> to vector<256x1000xf32>
    %div3A_292 = arith.divf %exp3A_287, %div3A_291 : vector<256x1000xf32>
    %sub3A_293 = vector.broadcast %broadcast_in_dim3A_284 : vector<256x1xf32> to vector<256x1000xf32>
    %sub3A_294 = arith.subf %sub3A_265, %sub3A_293 : vector<256x1000xf32>
    %log3A_295 = math.log %broadcast_in_dim3A_290 : vector<256x1xf32>
    %sub3A_296 = vector.broadcast %log3A_295 : vector<256x1xf32> to vector<256x1000xf32>
    %sub3A_297 = arith.subf %sub3A_294, %sub3A_296 : vector<256x1000xf32>
    %add3A_298 = arith.addf %div3A_276, %div3A_292 : vector<256x1000xf32>
    %mul3A_299 = arith.constant 5.000000e-01 : f32
    %mul3A_300 = vector.broadcast %mul3A_299 : f32 to vector<256x1000xf32>
    %mul3A_301 = arith.mulf %add3A_298, %mul3A_300 : vector<256x1000xf32>
    %log3A_302 = math.log %mul3A_301 : vector<256x1000xf32>
    %sub3A_303 = arith.subf %sub3A_281, %log3A_302 : vector<256x1000xf32>
    %mul3A_304 = arith.mulf %div3A_276, %sub3A_303 : vector<256x1000xf32>
    %sub3A_305 = arith.subf %sub3A_297, %log3A_302 : vector<256x1000xf32>
    %mul3A_306 = arith.mulf %div3A_292, %sub3A_305 : vector<256x1000xf32>
    %add3A_307 = arith.addf %mul3A_304, %mul3A_306 : vector<256x1000xf32>
    %reduce_sum3A_308 = vector.shape_cast %add3A_307 : vector<256x1000xf32> to vector<1x256x1000xf32>
    %reduce_sum3A_309 = arith.constant dense<0.000000e+00> : vector<1xf32>
    %reduce_sum3A_310 = vector.multi_reduction <add>, %reduce_sum3A_308, %reduce_sum3A_309 [1, 2] : vector<1x256x1000xf32> to vector<1xf32>
    %reduce_sum3A_311 = vector.shape_cast %reduce_sum3A_310 : vector<1xf32> to vector<1x1x1xf32>
    %reduce_sum3A_312 = vector.extract %reduce_sum3A_311[0, 0, 0] : f32 from vector<1x1x1xf32>
    %add3A_313 = arith.addf %add3A_233, %reduce_sum3A_312 : f32
    %get3A_314 = arith.constant 0 : index
    %get3A_315 = arith.constant 0 : index
    %get3A_316 = memref.load %arg6[%get3A_314, %get3A_315] : memref<1x1xf32, #tpu.memory_space<smem>>
    %add3A_317 = arith.addf %get3A_316, %add3A_313 : f32
    %swap3A = arith.constant 0 : index
    %swap3A_318 = arith.constant 0 : index
    %swap3A_319 = memref.load %arg6[%swap3A, %swap3A_318] : memref<1x1xf32, #tpu.memory_space<smem>>
    memref.store %add3A_317, %arg6[%swap3A, %swap3A_318] : memref<1x1xf32, #tpu.memory_space<smem>>
    %eq3A_320 = arith.constant 7 : i32
    %eq3A_321 = arith.cmpi eq, %arg0, %eq3A_320 : i32
    %convert_element_type3A_322 = arith.extui %eq3A_321 : i1 to i32
    %cond3A_323 = arith.constant 0 : i32
    %cond3A_324 = arith.cmpi ne, %convert_element_type3A_322, %cond3A_323 : i32
    scf.if %cond3A_324 {
      %get3A_325 = arith.constant 0 : index
      %get3A_326 = arith.constant 0 : index
      %get3A_327 = memref.load %arg6[%get3A_325, %get3A_326] : memref<1x1xf32, #tpu.memory_space<smem>>
      %mul3A_328 = arith.constant 3.05175781E-5 : f32
      %mul3A_329 = arith.mulf %get3A_327, %mul3A_328 : f32
      %swap3A_330 = arith.constant 0 : index
      %swap3A_331 = arith.constant 0 : index
      %swap3A_332 = memref.load %arg5[%swap3A_330, %swap3A_331] : memref<1x1xf32, #tpu.memory_space<smem>>
      memref.store %mul3A_329, %arg5[%swap3A_330, %swap3A_331] : memref<1x1xf32, #tpu.memory_space<smem>>
    } else {
    }
    return
  }
  func.func @transform_0(%arg0: i32) -> (i32, i32) {
    %add3A = arith.constant 8 : i32
    %add3A_0 = arith.addi %arg0, %add3A : i32
    %c0_i32 = arith.constant 0 : i32
    %c0_i32_1 = arith.constant 0 : i32
    return %add3A_0, %c0_i32 : i32, i32
  }
  func.func @transform_1(%arg0: i32) -> (i32, i32) {
    %add3A = arith.constant 8 : i32
    %add3A_0 = arith.addi %arg0, %add3A : i32
    %c0_i32 = arith.constant 0 : i32
    %c0_i32_1 = arith.constant 0 : i32
    return %add3A_0, %c0_i32 : i32, i32
  }
  func.func @transform_2(%arg0: i32) -> (i32, i32, i32) {
    %c0_i32 = arith.constant 0 : i32
    %c0_i32_0 = arith.constant 0 : i32
    %c0_i32_1 = arith.constant 0 : i32
    return %c0_i32, %arg0, %c0_i32_0 : i32, i32, i32
  }
  func.func @transform_3(%arg0: i32) -> (i32, i32, i32) {
    %c0_i32 = arith.constant 0 : i32
    %c0_i32_0 = arith.constant 0 : i32
    %c0_i32_1 = arith.constant 0 : i32
    return %c0_i32, %arg0, %c0_i32_0 : i32, i32, i32
  }
  func.func @transform_4(%arg0: i32) -> (i32, i32) {
    %c0_i32 = arith.constant 0 : i32
    %c0_i32_0 = arith.constant 0 : i32
    %c0_i32_1 = arith.constant 0 : i32
    return %c0_i32, %c0_i32_0 : i32, i32
  }
}

module attributes {stable_mosaic.version = 14 : i64} {
  func.func @_js_body(%arg0: i32, %arg1: memref<256x1000xf32, #tpu.memory_space<vmem>>, %arg2: memref<256x1000xf32, #tpu.memory_space<vmem>>, %arg3: memref<4x256x512xi32, #tpu.memory_space<vmem>>, %arg4: memref<4x256x512xi32, #tpu.memory_space<vmem>>, %arg5: memref<1x1xf32, #tpu.memory_space<smem>>, %arg6: memref<1x1xf32, #tpu.memory_space<smem>>) attributes {dimension_semantics = [#tpu.dimension_semantics<arbitrary>], iteration_bounds = array<i64: 8>, scalar_prefetch = 0 : i64, scratch_operands = 1 : i64, tpu.core_type = #tpu.core_type<tc>, window_params = [{transform_indices = @transform_0, window_bounds = array<i64: 256, 1000>}, {transform_indices = @transform_1, window_bounds = array<i64: 256, 1000>}, {transform_indices = @transform_2, window_bounds = array<i64: 4, 256, 512>}, {transform_indices = @transform_3, window_bounds = array<i64: 4, 256, 512>}, {transform_indices = @transform_4, window_bounds = array<i64: 1, 1>}]} {
    %eq3A = arith.constant 0 : i32
    %eq3A_0 = arith.cmpi eq, %arg0, %eq3A : i32
    %convert_element_type3A = arith.extui %eq3A_0 : i1 to i32
    %cond3A = arith.constant 0 : i32
    %cond3A_1 = arith.cmpi ne, %convert_element_type3A, %cond3A : i32
    scf.if %cond3A_1 {
      %swap3A_325 = arith.constant 0.000000e+00 : f32
      %swap3A_326 = arith.constant 0 : index
      %swap3A_327 = arith.constant 0 : index
      %swap3A_328 = memref.load %arg6[%swap3A_326, %swap3A_327] : memref<1x1xf32, #tpu.memory_space<smem>>
      memref.store %swap3A_325, %arg6[%swap3A_326, %swap3A_327] : memref<1x1xf32, #tpu.memory_space<smem>>
    } else {
    }
    %get3A = arith.constant 0 : index
    %get3A_2 = arith.constant 0 : index
    %get3A_3 = vector.load %arg1[%get3A, %get3A_2] : memref<256x1000xf32, #tpu.memory_space<vmem>>, vector<256x1000xf32>
    %get3A_4 = arith.constant 0 : index
    %get3A_5 = arith.constant 0 : index
    %get3A_6 = vector.load %arg2[%get3A_4, %get3A_5] : memref<256x1000xf32, #tpu.memory_space<vmem>>, vector<256x1000xf32>
    %get3A_7 = arith.constant 0 : index
    %get3A_8 = arith.constant 0 : index
    %get3A_9 = arith.constant 0 : index
    %get3A_10 = vector.load %arg3[%get3A_7, %get3A_8, %get3A_9] : memref<4x256x512xi32, #tpu.memory_space<vmem>>, vector<1x256x512xi32>
    %get3A_11 = vector.shape_cast %get3A_10 : vector<1x256x512xi32> to vector<256x512xi32>
    %and3A = arith.constant -65536 : i32
    %and3A_12 = vector.broadcast %and3A : i32 to vector<256x512xi32>
    %and3A_13 = arith.andi %get3A_11, %and3A_12 : vector<256x512xi32>
    %bitcast_convert_type3A = tpu.bitcast %and3A_13 : vector<256x512xi32> -> vector<256x512xf32>
    %shift_left3A = arith.constant 16 : i32
    %shift_left3A_14 = vector.broadcast %shift_left3A : i32 to vector<256x512xi32>
    %shift_left3A_15 = arith.shli %get3A_11, %shift_left3A_14 : vector<256x512xi32>
    %bitcast_convert_type3A_16 = tpu.bitcast %shift_left3A_15 : vector<256x512xi32> -> vector<256x512xf32>
    %concatenate3A = tpu.concatenate %bitcast_convert_type3A, %bitcast_convert_type3A_16 in 1 : vector<256x512xf32>, vector<256x512xf32> -> vector<256x1024xf32>
    %slice3A = vector.extract_strided_slice %concatenate3A {offsets = [0, 0], sizes = [256, 1000], strides = [1, 1]} : vector<256x1024xf32> to vector<256x1000xf32>
    %sub3A = arith.subf %get3A_3, %slice3A : vector<256x1000xf32>
    %get3A_17 = arith.constant 0 : index
    %get3A_18 = arith.constant 0 : index
    %get3A_19 = arith.constant 0 : index
    %get3A_20 = vector.load %arg4[%get3A_17, %get3A_18, %get3A_19] : memref<4x256x512xi32, #tpu.memory_space<vmem>>, vector<1x256x512xi32>
    %get3A_21 = vector.shape_cast %get3A_20 : vector<1x256x512xi32> to vector<256x512xi32>
    %and3A_22 = arith.constant -65536 : i32
    %and3A_23 = vector.broadcast %and3A_22 : i32 to vector<256x512xi32>
    %and3A_24 = arith.andi %get3A_21, %and3A_23 : vector<256x512xi32>
    %bitcast_convert_type3A_25 = tpu.bitcast %and3A_24 : vector<256x512xi32> -> vector<256x512xf32>
    %shift_left3A_26 = arith.constant 16 : i32
    %shift_left3A_27 = vector.broadcast %shift_left3A_26 : i32 to vector<256x512xi32>
    %shift_left3A_28 = arith.shli %get3A_21, %shift_left3A_27 : vector<256x512xi32>
    %bitcast_convert_type3A_29 = tpu.bitcast %shift_left3A_28 : vector<256x512xi32> -> vector<256x512xf32>
    %concatenate3A_30 = tpu.concatenate %bitcast_convert_type3A_25, %bitcast_convert_type3A_29 in 1 : vector<256x512xf32>, vector<256x512xf32> -> vector<256x1024xf32>
    %slice3A_31 = vector.extract_strided_slice %concatenate3A_30 {offsets = [0, 0], sizes = [256, 1000], strides = [1, 1]} : vector<256x1024xf32> to vector<256x1000xf32>
    %sub3A_32 = arith.subf %get3A_6, %slice3A_31 : vector<256x1000xf32>
    %reduce_max3A = arith.constant dense<0xFF800000> : vector<256xf32>
    %reduce_max3A_33 = vector.multi_reduction <maximumf>, %sub3A, %reduce_max3A [1] : vector<256x1000xf32> to vector<256xf32>
    %broadcast_in_dim3A = vector.shape_cast %reduce_max3A_33 : vector<256xf32> to vector<256x1xf32>
    %sub3A_34 = vector.broadcast %broadcast_in_dim3A : vector<256x1xf32> to vector<256x1000xf32>
    %sub3A_35 = arith.subf %sub3A, %sub3A_34 : vector<256x1000xf32>
    %exp3A = math.exp %sub3A_35 : vector<256x1000xf32>
    %reduce_sum3A = arith.constant dense<0.000000e+00> : vector<256xf32>
    %reduce_sum3A_36 = vector.multi_reduction <add>, %exp3A, %reduce_sum3A [1] : vector<256x1000xf32> to vector<256xf32>
    %broadcast_in_dim3A_37 = vector.shape_cast %reduce_sum3A_36 : vector<256xf32> to vector<256x1xf32>
    %div3A = vector.broadcast %broadcast_in_dim3A_37 : vector<256x1xf32> to vector<256x1000xf32>
    %div3A_38 = arith.divf %exp3A, %div3A : vector<256x1000xf32>
    %sub3A_39 = vector.broadcast %broadcast_in_dim3A : vector<256x1xf32> to vector<256x1000xf32>
    %sub3A_40 = arith.subf %sub3A, %sub3A_39 : vector<256x1000xf32>
    %log3A = math.log %broadcast_in_dim3A_37 : vector<256x1xf32>
    %sub3A_41 = vector.broadcast %log3A : vector<256x1xf32> to vector<256x1000xf32>
    %sub3A_42 = arith.subf %sub3A_40, %sub3A_41 : vector<256x1000xf32>
    %reduce_max3A_43 = arith.constant dense<0xFF800000> : vector<256xf32>
    %reduce_max3A_44 = vector.multi_reduction <maximumf>, %sub3A_32, %reduce_max3A_43 [1] : vector<256x1000xf32> to vector<256xf32>
    %broadcast_in_dim3A_45 = vector.shape_cast %reduce_max3A_44 : vector<256xf32> to vector<256x1xf32>
    %sub3A_46 = vector.broadcast %broadcast_in_dim3A_45 : vector<256x1xf32> to vector<256x1000xf32>
    %sub3A_47 = arith.subf %sub3A_32, %sub3A_46 : vector<256x1000xf32>
    %exp3A_48 = math.exp %sub3A_47 : vector<256x1000xf32>
    %reduce_sum3A_49 = arith.constant dense<0.000000e+00> : vector<256xf32>
    %reduce_sum3A_50 = vector.multi_reduction <add>, %exp3A_48, %reduce_sum3A_49 [1] : vector<256x1000xf32> to vector<256xf32>
    %broadcast_in_dim3A_51 = vector.shape_cast %reduce_sum3A_50 : vector<256xf32> to vector<256x1xf32>
    %div3A_52 = vector.broadcast %broadcast_in_dim3A_51 : vector<256x1xf32> to vector<256x1000xf32>
    %div3A_53 = arith.divf %exp3A_48, %div3A_52 : vector<256x1000xf32>
    %sub3A_54 = vector.broadcast %broadcast_in_dim3A_45 : vector<256x1xf32> to vector<256x1000xf32>
    %sub3A_55 = arith.subf %sub3A_32, %sub3A_54 : vector<256x1000xf32>
    %log3A_56 = math.log %broadcast_in_dim3A_51 : vector<256x1xf32>
    %sub3A_57 = vector.broadcast %log3A_56 : vector<256x1xf32> to vector<256x1000xf32>
    %sub3A_58 = arith.subf %sub3A_55, %sub3A_57 : vector<256x1000xf32>
    %add3A = arith.addf %div3A_38, %div3A_53 : vector<256x1000xf32>
    %mul3A = arith.constant 5.000000e-01 : f32
    %mul3A_59 = vector.broadcast %mul3A : f32 to vector<256x1000xf32>
    %mul3A_60 = arith.mulf %add3A, %mul3A_59 : vector<256x1000xf32>
    %log3A_61 = math.log %mul3A_60 : vector<256x1000xf32>
    %sub3A_62 = arith.subf %sub3A_42, %log3A_61 : vector<256x1000xf32>
    %mul3A_63 = arith.mulf %div3A_38, %sub3A_62 : vector<256x1000xf32>
    %sub3A_64 = arith.subf %sub3A_58, %log3A_61 : vector<256x1000xf32>
    %mul3A_65 = arith.mulf %div3A_53, %sub3A_64 : vector<256x1000xf32>
    %add3A_66 = arith.addf %mul3A_63, %mul3A_65 : vector<256x1000xf32>
    %reduce_sum3A_67 = vector.shape_cast %add3A_66 : vector<256x1000xf32> to vector<1x256x1000xf32>
    %reduce_sum3A_68 = arith.constant dense<0.000000e+00> : vector<1xf32>
    %reduce_sum3A_69 = vector.multi_reduction <add>, %reduce_sum3A_67, %reduce_sum3A_68 [1, 2] : vector<1x256x1000xf32> to vector<1xf32>
    %reduce_sum3A_70 = vector.shape_cast %reduce_sum3A_69 : vector<1xf32> to vector<1x1x1xf32>
    %reduce_sum3A_71 = vector.extract %reduce_sum3A_70[0, 0, 0] : f32 from vector<1x1x1xf32>
    %add3A_72 = arith.constant 0.000000e+00 : f32
    %add3A_73 = arith.addf %add3A_72, %reduce_sum3A_71 : f32
    %get3A_74 = arith.constant 1 : index
    %get3A_75 = arith.constant 0 : index
    %get3A_76 = arith.constant 0 : index
    %get3A_77 = vector.load %arg3[%get3A_74, %get3A_75, %get3A_76] : memref<4x256x512xi32, #tpu.memory_space<vmem>>, vector<1x256x512xi32>
    %get3A_78 = vector.shape_cast %get3A_77 : vector<1x256x512xi32> to vector<256x512xi32>
    %and3A_79 = arith.constant -65536 : i32
    %and3A_80 = vector.broadcast %and3A_79 : i32 to vector<256x512xi32>
    %and3A_81 = arith.andi %get3A_78, %and3A_80 : vector<256x512xi32>
    %bitcast_convert_type3A_82 = tpu.bitcast %and3A_81 : vector<256x512xi32> -> vector<256x512xf32>
    %shift_left3A_83 = arith.constant 16 : i32
    %shift_left3A_84 = vector.broadcast %shift_left3A_83 : i32 to vector<256x512xi32>
    %shift_left3A_85 = arith.shli %get3A_78, %shift_left3A_84 : vector<256x512xi32>
    %bitcast_convert_type3A_86 = tpu.bitcast %shift_left3A_85 : vector<256x512xi32> -> vector<256x512xf32>
    %concatenate3A_87 = tpu.concatenate %bitcast_convert_type3A_82, %bitcast_convert_type3A_86 in 1 : vector<256x512xf32>, vector<256x512xf32> -> vector<256x1024xf32>
    %slice3A_88 = vector.extract_strided_slice %concatenate3A_87 {offsets = [0, 0], sizes = [256, 1000], strides = [1, 1]} : vector<256x1024xf32> to vector<256x1000xf32>
    %sub3A_89 = arith.subf %get3A_3, %slice3A_88 : vector<256x1000xf32>
    %get3A_90 = arith.constant 1 : index
    %get3A_91 = arith.constant 0 : index
    %get3A_92 = arith.constant 0 : index
    %get3A_93 = vector.load %arg4[%get3A_90, %get3A_91, %get3A_92] : memref<4x256x512xi32, #tpu.memory_space<vmem>>, vector<1x256x512xi32>
    %get3A_94 = vector.shape_cast %get3A_93 : vector<1x256x512xi32> to vector<256x512xi32>
    %and3A_95 = arith.constant -65536 : i32
    %and3A_96 = vector.broadcast %and3A_95 : i32 to vector<256x512xi32>
    %and3A_97 = arith.andi %get3A_94, %and3A_96 : vector<256x512xi32>
    %bitcast_convert_type3A_98 = tpu.bitcast %and3A_97 : vector<256x512xi32> -> vector<256x512xf32>
    %shift_left3A_99 = arith.constant 16 : i32
    %shift_left3A_100 = vector.broadcast %shift_left3A_99 : i32 to vector<256x512xi32>
    %shift_left3A_101 = arith.shli %get3A_94, %shift_left3A_100 : vector<256x512xi32>
    %bitcast_convert_type3A_102 = tpu.bitcast %shift_left3A_101 : vector<256x512xi32> -> vector<256x512xf32>
    %concatenate3A_103 = tpu.concatenate %bitcast_convert_type3A_98, %bitcast_convert_type3A_102 in 1 : vector<256x512xf32>, vector<256x512xf32> -> vector<256x1024xf32>
    %slice3A_104 = vector.extract_strided_slice %concatenate3A_103 {offsets = [0, 0], sizes = [256, 1000], strides = [1, 1]} : vector<256x1024xf32> to vector<256x1000xf32>
    %sub3A_105 = arith.subf %get3A_6, %slice3A_104 : vector<256x1000xf32>
    %reduce_max3A_106 = arith.constant dense<0xFF800000> : vector<256xf32>
    %reduce_max3A_107 = vector.multi_reduction <maximumf>, %sub3A_89, %reduce_max3A_106 [1] : vector<256x1000xf32> to vector<256xf32>
    %broadcast_in_dim3A_108 = vector.shape_cast %reduce_max3A_107 : vector<256xf32> to vector<256x1xf32>
    %sub3A_109 = vector.broadcast %broadcast_in_dim3A_108 : vector<256x1xf32> to vector<256x1000xf32>
    %sub3A_110 = arith.subf %sub3A_89, %sub3A_109 : vector<256x1000xf32>
    %exp3A_111 = math.exp %sub3A_110 : vector<256x1000xf32>
    %reduce_sum3A_112 = arith.constant dense<0.000000e+00> : vector<256xf32>
    %reduce_sum3A_113 = vector.multi_reduction <add>, %exp3A_111, %reduce_sum3A_112 [1] : vector<256x1000xf32> to vector<256xf32>
    %broadcast_in_dim3A_114 = vector.shape_cast %reduce_sum3A_113 : vector<256xf32> to vector<256x1xf32>
    %div3A_115 = vector.broadcast %broadcast_in_dim3A_114 : vector<256x1xf32> to vector<256x1000xf32>
    %div3A_116 = arith.divf %exp3A_111, %div3A_115 : vector<256x1000xf32>
    %sub3A_117 = vector.broadcast %broadcast_in_dim3A_108 : vector<256x1xf32> to vector<256x1000xf32>
    %sub3A_118 = arith.subf %sub3A_89, %sub3A_117 : vector<256x1000xf32>
    %log3A_119 = math.log %broadcast_in_dim3A_114 : vector<256x1xf32>
    %sub3A_120 = vector.broadcast %log3A_119 : vector<256x1xf32> to vector<256x1000xf32>
    %sub3A_121 = arith.subf %sub3A_118, %sub3A_120 : vector<256x1000xf32>
    %reduce_max3A_122 = arith.constant dense<0xFF800000> : vector<256xf32>
    %reduce_max3A_123 = vector.multi_reduction <maximumf>, %sub3A_105, %reduce_max3A_122 [1] : vector<256x1000xf32> to vector<256xf32>
    %broadcast_in_dim3A_124 = vector.shape_cast %reduce_max3A_123 : vector<256xf32> to vector<256x1xf32>
    %sub3A_125 = vector.broadcast %broadcast_in_dim3A_124 : vector<256x1xf32> to vector<256x1000xf32>
    %sub3A_126 = arith.subf %sub3A_105, %sub3A_125 : vector<256x1000xf32>
    %exp3A_127 = math.exp %sub3A_126 : vector<256x1000xf32>
    %reduce_sum3A_128 = arith.constant dense<0.000000e+00> : vector<256xf32>
    %reduce_sum3A_129 = vector.multi_reduction <add>, %exp3A_127, %reduce_sum3A_128 [1] : vector<256x1000xf32> to vector<256xf32>
    %broadcast_in_dim3A_130 = vector.shape_cast %reduce_sum3A_129 : vector<256xf32> to vector<256x1xf32>
    %div3A_131 = vector.broadcast %broadcast_in_dim3A_130 : vector<256x1xf32> to vector<256x1000xf32>
    %div3A_132 = arith.divf %exp3A_127, %div3A_131 : vector<256x1000xf32>
    %sub3A_133 = vector.broadcast %broadcast_in_dim3A_124 : vector<256x1xf32> to vector<256x1000xf32>
    %sub3A_134 = arith.subf %sub3A_105, %sub3A_133 : vector<256x1000xf32>
    %log3A_135 = math.log %broadcast_in_dim3A_130 : vector<256x1xf32>
    %sub3A_136 = vector.broadcast %log3A_135 : vector<256x1xf32> to vector<256x1000xf32>
    %sub3A_137 = arith.subf %sub3A_134, %sub3A_136 : vector<256x1000xf32>
    %add3A_138 = arith.addf %div3A_116, %div3A_132 : vector<256x1000xf32>
    %mul3A_139 = arith.constant 5.000000e-01 : f32
    %mul3A_140 = vector.broadcast %mul3A_139 : f32 to vector<256x1000xf32>
    %mul3A_141 = arith.mulf %add3A_138, %mul3A_140 : vector<256x1000xf32>
    %log3A_142 = math.log %mul3A_141 : vector<256x1000xf32>
    %sub3A_143 = arith.subf %sub3A_121, %log3A_142 : vector<256x1000xf32>
    %mul3A_144 = arith.mulf %div3A_116, %sub3A_143 : vector<256x1000xf32>
    %sub3A_145 = arith.subf %sub3A_137, %log3A_142 : vector<256x1000xf32>
    %mul3A_146 = arith.mulf %div3A_132, %sub3A_145 : vector<256x1000xf32>
    %add3A_147 = arith.addf %mul3A_144, %mul3A_146 : vector<256x1000xf32>
    %reduce_sum3A_148 = vector.shape_cast %add3A_147 : vector<256x1000xf32> to vector<1x256x1000xf32>
    %reduce_sum3A_149 = arith.constant dense<0.000000e+00> : vector<1xf32>
    %reduce_sum3A_150 = vector.multi_reduction <add>, %reduce_sum3A_148, %reduce_sum3A_149 [1, 2] : vector<1x256x1000xf32> to vector<1xf32>
    %reduce_sum3A_151 = vector.shape_cast %reduce_sum3A_150 : vector<1xf32> to vector<1x1x1xf32>
    %reduce_sum3A_152 = vector.extract %reduce_sum3A_151[0, 0, 0] : f32 from vector<1x1x1xf32>
    %add3A_153 = arith.addf %add3A_73, %reduce_sum3A_152 : f32
    %get3A_154 = arith.constant 2 : index
    %get3A_155 = arith.constant 0 : index
    %get3A_156 = arith.constant 0 : index
    %get3A_157 = vector.load %arg3[%get3A_154, %get3A_155, %get3A_156] : memref<4x256x512xi32, #tpu.memory_space<vmem>>, vector<1x256x512xi32>
    %get3A_158 = vector.shape_cast %get3A_157 : vector<1x256x512xi32> to vector<256x512xi32>
    %and3A_159 = arith.constant -65536 : i32
    %and3A_160 = vector.broadcast %and3A_159 : i32 to vector<256x512xi32>
    %and3A_161 = arith.andi %get3A_158, %and3A_160 : vector<256x512xi32>
    %bitcast_convert_type3A_162 = tpu.bitcast %and3A_161 : vector<256x512xi32> -> vector<256x512xf32>
    %shift_left3A_163 = arith.constant 16 : i32
    %shift_left3A_164 = vector.broadcast %shift_left3A_163 : i32 to vector<256x512xi32>
    %shift_left3A_165 = arith.shli %get3A_158, %shift_left3A_164 : vector<256x512xi32>
    %bitcast_convert_type3A_166 = tpu.bitcast %shift_left3A_165 : vector<256x512xi32> -> vector<256x512xf32>
    %concatenate3A_167 = tpu.concatenate %bitcast_convert_type3A_162, %bitcast_convert_type3A_166 in 1 : vector<256x512xf32>, vector<256x512xf32> -> vector<256x1024xf32>
    %slice3A_168 = vector.extract_strided_slice %concatenate3A_167 {offsets = [0, 0], sizes = [256, 1000], strides = [1, 1]} : vector<256x1024xf32> to vector<256x1000xf32>
    %sub3A_169 = arith.subf %get3A_3, %slice3A_168 : vector<256x1000xf32>
    %get3A_170 = arith.constant 2 : index
    %get3A_171 = arith.constant 0 : index
    %get3A_172 = arith.constant 0 : index
    %get3A_173 = vector.load %arg4[%get3A_170, %get3A_171, %get3A_172] : memref<4x256x512xi32, #tpu.memory_space<vmem>>, vector<1x256x512xi32>
    %get3A_174 = vector.shape_cast %get3A_173 : vector<1x256x512xi32> to vector<256x512xi32>
    %and3A_175 = arith.constant -65536 : i32
    %and3A_176 = vector.broadcast %and3A_175 : i32 to vector<256x512xi32>
    %and3A_177 = arith.andi %get3A_174, %and3A_176 : vector<256x512xi32>
    %bitcast_convert_type3A_178 = tpu.bitcast %and3A_177 : vector<256x512xi32> -> vector<256x512xf32>
    %shift_left3A_179 = arith.constant 16 : i32
    %shift_left3A_180 = vector.broadcast %shift_left3A_179 : i32 to vector<256x512xi32>
    %shift_left3A_181 = arith.shli %get3A_174, %shift_left3A_180 : vector<256x512xi32>
    %bitcast_convert_type3A_182 = tpu.bitcast %shift_left3A_181 : vector<256x512xi32> -> vector<256x512xf32>
    %concatenate3A_183 = tpu.concatenate %bitcast_convert_type3A_178, %bitcast_convert_type3A_182 in 1 : vector<256x512xf32>, vector<256x512xf32> -> vector<256x1024xf32>
    %slice3A_184 = vector.extract_strided_slice %concatenate3A_183 {offsets = [0, 0], sizes = [256, 1000], strides = [1, 1]} : vector<256x1024xf32> to vector<256x1000xf32>
    %sub3A_185 = arith.subf %get3A_6, %slice3A_184 : vector<256x1000xf32>
    %reduce_max3A_186 = arith.constant dense<0xFF800000> : vector<256xf32>
    %reduce_max3A_187 = vector.multi_reduction <maximumf>, %sub3A_169, %reduce_max3A_186 [1] : vector<256x1000xf32> to vector<256xf32>
    %broadcast_in_dim3A_188 = vector.shape_cast %reduce_max3A_187 : vector<256xf32> to vector<256x1xf32>
    %sub3A_189 = vector.broadcast %broadcast_in_dim3A_188 : vector<256x1xf32> to vector<256x1000xf32>
    %sub3A_190 = arith.subf %sub3A_169, %sub3A_189 : vector<256x1000xf32>
    %exp3A_191 = math.exp %sub3A_190 : vector<256x1000xf32>
    %reduce_sum3A_192 = arith.constant dense<0.000000e+00> : vector<256xf32>
    %reduce_sum3A_193 = vector.multi_reduction <add>, %exp3A_191, %reduce_sum3A_192 [1] : vector<256x1000xf32> to vector<256xf32>
    %broadcast_in_dim3A_194 = vector.shape_cast %reduce_sum3A_193 : vector<256xf32> to vector<256x1xf32>
    %div3A_195 = vector.broadcast %broadcast_in_dim3A_194 : vector<256x1xf32> to vector<256x1000xf32>
    %div3A_196 = arith.divf %exp3A_191, %div3A_195 : vector<256x1000xf32>
    %sub3A_197 = vector.broadcast %broadcast_in_dim3A_188 : vector<256x1xf32> to vector<256x1000xf32>
    %sub3A_198 = arith.subf %sub3A_169, %sub3A_197 : vector<256x1000xf32>
    %log3A_199 = math.log %broadcast_in_dim3A_194 : vector<256x1xf32>
    %sub3A_200 = vector.broadcast %log3A_199 : vector<256x1xf32> to vector<256x1000xf32>
    %sub3A_201 = arith.subf %sub3A_198, %sub3A_200 : vector<256x1000xf32>
    %reduce_max3A_202 = arith.constant dense<0xFF800000> : vector<256xf32>
    %reduce_max3A_203 = vector.multi_reduction <maximumf>, %sub3A_185, %reduce_max3A_202 [1] : vector<256x1000xf32> to vector<256xf32>
    %broadcast_in_dim3A_204 = vector.shape_cast %reduce_max3A_203 : vector<256xf32> to vector<256x1xf32>
    %sub3A_205 = vector.broadcast %broadcast_in_dim3A_204 : vector<256x1xf32> to vector<256x1000xf32>
    %sub3A_206 = arith.subf %sub3A_185, %sub3A_205 : vector<256x1000xf32>
    %exp3A_207 = math.exp %sub3A_206 : vector<256x1000xf32>
    %reduce_sum3A_208 = arith.constant dense<0.000000e+00> : vector<256xf32>
    %reduce_sum3A_209 = vector.multi_reduction <add>, %exp3A_207, %reduce_sum3A_208 [1] : vector<256x1000xf32> to vector<256xf32>
    %broadcast_in_dim3A_210 = vector.shape_cast %reduce_sum3A_209 : vector<256xf32> to vector<256x1xf32>
    %div3A_211 = vector.broadcast %broadcast_in_dim3A_210 : vector<256x1xf32> to vector<256x1000xf32>
    %div3A_212 = arith.divf %exp3A_207, %div3A_211 : vector<256x1000xf32>
    %sub3A_213 = vector.broadcast %broadcast_in_dim3A_204 : vector<256x1xf32> to vector<256x1000xf32>
    %sub3A_214 = arith.subf %sub3A_185, %sub3A_213 : vector<256x1000xf32>
    %log3A_215 = math.log %broadcast_in_dim3A_210 : vector<256x1xf32>
    %sub3A_216 = vector.broadcast %log3A_215 : vector<256x1xf32> to vector<256x1000xf32>
    %sub3A_217 = arith.subf %sub3A_214, %sub3A_216 : vector<256x1000xf32>
    %add3A_218 = arith.addf %div3A_196, %div3A_212 : vector<256x1000xf32>
    %mul3A_219 = arith.constant 5.000000e-01 : f32
    %mul3A_220 = vector.broadcast %mul3A_219 : f32 to vector<256x1000xf32>
    %mul3A_221 = arith.mulf %add3A_218, %mul3A_220 : vector<256x1000xf32>
    %log3A_222 = math.log %mul3A_221 : vector<256x1000xf32>
    %sub3A_223 = arith.subf %sub3A_201, %log3A_222 : vector<256x1000xf32>
    %mul3A_224 = arith.mulf %div3A_196, %sub3A_223 : vector<256x1000xf32>
    %sub3A_225 = arith.subf %sub3A_217, %log3A_222 : vector<256x1000xf32>
    %mul3A_226 = arith.mulf %div3A_212, %sub3A_225 : vector<256x1000xf32>
    %add3A_227 = arith.addf %mul3A_224, %mul3A_226 : vector<256x1000xf32>
    %reduce_sum3A_228 = vector.shape_cast %add3A_227 : vector<256x1000xf32> to vector<1x256x1000xf32>
    %reduce_sum3A_229 = arith.constant dense<0.000000e+00> : vector<1xf32>
    %reduce_sum3A_230 = vector.multi_reduction <add>, %reduce_sum3A_228, %reduce_sum3A_229 [1, 2] : vector<1x256x1000xf32> to vector<1xf32>
    %reduce_sum3A_231 = vector.shape_cast %reduce_sum3A_230 : vector<1xf32> to vector<1x1x1xf32>
    %reduce_sum3A_232 = vector.extract %reduce_sum3A_231[0, 0, 0] : f32 from vector<1x1x1xf32>
    %add3A_233 = arith.addf %add3A_153, %reduce_sum3A_232 : f32
    %get3A_234 = arith.constant 3 : index
    %get3A_235 = arith.constant 0 : index
    %get3A_236 = arith.constant 0 : index
    %get3A_237 = vector.load %arg3[%get3A_234, %get3A_235, %get3A_236] : memref<4x256x512xi32, #tpu.memory_space<vmem>>, vector<1x256x512xi32>
    %get3A_238 = vector.shape_cast %get3A_237 : vector<1x256x512xi32> to vector<256x512xi32>
    %and3A_239 = arith.constant -65536 : i32
    %and3A_240 = vector.broadcast %and3A_239 : i32 to vector<256x512xi32>
    %and3A_241 = arith.andi %get3A_238, %and3A_240 : vector<256x512xi32>
    %bitcast_convert_type3A_242 = tpu.bitcast %and3A_241 : vector<256x512xi32> -> vector<256x512xf32>
    %shift_left3A_243 = arith.constant 16 : i32
    %shift_left3A_244 = vector.broadcast %shift_left3A_243 : i32 to vector<256x512xi32>
    %shift_left3A_245 = arith.shli %get3A_238, %shift_left3A_244 : vector<256x512xi32>
    %bitcast_convert_type3A_246 = tpu.bitcast %shift_left3A_245 : vector<256x512xi32> -> vector<256x512xf32>
    %concatenate3A_247 = tpu.concatenate %bitcast_convert_type3A_242, %bitcast_convert_type3A_246 in 1 : vector<256x512xf32>, vector<256x512xf32> -> vector<256x1024xf32>
    %slice3A_248 = vector.extract_strided_slice %concatenate3A_247 {offsets = [0, 0], sizes = [256, 1000], strides = [1, 1]} : vector<256x1024xf32> to vector<256x1000xf32>
    %sub3A_249 = arith.subf %get3A_3, %slice3A_248 : vector<256x1000xf32>
    %get3A_250 = arith.constant 3 : index
    %get3A_251 = arith.constant 0 : index
    %get3A_252 = arith.constant 0 : index
    %get3A_253 = vector.load %arg4[%get3A_250, %get3A_251, %get3A_252] : memref<4x256x512xi32, #tpu.memory_space<vmem>>, vector<1x256x512xi32>
    %get3A_254 = vector.shape_cast %get3A_253 : vector<1x256x512xi32> to vector<256x512xi32>
    %and3A_255 = arith.constant -65536 : i32
    %and3A_256 = vector.broadcast %and3A_255 : i32 to vector<256x512xi32>
    %and3A_257 = arith.andi %get3A_254, %and3A_256 : vector<256x512xi32>
    %bitcast_convert_type3A_258 = tpu.bitcast %and3A_257 : vector<256x512xi32> -> vector<256x512xf32>
    %shift_left3A_259 = arith.constant 16 : i32
    %shift_left3A_260 = vector.broadcast %shift_left3A_259 : i32 to vector<256x512xi32>
    %shift_left3A_261 = arith.shli %get3A_254, %shift_left3A_260 : vector<256x512xi32>
    %bitcast_convert_type3A_262 = tpu.bitcast %shift_left3A_261 : vector<256x512xi32> -> vector<256x512xf32>
    %concatenate3A_263 = tpu.concatenate %bitcast_convert_type3A_258, %bitcast_convert_type3A_262 in 1 : vector<256x512xf32>, vector<256x512xf32> -> vector<256x1024xf32>
    %slice3A_264 = vector.extract_strided_slice %concatenate3A_263 {offsets = [0, 0], sizes = [256, 1000], strides = [1, 1]} : vector<256x1024xf32> to vector<256x1000xf32>
    %sub3A_265 = arith.subf %get3A_6, %slice3A_264 : vector<256x1000xf32>
    %reduce_max3A_266 = arith.constant dense<0xFF800000> : vector<256xf32>
    %reduce_max3A_267 = vector.multi_reduction <maximumf>, %sub3A_249, %reduce_max3A_266 [1] : vector<256x1000xf32> to vector<256xf32>
    %broadcast_in_dim3A_268 = vector.shape_cast %reduce_max3A_267 : vector<256xf32> to vector<256x1xf32>
    %sub3A_269 = vector.broadcast %broadcast_in_dim3A_268 : vector<256x1xf32> to vector<256x1000xf32>
    %sub3A_270 = arith.subf %sub3A_249, %sub3A_269 : vector<256x1000xf32>
    %exp3A_271 = math.exp %sub3A_270 : vector<256x1000xf32>
    %reduce_sum3A_272 = arith.constant dense<0.000000e+00> : vector<256xf32>
    %reduce_sum3A_273 = vector.multi_reduction <add>, %exp3A_271, %reduce_sum3A_272 [1] : vector<256x1000xf32> to vector<256xf32>
    %broadcast_in_dim3A_274 = vector.shape_cast %reduce_sum3A_273 : vector<256xf32> to vector<256x1xf32>
    %div3A_275 = vector.broadcast %broadcast_in_dim3A_274 : vector<256x1xf32> to vector<256x1000xf32>
    %div3A_276 = arith.divf %exp3A_271, %div3A_275 : vector<256x1000xf32>
    %sub3A_277 = vector.broadcast %broadcast_in_dim3A_268 : vector<256x1xf32> to vector<256x1000xf32>
    %sub3A_278 = arith.subf %sub3A_249, %sub3A_277 : vector<256x1000xf32>
    %log3A_279 = math.log %broadcast_in_dim3A_274 : vector<256x1xf32>
    %sub3A_280 = vector.broadcast %log3A_279 : vector<256x1xf32> to vector<256x1000xf32>
    %sub3A_281 = arith.subf %sub3A_278, %sub3A_280 : vector<256x1000xf32>
    %reduce_max3A_282 = arith.constant dense<0xFF800000> : vector<256xf32>
    %reduce_max3A_283 = vector.multi_reduction <maximumf>, %sub3A_265, %reduce_max3A_282 [1] : vector<256x1000xf32> to vector<256xf32>
    %broadcast_in_dim3A_284 = vector.shape_cast %reduce_max3A_283 : vector<256xf32> to vector<256x1xf32>
    %sub3A_285 = vector.broadcast %broadcast_in_dim3A_284 : vector<256x1xf32> to vector<256x1000xf32>
    %sub3A_286 = arith.subf %sub3A_265, %sub3A_285 : vector<256x1000xf32>
    %exp3A_287 = math.exp %sub3A_286 : vector<256x1000xf32>
    %reduce_sum3A_288 = arith.constant dense<0.000000e+00> : vector<256xf32>
    %reduce_sum3A_289 = vector.multi_reduction <add>, %exp3A_287, %reduce_sum3A_288 [1] : vector<256x1000xf32> to vector<256xf32>
    %broadcast_in_dim3A_290 = vector.shape_cast %reduce_sum3A_289 : vector<256xf32> to vector<256x1xf32>
    %div3A_291 = vector.broadcast %broadcast_in_dim3A_290 : vector<256x1xf32> to vector<256x1000xf32>
    %div3A_292 = arith.divf %exp3A_287, %div3A_291 : vector<256x1000xf32>
    %sub3A_293 = vector.broadcast %broadcast_in_dim3A_284 : vector<256x1xf32> to vector<256x1000xf32>
    %sub3A_294 = arith.subf %sub3A_265, %sub3A_293 : vector<256x1000xf32>
    %log3A_295 = math.log %broadcast_in_dim3A_290 : vector<256x1xf32>
    %sub3A_296 = vector.broadcast %log3A_295 : vector<256x1xf32> to vector<256x1000xf32>
    %sub3A_297 = arith.subf %sub3A_294, %sub3A_296 : vector<256x1000xf32>
    %add3A_298 = arith.addf %div3A_276, %div3A_292 : vector<256x1000xf32>
    %mul3A_299 = arith.constant 5.000000e-01 : f32
    %mul3A_300 = vector.broadcast %mul3A_299 : f32 to vector<256x1000xf32>
    %mul3A_301 = arith.mulf %add3A_298, %mul3A_300 : vector<256x1000xf32>
    %log3A_302 = math.log %mul3A_301 : vector<256x1000xf32>
    %sub3A_303 = arith.subf %sub3A_281, %log3A_302 : vector<256x1000xf32>
    %mul3A_304 = arith.mulf %div3A_276, %sub3A_303 : vector<256x1000xf32>
    %sub3A_305 = arith.subf %sub3A_297, %log3A_302 : vector<256x1000xf32>
    %mul3A_306 = arith.mulf %div3A_292, %sub3A_305 : vector<256x1000xf32>
    %add3A_307 = arith.addf %mul3A_304, %mul3A_306 : vector<256x1000xf32>
    %reduce_sum3A_308 = vector.shape_cast %add3A_307 : vector<256x1000xf32> to vector<1x256x1000xf32>
    %reduce_sum3A_309 = arith.constant dense<0.000000e+00> : vector<1xf32>
    %reduce_sum3A_310 = vector.multi_reduction <add>, %reduce_sum3A_308, %reduce_sum3A_309 [1, 2] : vector<1x256x1000xf32> to vector<1xf32>
    %reduce_sum3A_311 = vector.shape_cast %reduce_sum3A_310 : vector<1xf32> to vector<1x1x1xf32>
    %reduce_sum3A_312 = vector.extract %reduce_sum3A_311[0, 0, 0] : f32 from vector<1x1x1xf32>
    %add3A_313 = arith.addf %add3A_233, %reduce_sum3A_312 : f32
    %get3A_314 = arith.constant 0 : index
    %get3A_315 = arith.constant 0 : index
    %get3A_316 = memref.load %arg6[%get3A_314, %get3A_315] : memref<1x1xf32, #tpu.memory_space<smem>>
    %add3A_317 = arith.addf %get3A_316, %add3A_313 : f32
    %swap3A = arith.constant 0 : index
    %swap3A_318 = arith.constant 0 : index
    %swap3A_319 = memref.load %arg6[%swap3A, %swap3A_318] : memref<1x1xf32, #tpu.memory_space<smem>>
    memref.store %add3A_317, %arg6[%swap3A, %swap3A_318] : memref<1x1xf32, #tpu.memory_space<smem>>
    %eq3A_320 = arith.constant 7 : i32
    %eq3A_321 = arith.cmpi eq, %arg0, %eq3A_320 : i32
    %convert_element_type3A_322 = arith.extui %eq3A_321 : i1 to i32
    %cond3A_323 = arith.constant 0 : i32
    %cond3A_324 = arith.cmpi ne, %convert_element_type3A_322, %cond3A_323 : i32
    scf.if %cond3A_324 {
      %get3A_325 = arith.constant 0 : index
      %get3A_326 = arith.constant 0 : index
      %get3A_327 = memref.load %arg6[%get3A_325, %get3A_326] : memref<1x1xf32, #tpu.memory_space<smem>>
      %mul3A_328 = arith.constant 3.05175781E-5 : f32
      %mul3A_329 = arith.mulf %get3A_327, %mul3A_328 : f32
      %swap3A_330 = arith.constant 0 : index
      %swap3A_331 = arith.constant 0 : index
      %swap3A_332 = memref.load %arg5[%swap3A_330, %swap3A_331] : memref<1x1xf32, #tpu.memory_space<smem>>
      memref.store %mul3A_329, %arg5[%swap3A_330, %swap3A_331] : memref<1x1xf32, #tpu.memory_space<smem>>
    } else {
    }
    return
  }
  func.func @transform_0(%arg0: i32) -> (i32, i32) {
    %add3A = arith.constant 0 : i32
    %add3A_0 = arith.addi %arg0, %add3A : i32
    %c0_i32 = arith.constant 0 : i32
    %c0_i32_1 = arith.constant 0 : i32
    return %add3A_0, %c0_i32 : i32, i32
  }
  func.func @transform_1(%arg0: i32) -> (i32, i32) {
    %add3A = arith.constant 0 : i32
    %add3A_0 = arith.addi %arg0, %add3A : i32
    %c0_i32 = arith.constant 0 : i32
    %c0_i32_1 = arith.constant 0 : i32
    return %add3A_0, %c0_i32 : i32, i32
  }
  func.func @transform_2(%arg0: i32) -> (i32, i32, i32) {
    %c0_i32 = arith.constant 0 : i32
    %c0_i32_0 = arith.constant 0 : i32
    %c0_i32_1 = arith.constant 0 : i32
    return %c0_i32, %arg0, %c0_i32_0 : i32, i32, i32
  }
  func.func @transform_3(%arg0: i32) -> (i32, i32, i32) {
    %c0_i32 = arith.constant 0 : i32
    %c0_i32_0 = arith.constant 0 : i32
    %c0_i32_1 = arith.constant 0 : i32
    return %c0_i32, %arg0, %c0_i32_0 : i32, i32, i32
  }
  func.func @transform_4(%arg0: i32) -> (i32, i32) {
    %c0_i32 = arith.constant 0 : i32
    %c0_i32_0 = arith.constant 0 : i32
    %c0_i32_1 = arith.constant 0 : i32
    return %c0_i32, %c0_i32_0 : i32, i32
  }
}

</mosaic_0001>

<sc_bundles>
// kernel: kernel.12.cloned.1.call-start
scs
__scs_entry_jumppad:
0x0: {  	(pc) =	sbr.rel $0x88, $3  }
0x1: {  	(tag) =	ssettag $0x0;
	lr =	simm.s32 $0x1  }
0x2: {  	[smem:$0x3F9F] =	sst lr;
	_ =	strace $0xD0000000  }
0x3: {  	_ = 	snop  }
0x4: {  	_ = 	snop  }
0x5: {  	_ = 	snop  }
0x6: {  	_ = 	snop  }
0x7: {  	_ = 	snop  }
__scs_overlays_trampoline_lowered:
0x8: {  	[smem:$0x3FAE] =	sst s0  }
0x9: {  	[smem:$0x3FAF] =	sst s1  }
0xa: {  	[smem:$0x3FB0] =	sst s2  }
0xb: {  	[smem:$0x3FB1] =	sst s3  }
0xc: {  	[smem:$0x3FB2] =	sst s4  }
0xd: {  	[smem:$0x3FB3] =	sst s5  }
0xe: {  	[smem:$0x3FB4] =	sst s6  }
0xf: {  	[smem:$0x3FB5] =	sst s7  }
0x10: {  	[smem:$0x3FB6] =	sst s8  }
0x11: {  	[smem:$0x3FB7] =	sst s9;
	s0 =	simm.s32 @!p0 $0x0  }
0x12: {  	s1 =	sld [smem:$0x3F9D];
	s0 =	simm.s32 @p0 $0x1  }
0x13: {  	[smem:$0x3FB8] =	sst s0;
	s0 =	simm.s32 @!p1 $0x0  }
0x14: {  	s2 =	sld [smem:$0x3F9C];
	s0 =	simm.s32 @p1 $0x1  }
0x15: {  	[smem:$0x3FB9] =	sst s0;
	s0 =	simm.s32 @!p2 $0x0  }
0x16: {  	s3 =	sld [smem:$0x3FDB];
	s0 =	simm.s32 @p2 $0x1  }
0x17: {  	s4 =	simm.s32 $0x1BF5;
	[smem:$0x3FBB] =	sst s0  }
0x18: {  	s0 =	sld [smem:$0x3F9E];
	_ =	swait.ge [sflag:s4], $0x0  }
0x19: {  	s7 =	sld [smem:$0x3F9F]  }
0x1a: {  	s8 =	sadd.s32 $0xFFFFE003, lr  }
0x1b: {  	s9 =	sadd.s32 $0xFFFFFEF7, lr;
	s5 =	simm.s32 $0xFFFFFFFF;
	p2 =	slt.u32 s8, $0xFFFFF086  }
0x1c: {  	p1 =	slt.u32 s9, $0xF7A;
	s5 =	simm.s32 @!p2 $0x0  }
0x1d: {  	s5 =	simm.s32 @p1 $0x1;
	p0 =	seq.s32 s7, s2  }
0x1e: {  	s7 =	smul.u32 @!p0 $0xF7A, s2;
	p2 =	seq.s32 @!p0 s5, $0x0  }
0x1f: {  	s9 =	smul.u32 $0xF7A, s1;
	s8 =	simm.s32 @!p0 $0x1BF5;
	p2 =	por !p2, p0  }
0x20: {  	[sflag:s8] =	ssyncset.s32 @!p0 $0xFFFFF086;
	s6 =	sadd.s32 @!p0 s3, s7;
	s7 =	simm.s32 @!p0 $0x108  }
0x21: {  	s3 =	sadd.s32 s3, s9;
	s6 =	sadd.s32 @!p0 $0x88, s6;
	s7 =	simm.s32 @p2 $0x1082  }
0x22: {  	[simem:s7], [sflag:s8] =	dma.local @!p0 [hbm:s6], $0xF7A  }
0x23: {  	s9 =	sor.u32 $0xD0000000, s2;
	s6 =	simm.s32 $0x108;
	_ =	swait.ge @!p0 [sflag:s8], $0x0  }
0x24: {  	s3 =	sadd.s32 $0x88, s3;
	s6 =	simm.s32 @!p1 $0x1082;
	[sflag:s4] =	ssyncset.s32 $0xFFFFF086  }
0x25: {  	[simem:s6], [sflag:s4] =	dma.local [hbm:s3], $0xF7A  }
0x26: {  	[smem:$0x3F9F] =	sst s1;
	(tag) =	ssettag s2;
	_ =	strace s9  }
0x27: {  	s1 =	sld [smem:$0x3FAF]  }
0x28: {  	s2 =	sld [smem:$0x3FB0]  }
0x29: {  	s4 =	sld [smem:$0x3FB2]  }
0x2a: {  	p0 =	seq.s32 s5, $0x0;
	s5 =	sld [smem:$0x3FB3]  }
0x2b: {  	s6 =	sld [smem:$0x3FB4]  }
0x2c: {  	s7 =	sld [smem:$0x3FB5]  }
0x2d: {  	s3 =	simm.s32 $0x108;
	s8 =	sld [smem:$0x3FB6]  }
0x2e: {  	s3 =	simm.s32 @!p0 $0x1082;
	s9 =	sld [smem:$0x3FB7]  }
0x2f: {  	lr =	sadd.s32 s0, s3;
	s0 =	sld [smem:$0x3FAE]  }
0x30: {  	s3 =	sld [smem:$0x3FB1]  }
0x31: {  	[smem:$0x3FBA] =	sst s10  }
0x32: {  	s10 =	sld [smem:$0x3FB8];
	_ =	sdelay $0x3  }
0x33: {  	p0 =	seq.s32 s10, $0x1;
	s10 =	sld [smem:$0x3FBA];
	_ =	sdelay $0x3  }
0x34: {  	[smem:$0x3FBA] =	sst s10  }
0x35: {  	s10 =	sld [smem:$0x3FB9];
	_ =	sdelay $0x3  }
0x36: {  	p1 =	seq.s32 s10, $0x1;
	s10 =	sld [smem:$0x3FBA];
	_ =	sdelay $0x3  }
0x37: {  	[smem:$0x3FBA] =	sst s10  }
0x38: {  	s10 =	sld [smem:$0x3FBB]  }
0x39: {  	_ = 	snop;
	(pc) =	sbr.ind lr, $3  }
0x3a: {  	_ = 	snop  }
0x3b: {  	_ = 	snop  }
0x3c: {  	p2 =	seq.s32 s10, $0x1;
	s10 =	sld [smem:$0x3FBA]  }
0x3d: {  	_ =	shalt  }
0x3e: {  	_ =	shalt  }
0x3f: {  	_ =	shalt  }
0x40: {  	_ =	shalt  }
0x41: {  	_ =	shalt  }
0x42: {  	_ =	shalt  }
0x43: {  	_ =	shalt  }
0x44: {  	_ =	shalt  }
0x45: {  	_ =	shalt  }
0x46: {  	_ =	shalt  }
0x47: {  	_ =	shalt  }
0x48: {  	_ =	shalt  }
0x49: {  	_ =	shalt  }
0x4a: {  	_ =	shalt  }
0x4b: {  	_ =	shalt  }
0x4c: {  	_ =	shalt  }
0x4d: {  	_ =	shalt  }
0x4e: {  	_ =	shalt  }
0x4f: {  	_ =	shalt  }
0x50: {  	_ =	shalt  }
0x51: {  	_ =	shalt  }
0x52: {  	_ =	shalt  }
0x53: {  	_ =	shalt  }
0x54: {  	_ =	shalt  }
0x55: {  	_ =	shalt  }
0x56: {  	_ =	shalt  }
0x57: {  	_ =	shalt  }
0x58: {  	_ =	shalt  }
0x59: {  	_ =	shalt  }
0x5a: {  	_ =	shalt  }
0x5b: {  	_ =	shalt  }
0x5c: {  	_ =	shalt  }
0x5d: {  	_ =	shalt  }
0x5e: {  	_ =	shalt  }
0x5f: {  	_ =	shalt  }
0x60: {  	_ =	shalt  }
0x61: {  	_ =	shalt  }
0x62: {  	_ =	shalt  }
0x63: {  	_ =	shalt  }
0x64: {  	_ =	shalt  }
0x65: {  	_ =	shalt  }
0x66: {  	_ =	shalt  }
0x67: {  	_ =	shalt  }
0x68: {  	_ =	shalt  }
0x69: {  	_ =	shalt  }
0x6a: {  	_ =	shalt  }
0x6b: {  	_ =	shalt  }
0x6c: {  	_ =	shalt  }
0x6d: {  	_ =	shalt  }
0x6e: {  	_ =	shalt  }
0x6f: {  	_ =	shalt  }
0x70: {  	_ =	shalt  }
0x71: {  	_ =	shalt  }
0x72: {  	_ =	shalt  }
0x73: {  	_ =	shalt  }
0x74: {  	_ =	shalt  }
0x75: {  	_ =	shalt  }
0x76: {  	_ =	shalt  }
0x77: {  	_ =	shalt  }
0x78: {  	_ =	shalt  }
0x79: {  	_ =	shalt  }
0x7a: {  	_ =	shalt  }
0x7b: {  	_ =	shalt  }
0x7c: {  	_ =	shalt  }
0x7d: {  	_ =	shalt  }
0x7e: {  	_ =	shalt  }
0x7f: {  	_ =	shalt  }
0x80: {  	_ =	shalt  }
0x81: {  	_ =	shalt  }
0x82: {  	_ =	shalt  }
0x83: {  	_ =	shalt  }
0x84: {  	_ =	shalt  }
0x85: {  	_ =	shalt  }
0x86: {  	_ =	shalt  }
0x87: {  	_ =	shalt  }
.Lfunc_end0:
.L_simem_size_0:
called_computation.1_lowered:
.L_overlay_start_0:
0x88: {  	s2 =	sld [smem:$0x3FD9]  }
0x89: {  	s3 =	sld [smem:$0x3FFE];
	_ =	sdelay $0x1  }
0x8a: {  	s1 =	srdreg.scid  }
0x8b: {  	s0 =	sand.u32 $0x1, s1  }
0x8c: {  	s16 =	sshll.u32 s0, $0xA;
	s2 =	sadd.s32 s3, s2  }
0x8d: {  	s2 =	sadd.s32 s2, s16  }
0x8e: {  	[smem:$0x3FC6] =	sst s2  }
0x8f: {  	_ = 	snop  }
0x90: {  	(tm) =	ssettm $0x1  }
0x91: {  	s17 =	sld [smem:$0x3FFB];
	_ =	sdelay $0x3  }
0x92: {  	_ =	strace s17  }
0x93: {  	s2 =	sld [smem:$0x3FFC];
	_ =	sdelay $0x3  }
0x94: {  	_ =	strace s2  }
0x95: {  	s2 =	sld [smem:$0x3FFD];
	_ =	sdelay $0x3  }
0x96: {  	_ =	strace s2  }
0x97: {  	_ =	strace $0x8FFFFFFF  }
0x98: {  	s18 =	sld [smem:$0x3FDB];
	_ =	sdelay $0x1  }
0x99: {  	s19 =	simm.s32 $_scs_section_size  }
0x9a: {  	s4 =	simm.s32 $_size__tile_overlayer_lowered;
	s5 =	simm.s32 $_tile_overlayer_lowered  }
0x9b: {  	s22 =	simm.s32 $0x1BFF;
	s21 =	sshll.u32 s5, $0x1;
	s2 =	sadd.s32 s19, s18  }
0x9c: {  	s6 =	simm.s32 $0x0;
	s20 =	sshll.u32 s4, $0x1;
	s4 =	sadd.s32 s21, s2  }
0x9d: {  	[timem:s6], [sflag:s22] =	dma.local [hbm:s4], s20  }
0x9e: {  	_ =	swait.ge [sflag:s22], s20  }
0x9f: {  	s3 =	ssub.s32 $0x0, s20;
	[sflag:s22] =	ssyncset.done $0x0  }
0xa0: {  	[sflag:s22] =	ssyncadd.s32 s3;
	_ =	sdelay $0x1  }
0xa1: {  	s23 =	simm.s32 $0x1B8B  }
0xa2: {  	_ =	swait.ge [sflag:s23], $0x1  }
0xa3: {  	[sflag:s23] =	ssyncset.done $0x0  }
0xa4: {  	s25 =	simm.s32 $0x1B8E;
	s24 =	sld [smem:$0x3FFE];
	[sflag:s23] =	ssyncadd.s32 $0xFFFFFFFF  }
0xa5: {  	s26 =	simm.s32 $execute0_lowered;
	[smem:$0x3FD2] =	sst s25  }
0xa6: {  	s4 =	sshll.u32 s26, $0x1;
	_ =	strace $0x80000046;
	[dreg:$0x1] =	wrdreg $0xFFFFFFFF  }
0xa7: {  	s28 =	simm.s32 $_size_execute0_lowered;
	s2 =	sadd.s32 s2, s4;
	[dreg:$0x0] =	wrdreg $0x0  }
0xa8: {  	s4 =	sshll.u32 s28, $0x1;
	[dreg:$0x2] =	wrdreg s2  }
0xa9: {  	[dreg:$0x3] =	wrdreg s4  }
0xaa: {  	[dreg:$0x4] =	wrdreg $0xC0  }
0xab: {  	_ =	task [dreg:s6], $0x5FFFF  }
0xac: {  	[dreg:$0x1] =	wrdreg $0xFFFFFFFF  }
0xad: {  	[dreg:$0x0] =	wrdreg $0x60  }
0xae: {  	[dreg:$0x2] =	wrdreg s24  }
0xaf: {  	[dreg:$0x3] =	wrdreg $0xA  }
0xb0: {  	_ =	task.clear_ibuf [dreg:s6], $0x4FFFF;
	_ =	strace $0x90000046  }
0xb1: {  	s29 =	simm.s32 $0xA;
	_ =	strace $0x80000048  }
0xb2: {  	_ =	swait.ge [sflag:s29], $0x1  }
0xb3: {  	[sflag:s29] =	ssyncadd.s32 $0xFFFFFFFF  }
0xb4: {  	_ =	strace $0x90000048  }
0xb5: {  	_ =	sfence  }
0xb6: {  	s30 =	sld [smem:$0x0];
	_ =	sdelay $0x2  }
0xb7: {  	s31 =	sshll.u32 s1, $0xD;
	s1 =	sshrl.u32 s1, $0x2  }
0xb8: {  	s3 =	sand.u32 $0x4000, s31;
	s1 =	sadd.s32 s1, s30  }
0xb9: {  	s0 =	sor.u32 s3, s0;
	s1 =	sshll.u32 s1, $0x11  }
0xba: {  	s0 =	sor.u32 s1, s0  }
0xbb: {  	s0 =	sadd.s32 $0x8F2B, s0  }
0xbc: {  	[sflag:s0] =	ssyncadd.remote.s32 $0x1  }
0xbd: {  	_ =	sfence.sel $0xFFFF  }
0xbe: {  	[dreg:$0x0] =	wrdreg $0xFFFFFFFF;
	(pc) =	sbr.abs _section_cstart, $3  }
0xbf: {  	[dreg:$0x1] =	wrdreg $0xFFFFFFFF  }
0xc0: {  	_ =	task.clear_ibuf [dreg:s6], $0x2FFFF;
	_ =	strace $0x9FFFFFFF  }
0xc1: {  	(tm) =	ssettm $0x7FFFFFFF  }
tec
execute0_lowered:
.L_overlay_start_1:
0x0: {  	(tag) =	ssettag $0x1  }
0x1: {  	s0 =	rddreg [dreg:$0x0]  }
0x2: {  	s1 =	srdreg.scid;
	s10 =	stileid.u32;
	s2 =	simm.s32 $0x0  }
0x3: {  	s20 =	simm.s32 $0x1100;
	s28 =	simm.s32 $0x2900;
	s29 =	simm.s32 $0x6100  }
0x4: {  	s30 =	simm.s32 $0x6900;
	s31 =	simm.s32 $0x3100;
	s17 =	simm.s32 $0x7900  }
0x5: {  	s19 =	simm.s32 $0x3;
	s15 =	simm.s32 $0x0;
	s1 =	sand.u32 $0x1, s1  }
0x6: {  	s3 =	sshll.u32 s10, $0x9;
	[smem:$0x7FF] =	sst s2;
	s8 =	sadd.s32 $0x183800, s0  }
0x7: {  	s14 =	sadd.s32 $0x203800, s0;
	s22 =	sshll.u32 s10, $0xF;
	s4 =	sshll.u32 s1, $0x8  }
0x8: {  	_ =	strace $0x80000047;
	s7 =	ssub.s32 $0x2, s1;
	s23 =	sadd.s32 s22, s14  }
0x9: {  	s1 =	sshll.u32 s1, $0xE;
	s5 =	sor.u32 s4, s3;
	s3 =	sadd.s32 $0x143400, s0  }
0xa: {  	s4 =	sadd.s32 $0x103400, s0;
	s9 =	sshrl.u32 s7, $0x1;
	s6 =	sshrl.u32 s5, $0x3  }
0xb: {  	s9 =	ssub.s32 s7, s9;
	s7 =	sadd.s32 $0x103500, s0;
	s5 =	sshll.u32 s5, $0x6  }
0xc: {  	s6 =	sadd.s32 s6, s0;
	s9 =	smax.u32 s9, $0x1;
	s24 =	sadd.s32 s5, s14  }
0xd: {  	s25 =	sadd.s32 s5, s8;
	s26 =	sor.u32 $0x400, s5;
	s5 =	simm.s32 $0x4  }
0xe: {  	s6 =	sadd.s32 $0x183400, s6;
	[dreg:$0x3] =	wrdreg s9;
	s9 =	sadd.s32 s1, s23  }
.Ltmp0:
0xf: {  	s11 =	sadd.s32 $0x600, s24;
	s12 =	sadd.s32 $0x600, s25;
	(pc) =	sbr.rel .LBB2_1-.Ltmp0, $4  }
0x10: {  	s13 =	sadd.s32 s26, s8;
	s14 =	sadd.s32 s26, s14;
	s24 =	simm.s32 $0x1  }
0x11: {  	v0 =	vlaneseq.u32;
	s25 =	simm.s32 $0x2;
	s26 =	simm.s32 $0x2100;
	[dreg:$0x2] =	wrdreg s6  }
0x12: {  	v1 =	vshrl.u32 v0, $0x3;
	s6 =	sadd.s32 $0x143500, s0;
	s0 =	sadd.s32 s22, s8;
	s22 =	simm.s32 $0x5100  }
0x13: {  	vm0 =	vmmov $0xffff;
	v0 =	vand.u32 $0x7, v0;
	v1 =	vmul.u32 $0x8, v1;
	s10 =	sadd.s32 s1, s0;
	s0 =	simm.s32 $0x3900;
	s1 =	simm.s32 $0x7100  }
.LBB2_4:
0x14: {  	_ =	swait.ge [sflag:s19], $0x1000  }
0x15: {  	[sflag:s19] =	ssyncset.done $0x0  }
0x16: {  	[sflag:s19] =	ssyncadd.s32 $0xFFFFF000  }
0x17: {  	_ =	swait.ge [sflag:s5], $0x1000  }
0x18: {  	[sflag:s5] =	ssyncset.done $0x0  }
0x19: {  	[sflag:s5] =	ssyncadd.s32 $0xFFFFF000  }
0x1a: {  	_ =	swait.ge [sflag:s19], $0x1000  }
0x1b: {  	[sflag:s19] =	ssyncset.done $0x0  }
0x1c: {  	[sflag:s19] =	ssyncadd.s32 $0xFFFFF000  }
0x1d: {  	_ =	swait.ge [sflag:s5], $0x1000  }
0x1e: {  	s15 =	rddreg [dreg:$0x4]  }
0x1f: {  	s8 =	rddreg [dreg:$0x3];
	s15 =	sadd.s32 $0x1, s15  }
0x20: {  	p0 =	sne.s32 s15, s8  }
.Ltmp1:
0x21: {  	_ = 	snop;
	(pc) =	sbr.rel @!p0 .LBB2_5-.Ltmp1, $3  }
0x22: {  	_ =	sdelay $0x1  }
0x23: {  	[sflag:s5] =	ssyncset.done $0x0  }
0x24: {  	[sflag:s5] =	ssyncadd.s32 $0xFFFFF000  }
.LBB2_1:
0x25: {  	[dreg:$0x4] =	wrdreg s15  }
0x26: {  	s8 =	rddreg [dreg:$0x2];
	s21 =	simm.s32 $0x5  }
0x27: {  	[tilespmem:s2], [sflag:$0x5] =	stream.linear.gather [hbm4b:s8+s2], $0x100, $0x38;
	[tilespmem:$0x8100] =	vst v63  }
0x28: {  	_ =	swait.ge [sflag:s21], $0x100  }
0x29: {  	[sflag:s21] =	ssyncset.done $0x0  }
0x2a: {  	[sflag:s21] =	ssyncadd.s32 $0xFFFFFF00  }
0x2b: {  	v2 =	vld.msk [tilespmem:$0x0], $0xff;
	_ =	sdelay $0x4  }
0x2c: {  	v3 =	vshll.u32 v2, $0x2  }
0x2d: {  	v2 =	vand.u32 $0x7, v2;
	v3 =	vand.u32 $0xFFFFFFE0, v3  }
0x2e: {  	v2 =	vor.u32 v2, v3  }
0x2f: {  	v2 =	vperm.xlane v2, v0;
	_ =	sdelay $0x1  }
0x30: {  	v2 =	vadd.s32 v1, v2;
	_ =	sdelay $0x3  }
0x31: {  	s23 =	simm.s32 $0x100  }
0x32: {  	[tilespmem:s23], [sflag:$0x1] =	stream.indirect_vreg.gather [hbm4b:s3+s2], $0x80, v2, vm0, $0xb8;
	[tilespmem:$0x8100] =	vst v63  }
0x33: {  	s15 =	simm.s32 $0x900  }
0x34: {  	[tilespmem:s15], [sflag:$0x1] =	stream.indirect_vreg.gather [hbm4b:s6+s2], $0x80, v2, vm0, $0xb8;
	[tilespmem:$0x8100] =	vst v63  }
0x35: {  	v2 =	vld.msk [tilespmem:$0x0], $0xff;
	_ =	sdelay $0x4  }
0x36: {  	v3 =	vshll.u32 v2, $0x2  }
0x37: {  	v2 =	vand.u32 $0x7, v2;
	v3 =	vand.u32 $0xFFFFFFE0, v3  }
0x38: {  	v2 =	vor.u32 v2, v3  }
0x39: {  	v2 =	vperm.xlane v2, v0;
	_ =	sdelay $0x1  }
0x3a: {  	v2 =	vadd.s32 v1, v2;
	_ =	sdelay $0x3  }
0x3b: {  	s16 =	simm.s32 $0x4100  }
0x3c: {  	[tilespmem:s16], [sflag:$0x2] =	stream.indirect_vreg.gather [hbm4b:s4+s2], $0x80, v2, vm0, $0xb8;
	[tilespmem:$0x8100] =	vst v63  }
0x3d: {  	s18 =	simm.s32 $0x4900  }
0x3e: {  	[tilespmem:s18], [sflag:$0x2] =	stream.indirect_vreg.gather [hbm4b:s7+s2], $0x80, v2, vm0, $0xb8;
	[tilespmem:$0x8100] =	vst v63  }
0x3f: {  	v2 =	vld.msk [tilespmem:$0x8], $0xff;
	_ =	sdelay $0x4  }
0x40: {  	v3 =	vshll.u32 v2, $0x2  }
0x41: {  	v2 =	vand.u32 $0x7, v2;
	v3 =	vand.u32 $0xFFFFFFE0, v3  }
0x42: {  	v2 =	vor.u32 v2, v3  }
0x43: {  	v2 =	vperm.xlane v2, v0;
	_ =	sdelay $0x1  }
0x44: {  	v2 =	vadd.s32 v1, v2;
	_ =	sdelay $0x4  }
0x45: {  	[tilespmem:s20], [sflag:$0x1] =	stream.indirect_vreg.gather [hbm4b:s3+s2], $0x80, v2, vm0, $0xb8;
	[tilespmem:$0x8100] =	vst v63  }
0x46: {  	s21 =	simm.s32 $0x1900  }
0x47: {  	[tilespmem:s21], [sflag:$0x1] =	stream.indirect_vreg.gather [hbm4b:s6+s2], $0x80, v2, vm0, $0xb8;
	[tilespmem:$0x8100] =	vst v63  }
0x48: {  	v2 =	vld.msk [tilespmem:$0x8], $0xff;
	_ =	sdelay $0x4  }
0x49: {  	v3 =	vshll.u32 v2, $0x2  }
0x4a: {  	v2 =	vand.u32 $0x7, v2;
	v3 =	vand.u32 $0xFFFFFFE0, v3  }
0x4b: {  	v2 =	vor.u32 v2, v3  }
0x4c: {  	v2 =	vperm.xlane v2, v0;
	_ =	sdelay $0x1  }
0x4d: {  	v2 =	vadd.s32 v1, v2;
	_ =	sdelay $0x4  }
0x4e: {  	[tilespmem:s22], [sflag:$0x2] =	stream.indirect_vreg.gather [hbm4b:s4+s2], $0x80, v2, vm0, $0xb8;
	[tilespmem:$0x8100] =	vst v63  }
0x4f: {  	s8 =	simm.s32 $0x0;
	s23 =	simm.s32 $0x5900;
	s15 =	simm.s32 $0x18  }
0x50: {  	[tilespmem:s23], [sflag:$0x2] =	stream.indirect_vreg.gather [hbm4b:s7+s2], $0x80, v2, vm0, $0xb8;
	[tilespmem:$0x8100] =	vst v63  }
.LBB2_2:
0x51: {  	_ =	swait.ge [sflag:s24], $0x1000  }
0x52: {  	[sflag:s24] =	ssyncset.done $0x0  }
0x53: {  	[sflag:s24] =	ssyncadd.s32 $0xFFFFF000  }
0x54: {  	_ =	swait.ge [sflag:s25], $0x1000  }
0x55: {  	s21 =	sadd.s32 s8, s10;
	[sflag:s25] =	ssyncset.done $0x0  }
0x56: {  	s16 =	simm.s32 $0x100;
	p0 =	seq.s32 s8, $0x0;
	[sflag:s25] =	ssyncadd.s32 $0xFFFFF000  }
0x57: {  	[hbm4b:s21+s2] =	stream.linear.scatter [tilespmem:s16], [sflag:$0x3], $0x1000, $0x38;
	[tilespmem:$0x8100] =	vst v63  }
0x58: {  	s23 =	sadd.s32 s8, s9;
	s18 =	simm.s32 $0x4100;
	s16 =	simm.s32 @!p0 $0x3  }
0x59: {  	[hbm4b:s23+s2] =	stream.linear.scatter [tilespmem:s18], [sflag:$0x4], $0x1000, $0x38;
	[tilespmem:$0x8100] =	vst v63  }
0x5a: {  	_ =	swait.ge @!p0 [sflag:s16], $0x1000  }
0x5b: {  	[sflag:s16] =	ssyncset.done @!p0 $0x0  }
0x5c: {  	s18 =	simm.s32 @!p0 $0x4;
	[sflag:s16] =	ssyncadd.s32 @!p0 $0xFFFFF000  }
0x5d: {  	_ =	swait.ge @!p0 [sflag:s18], $0x1000  }
0x5e: {  	[sflag:s18] =	ssyncset.done @!p0 $0x0  }
0x5f: {  	[sflag:s18] =	ssyncadd.s32 @!p0 $0xFFFFF000  }
0x60: {  	v2 =	vld.msk [tilespmem:s15+$0xFFFFFFF8], $0xff;
	_ =	sdelay $0x4  }
0x61: {  	v3 =	vshll.u32 v2, $0x2  }
0x62: {  	v2 =	vand.u32 $0x7, v2;
	v3 =	vand.u32 $0xFFFFFFE0, v3  }
0x63: {  	v2 =	vor.u32 v2, v3  }
0x64: {  	v2 =	vperm.xlane v2, v0;
	_ =	sdelay $0x1  }
0x65: {  	v2 =	vadd.s32 v1, v2;
	_ =	sdelay $0x4  }
0x66: {  	[tilespmem:s26], [sflag:$0x1] =	stream.indirect_vreg.gather [hbm4b:s3+s2], $0x80, v2, vm0, $0xb8;
	[tilespmem:$0x8100] =	vst v63  }
0x67: {  	_ = 	snop  }
0x68: {  	[tilespmem:s28], [sflag:$0x1] =	stream.indirect_vreg.gather [hbm4b:s6+s2], $0x80, v2, vm0, $0xb8;
	[tilespmem:$0x8100] =	vst v63  }
0x69: {  	v2 =	vld.msk [tilespmem:s15+$0xFFFFFFF8], $0xff;
	_ =	sdelay $0x4  }
0x6a: {  	v3 =	vshll.u32 v2, $0x2  }
0x6b: {  	v2 =	vand.u32 $0x7, v2;
	v3 =	vand.u32 $0xFFFFFFE0, v3  }
0x6c: {  	v2 =	vor.u32 v2, v3  }
0x6d: {  	v2 =	vperm.xlane v2, v0;
	_ =	sdelay $0x1  }
0x6e: {  	v2 =	vadd.s32 v1, v2;
	_ =	sdelay $0x4  }
0x6f: {  	[tilespmem:s29], [sflag:$0x2] =	stream.indirect_vreg.gather [hbm4b:s4+s2], $0x80, v2, vm0, $0xb8;
	[tilespmem:$0x8100] =	vst v63  }
0x70: {  	_ = 	snop  }
0x71: {  	[tilespmem:s30], [sflag:$0x2] =	stream.indirect_vreg.gather [hbm4b:s7+s2], $0x80, v2, vm0, $0xb8;
	[tilespmem:$0x8100] =	vst v63  }
0x72: {  	_ =	swait.ge [sflag:s24], $0x1000  }
0x73: {  	[sflag:s24] =	ssyncset.done $0x0  }
0x74: {  	[sflag:s24] =	ssyncadd.s32 $0xFFFFF000  }
0x75: {  	_ =	swait.ge [sflag:s25], $0x1000  }
0x76: {  	[sflag:s25] =	ssyncset.done $0x0  }
0x77: {  	s21 =	sadd.s32 $0x200, s21;
	[sflag:s25] =	ssyncadd.s32 $0xFFFFF000  }
0x78: {  	[hbm4b:s21+s2] =	stream.linear.scatter [tilespmem:s20], [sflag:$0x3], $0x1000, $0x38;
	[tilespmem:$0x8100] =	vst v63  }
0x79: {  	s23 =	sadd.s32 $0x200, s23  }
0x7a: {  	[hbm4b:s23+s2] =	stream.linear.scatter [tilespmem:s22], [sflag:$0x4], $0x1000, $0x38;
	[tilespmem:$0x8100] =	vst v63  }
0x7b: {  	_ =	swait.ge @!p0 [sflag:s16], $0x1000  }
0x7c: {  	[sflag:s16] =	ssyncset.done @!p0 $0x0  }
0x7d: {  	[sflag:s16] =	ssyncadd.s32 @!p0 $0xFFFFF000  }
0x7e: {  	_ =	swait.ge @!p0 [sflag:s18], $0x1000  }
0x7f: {  	[sflag:s18] =	ssyncset.done @!p0 $0x0  }
0x80: {  	[sflag:s18] =	ssyncadd.s32 @!p0 $0xFFFFF000  }
0x81: {  	v2 =	vld.msk [tilespmem:s15+$0x0], $0xff;
	_ =	sdelay $0x4  }
0x82: {  	v3 =	vshll.u32 v2, $0x2  }
0x83: {  	v2 =	vand.u32 $0x7, v2;
	v3 =	vand.u32 $0xFFFFFFE0, v3  }
0x84: {  	v2 =	vor.u32 v2, v3  }
0x85: {  	v2 =	vperm.xlane v2, v0;
	_ =	sdelay $0x1  }
0x86: {  	v2 =	vadd.s32 v1, v2;
	_ =	sdelay $0x4  }
0x87: {  	[tilespmem:s31], [sflag:$0x1] =	stream.indirect_vreg.gather [hbm4b:s3+s2], $0x80, v2, vm0, $0xb8;
	[tilespmem:$0x8100] =	vst v63  }
0x88: {  	_ = 	snop  }
0x89: {  	[tilespmem:s0], [sflag:$0x1] =	stream.indirect_vreg.gather [hbm4b:s6+s2], $0x80, v2, vm0, $0xb8;
	[tilespmem:$0x8100] =	vst v63  }
0x8a: {  	v2 =	vld.msk [tilespmem:s15+$0x0], $0xff;
	_ =	sdelay $0x4  }
0x8b: {  	v3 =	vshll.u32 v2, $0x2  }
0x8c: {  	v2 =	vand.u32 $0x7, v2;
	v3 =	vand.u32 $0xFFFFFFE0, v3  }
0x8d: {  	v2 =	vor.u32 v2, v3  }
0x8e: {  	v2 =	vperm.xlane v2, v0;
	_ =	sdelay $0x1  }
0x8f: {  	v2 =	vadd.s32 v1, v2;
	_ =	sdelay $0x4  }
0x90: {  	[tilespmem:s1], [sflag:$0x2] =	stream.indirect_vreg.gather [hbm4b:s4+s2], $0x80, v2, vm0, $0xb8;
	[tilespmem:$0x8100] =	vst v63  }
0x91: {  	_ = 	snop  }
0x92: {  	[tilespmem:s17], [sflag:$0x2] =	stream.indirect_vreg.gather [hbm4b:s7+s2], $0x80, v2, vm0, $0xb8;
	[tilespmem:$0x8100] =	vst v63  }
0x93: {  	_ =	swait.ge [sflag:s24], $0x1000  }
0x94: {  	[sflag:s24] =	ssyncset.done $0x0  }
0x95: {  	[sflag:s24] =	ssyncadd.s32 $0xFFFFF000  }
0x96: {  	_ =	swait.ge [sflag:s25], $0x1000  }
0x97: {  	[sflag:s25] =	ssyncset.done $0x0  }
0x98: {  	s23 =	sadd.s32 s8, s13;
	[sflag:s25] =	ssyncadd.s32 $0xFFFFF000  }
0x99: {  	[hbm4b:s23+s2] =	stream.linear.scatter [tilespmem:s26], [sflag:$0x3], $0x1000, $0x38;
	[tilespmem:$0x8100] =	vst v63  }
0x9a: {  	s18 =	sadd.s32 s8, s14  }
0x9b: {  	[hbm4b:s18+s2] =	stream.linear.scatter [tilespmem:s29], [sflag:$0x4], $0x1000, $0x38;
	[tilespmem:$0x8100] =	vst v63  }
0x9c: {  	_ =	swait.ge [sflag:s19], $0x1000  }
0x9d: {  	[sflag:s19] =	ssyncset.done $0x0  }
0x9e: {  	[sflag:s19] =	ssyncadd.s32 $0xFFFFF000  }
0x9f: {  	_ =	swait.ge [sflag:s5], $0x1000  }
0xa0: {  	[sflag:s5] =	ssyncset.done $0x0  }
0xa1: {  	p0 =	seq.s32 s8, $0x3800;
	[sflag:s5] =	ssyncadd.s32 $0xFFFFF000  }
0xa2: {  	v2 =	vld.msk @!p0 [tilespmem:s15+$0x8], $0xff;
	_ =	sdelay $0x4  }
0xa3: {  	v3 =	vshll.u32 @!p0 v2, $0x2  }
0xa4: {  	v4 =	vlaneseq.u32 @!p0;
	v2 =	vand.u32 @!p0 $0x7, v2;
	v3 =	vand.u32 @!p0 $0xFFFFFFE0, v3  }
0xa5: {  	v2 =	vor.u32 @!p0 v2, v3;
	v3 =	vand.u32 @!p0 $0x7, v4;
	v4 =	vshrl.u32 @!p0 v4, $0x3  }
0xa6: {  	v2 =	vperm.xlane @!p0 v2, v3;
	v4 =	vmul.u32 @!p0 $0x8, v4;
	_ =	sdelay $0x1  }
0xa7: {  	v2 =	vadd.s32 @!p0 v4, v2;
	_ =	sdelay $0x3  }
0xa8: {  	vm1 =	vmmov @!p0 $0xffff;
	s16 =	simm.s32 @!p0 $0x0;
	s18 =	simm.s32 @!p0 $0x100  }
0xa9: {  	[tilespmem:s18], [sflag:$0x1] =	stream.indirect_vreg.gather @!p0 [hbm4b:s3+s16], $0x80, v2, vm1, $0xb8;
	[tilespmem:$0x8100] =	vst v63  }
0xaa: {  	s18 =	simm.s32 @!p0 $0x900  }
0xab: {  	[tilespmem:s18], [sflag:$0x1] =	stream.indirect_vreg.gather @!p0 [hbm4b:s6+s16], $0x80, v2, vm1, $0xb8;
	[tilespmem:$0x8100] =	vst v63  }
0xac: {  	v2 =	vld.msk @!p0 [tilespmem:s15+$0x8], $0xff;
	_ =	sdelay $0x4  }
0xad: {  	v5 =	vshll.u32 @!p0 v2, $0x2  }
0xae: {  	v2 =	vand.u32 @!p0 $0x7, v2;
	v5 =	vand.u32 @!p0 $0xFFFFFFE0, v5  }
0xaf: {  	v2 =	vor.u32 @!p0 v2, v5  }
0xb0: {  	v2 =	vperm.xlane @!p0 v2, v3;
	_ =	sdelay $0x1  }
0xb1: {  	v2 =	vadd.s32 @!p0 v4, v2;
	_ =	sdelay $0x3  }
0xb2: {  	s18 =	simm.s32 @!p0 $0x4100  }
0xb3: {  	[tilespmem:s18], [sflag:$0x2] =	stream.indirect_vreg.gather @!p0 [hbm4b:s4+s16], $0x80, v2, vm1, $0xb8;
	[tilespmem:$0x8100] =	vst v63  }
0xb4: {  	s18 =	simm.s32 @!p0 $0x4900  }
0xb5: {  	[tilespmem:s18], [sflag:$0x2] =	stream.indirect_vreg.gather @!p0 [hbm4b:s7+s16], $0x80, v2, vm1, $0xb8;
	[tilespmem:$0x8100] =	vst v63  }
0xb6: {  	_ =	swait.ge [sflag:s24], $0x1000  }
0xb7: {  	[sflag:s24] =	ssyncset.done $0x0  }
0xb8: {  	[sflag:s24] =	ssyncadd.s32 $0xFFFFF000  }
0xb9: {  	_ =	swait.ge [sflag:s25], $0x1000  }
0xba: {  	[sflag:s25] =	ssyncset.done $0x0  }
0xbb: {  	s21 =	sadd.s32 s8, s12;
	[sflag:s25] =	ssyncadd.s32 $0xFFFFF000  }
0xbc: {  	[hbm4b:s21+s2] =	stream.linear.scatter [tilespmem:s31], [sflag:$0x3], $0x1000, $0x38;
	[tilespmem:$0x8100] =	vst v63  }
0xbd: {  	s23 =	sadd.s32 s8, s11  }
0xbe: {  	[hbm4b:s23+s2] =	stream.linear.scatter [tilespmem:s1], [sflag:$0x4], $0x1000, $0x38;
	[tilespmem:$0x8100] =	vst v63  }
0xbf: {  	_ =	swait.ge [sflag:s19], $0x1000  }
.Ltmp2:
0xc0: {  	[sflag:s19] =	ssyncset.done $0x0;
	(pc) =	sbr.rel @p0 .LBB2_4-.Ltmp2, $4  }
0xc1: {  	[sflag:s19] =	ssyncadd.s32 $0xFFFFF000  }
0xc2: {  	_ =	swait.ge [sflag:s5], $0x1000  }
0xc3: {  	[sflag:s5] =	ssyncset.done $0x0  }
0xc4: {  	[sflag:s5] =	ssyncadd.s32 $0xFFFFF000  }
0xc5: {  	v2 =	vld.msk [tilespmem:s15+$0x10], $0xff;
	_ =	sdelay $0x4  }
0xc6: {  	v3 =	vshll.u32 v2, $0x2  }
0xc7: {  	v2 =	vand.u32 $0x7, v2;
	v3 =	vand.u32 $0xFFFFFFE0, v3  }
0xc8: {  	v2 =	vor.u32 v2, v3  }
0xc9: {  	v2 =	vperm.xlane v2, v0;
	_ =	sdelay $0x1  }
0xca: {  	v2 =	vadd.s32 v1, v2;
	_ =	sdelay $0x4  }
0xcb: {  	[tilespmem:s20], [sflag:$0x1] =	stream.indirect_vreg.gather [hbm4b:s3+s2], $0x80, v2, vm0, $0xb8;
	[tilespmem:$0x8100] =	vst v63  }
0xcc: {  	s16 =	simm.s32 $0x1900  }
0xcd: {  	[tilespmem:s16], [sflag:$0x1] =	stream.indirect_vreg.gather [hbm4b:s6+s2], $0x80, v2, vm0, $0xb8;
	[tilespmem:$0x8100] =	vst v63  }
0xce: {  	v2 =	vld.msk [tilespmem:s15+$0x10], $0xff;
	_ =	sdelay $0x4  }
0xcf: {  	v3 =	vshll.u32 v2, $0x2  }
0xd0: {  	v2 =	vand.u32 $0x7, v2;
	v3 =	vand.u32 $0xFFFFFFE0, v3  }
0xd1: {  	v2 =	vor.u32 v2, v3  }
0xd2: {  	v2 =	vperm.xlane v2, v0;
	_ =	sdelay $0x1  }
0xd3: {  	v2 =	vadd.s32 v1, v2;
	_ =	sdelay $0x2  }
.Ltmp3:
0xd4: {  	_ = 	snop;
	(pc) =	sbr.rel .LBB2_2-.Ltmp3, $4  }
0xd5: {  	_ = 	snop  }
0xd6: {  	[tilespmem:s22], [sflag:$0x2] =	stream.indirect_vreg.gather [hbm4b:s4+s2], $0x80, v2, vm0, $0xb8;
	[tilespmem:$0x8100] =	vst v63  }
0xd7: {  	s23 =	simm.s32 $0x5900;
	s8 =	sadd.s32 $0x800, s8;
	s15 =	sadd.s32 $0x20, s15  }
0xd8: {  	[tilespmem:s23], [sflag:$0x2] =	stream.indirect_vreg.gather [hbm4b:s7+s2], $0x80, v2, vm0, $0xb8;
	[tilespmem:$0x8100] =	vst v63  }
.LBB2_5:
0xd9: {  	_ =	sfence.sel $0x180000  }
0xda: {  	[bflag:$0x0] =	sbarrier.arrive $0xFFFF  }
0xdb: {  	_ =	strace $0x90000047  }
0xdc: {  	s0 =	stileid.u32;
	[bflag:$0x2] =	sbarrier.arrive $0xFFFF  }
0xdd: {  	p0 =	sne.s32 s0, $0x0;
	s0 =	rddreg [dreg:$0x1]  }
0xde: {  	s0 =	sadd.s32 @!p0 $0x100000, s0  }
0xdf: {  	[sflag:s0] =	ssyncadd.tile.s32 @!p0 $0x1;
	_ =	shalt  }
.Lfunc_end2:
_tile_overlayer_lowered:
.L_overlay_start_2:
0xe0: {  	(tag) =	ssettag $0x2  }
0xe1: {  	s0 =	rddreg [dreg:$0x0];
	s2 =	stileid.u32  }
0xe2: {  	s1 =	rddreg [dreg:$0x1];
	p0 =	sne.s32 s2, $0x0  }
0xe3: {  	s3 =	rddreg [dreg:$0x2];
	[bflag:$0x3] =	sbarrier.arrive $0xFFFF;
	s2 =	simm.s32 @!p0 $0x1C05  }
0xe4: {  	[timem:s3], [sflag:s2] =	dma.local @!p0 [hbm:s0], s1  }
0xe5: {  	s0 =	simm.s32 @!p0 $0x5  }
0xe6: {  	_ =	swait.ge @!p0 [sflag:s0], s1  }
0xe7: {  	s1 =	ssub.s32 @!p0 $0x0, s1;
	[sflag:s0] =	ssyncset.done @!p0 $0x0  }
0xe8: {  	[sflag:s0] =	ssyncadd.s32 @!p0 s1  }
0xe9: {  	[bflag:$0x3] =	sbarrier.arrive $0xFFFF  }
0xea: {  	_ =	shalt  }

// kernel: kernel.9.cloned.1.call-start
scs
__scs_entry_jumppad:
0x0: {  	(pc) =	sbr.rel $0x88, $3  }
0x1: {  	(tag) =	ssettag $0x0;
	lr =	simm.s32 $0x1  }
0x2: {  	[smem:$0x3F9F] =	sst lr;
	_ =	strace $0xD0000000  }
0x3: {  	_ = 	snop  }
0x4: {  	_ = 	snop  }
0x5: {  	_ = 	snop  }
0x6: {  	_ = 	snop  }
0x7: {  	_ = 	snop  }
__scs_overlays_trampoline_lowered:
0x8: {  	[smem:$0x3FAE] =	sst s0  }
0x9: {  	[smem:$0x3FAF] =	sst s1  }
0xa: {  	[smem:$0x3FB0] =	sst s2  }
0xb: {  	[smem:$0x3FB1] =	sst s3  }
0xc: {  	[smem:$0x3FB2] =	sst s4  }
0xd: {  	[smem:$0x3FB3] =	sst s5  }
0xe: {  	[smem:$0x3FB4] =	sst s6  }
0xf: {  	[smem:$0x3FB5] =	sst s7  }
0x10: {  	[smem:$0x3FB6] =	sst s8  }
0x11: {  	[smem:$0x3FB7] =	sst s9;
	s0 =	simm.s32 @!p0 $0x0  }
0x12: {  	s1 =	sld [smem:$0x3F9D];
	s0 =	simm.s32 @p0 $0x1  }
0x13: {  	[smem:$0x3FB8] =	sst s0;
	s0 =	simm.s32 @!p1 $0x0  }
0x14: {  	s2 =	sld [smem:$0x3F9C];
	s0 =	simm.s32 @p1 $0x1  }
0x15: {  	[smem:$0x3FB9] =	sst s0;
	s0 =	simm.s32 @!p2 $0x0  }
0x16: {  	s3 =	sld [smem:$0x3FDB];
	s0 =	simm.s32 @p2 $0x1  }
0x17: {  	s4 =	simm.s32 $0x1BF5;
	[smem:$0x3FBB] =	sst s0  }
0x18: {  	s0 =	sld [smem:$0x3F9E];
	_ =	swait.ge [sflag:s4], $0x0  }
0x19: {  	s7 =	sld [smem:$0x3F9F]  }
0x1a: {  	s8 =	sadd.s32 $0xFFFFE003, lr  }
0x1b: {  	s9 =	sadd.s32 $0xFFFFFEF7, lr;
	s5 =	simm.s32 $0xFFFFFFFF;
	p2 =	slt.u32 s8, $0xFFFFF086  }
0x1c: {  	p1 =	slt.u32 s9, $0xF7A;
	s5 =	simm.s32 @!p2 $0x0  }
0x1d: {  	s5 =	simm.s32 @p1 $0x1;
	p0 =	seq.s32 s7, s2  }
0x1e: {  	s7 =	smul.u32 @!p0 $0xF7A, s2;
	p2 =	seq.s32 @!p0 s5, $0x0  }
0x1f: {  	s9 =	smul.u32 $0xF7A, s1;
	s8 =	simm.s32 @!p0 $0x1BF5;
	p2 =	por !p2, p0  }
0x20: {  	[sflag:s8] =	ssyncset.s32 @!p0 $0xFFFFF086;
	s6 =	sadd.s32 @!p0 s3, s7;
	s7 =	simm.s32 @!p0 $0x108  }
0x21: {  	s3 =	sadd.s32 s3, s9;
	s6 =	sadd.s32 @!p0 $0x88, s6;
	s7 =	simm.s32 @p2 $0x1082  }
0x22: {  	[simem:s7], [sflag:s8] =	dma.local @!p0 [hbm:s6], $0xF7A  }
0x23: {  	s9 =	sor.u32 $0xD0000000, s2;
	s6 =	simm.s32 $0x108;
	_ =	swait.ge @!p0 [sflag:s8], $0x0  }
0x24: {  	s3 =	sadd.s32 $0x88, s3;
	s6 =	simm.s32 @!p1 $0x1082;
	[sflag:s4] =	ssyncset.s32 $0xFFFFF086  }
0x25: {  	[simem:s6], [sflag:s4] =	dma.local [hbm:s3], $0xF7A  }
0x26: {  	[smem:$0x3F9F] =	sst s1;
	(tag) =	ssettag s2;
	_ =	strace s9  }
0x27: {  	s1 =	sld [smem:$0x3FAF]  }
0x28: {  	s2 =	sld [smem:$0x3FB0]  }
0x29: {  	s4 =	sld [smem:$0x3FB2]  }
0x2a: {  	p0 =	seq.s32 s5, $0x0;
	s5 =	sld [smem:$0x3FB3]  }
0x2b: {  	s6 =	sld [smem:$0x3FB4]  }
0x2c: {  	s7 =	sld [smem:$0x3FB5]  }
0x2d: {  	s3 =	simm.s32 $0x108;
	s8 =	sld [smem:$0x3FB6]  }
0x2e: {  	s3 =	simm.s32 @!p0 $0x1082;
	s9 =	sld [smem:$0x3FB7]  }
0x2f: {  	lr =	sadd.s32 s0, s3;
	s0 =	sld [smem:$0x3FAE]  }
0x30: {  	s3 =	sld [smem:$0x3FB1]  }
0x31: {  	[smem:$0x3FBA] =	sst s10  }
0x32: {  	s10 =	sld [smem:$0x3FB8];
	_ =	sdelay $0x3  }
0x33: {  	p0 =	seq.s32 s10, $0x1;
	s10 =	sld [smem:$0x3FBA];
	_ =	sdelay $0x3  }
0x34: {  	[smem:$0x3FBA] =	sst s10  }
0x35: {  	s10 =	sld [smem:$0x3FB9];
	_ =	sdelay $0x3  }
0x36: {  	p1 =	seq.s32 s10, $0x1;
	s10 =	sld [smem:$0x3FBA];
	_ =	sdelay $0x3  }
0x37: {  	[smem:$0x3FBA] =	sst s10  }
0x38: {  	s10 =	sld [smem:$0x3FBB]  }
0x39: {  	_ = 	snop;
	(pc) =	sbr.ind lr, $3  }
0x3a: {  	_ = 	snop  }
0x3b: {  	_ = 	snop  }
0x3c: {  	p2 =	seq.s32 s10, $0x1;
	s10 =	sld [smem:$0x3FBA]  }
0x3d: {  	_ =	shalt  }
0x3e: {  	_ =	shalt  }
0x3f: {  	_ =	shalt  }
0x40: {  	_ =	shalt  }
0x41: {  	_ =	shalt  }
0x42: {  	_ =	shalt  }
0x43: {  	_ =	shalt  }
0x44: {  	_ =	shalt  }
0x45: {  	_ =	shalt  }
0x46: {  	_ =	shalt  }
0x47: {  	_ =	shalt  }
0x48: {  	_ =	shalt  }
0x49: {  	_ =	shalt  }
0x4a: {  	_ =	shalt  }
0x4b: {  	_ =	shalt  }
0x4c: {  	_ =	shalt  }
0x4d: {  	_ =	shalt  }
0x4e: {  	_ =	shalt  }
0x4f: {  	_ =	shalt  }
0x50: {  	_ =	shalt  }
0x51: {  	_ =	shalt  }
0x52: {  	_ =	shalt  }
0x53: {  	_ =	shalt  }
0x54: {  	_ =	shalt  }
0x55: {  	_ =	shalt  }
0x56: {  	_ =	shalt  }
0x57: {  	_ =	shalt  }
0x58: {  	_ =	shalt  }
0x59: {  	_ =	shalt  }
0x5a: {  	_ =	shalt  }
0x5b: {  	_ =	shalt  }
0x5c: {  	_ =	shalt  }
0x5d: {  	_ =	shalt  }
0x5e: {  	_ =	shalt  }
0x5f: {  	_ =	shalt  }
0x60: {  	_ =	shalt  }
0x61: {  	_ =	shalt  }
0x62: {  	_ =	shalt  }
0x63: {  	_ =	shalt  }
0x64: {  	_ =	shalt  }
0x65: {  	_ =	shalt  }
0x66: {  	_ =	shalt  }
0x67: {  	_ =	shalt  }
0x68: {  	_ =	shalt  }
0x69: {  	_ =	shalt  }
0x6a: {  	_ =	shalt  }
0x6b: {  	_ =	shalt  }
0x6c: {  	_ =	shalt  }
0x6d: {  	_ =	shalt  }
0x6e: {  	_ =	shalt  }
0x6f: {  	_ =	shalt  }
0x70: {  	_ =	shalt  }
0x71: {  	_ =	shalt  }
0x72: {  	_ =	shalt  }
0x73: {  	_ =	shalt  }
0x74: {  	_ =	shalt  }
0x75: {  	_ =	shalt  }
0x76: {  	_ =	shalt  }
0x77: {  	_ =	shalt  }
0x78: {  	_ =	shalt  }
0x79: {  	_ =	shalt  }
0x7a: {  	_ =	shalt  }
0x7b: {  	_ =	shalt  }
0x7c: {  	_ =	shalt  }
0x7d: {  	_ =	shalt  }
0x7e: {  	_ =	shalt  }
0x7f: {  	_ =	shalt  }
0x80: {  	_ =	shalt  }
0x81: {  	_ =	shalt  }
0x82: {  	_ =	shalt  }
0x83: {  	_ =	shalt  }
0x84: {  	_ =	shalt  }
0x85: {  	_ =	shalt  }
0x86: {  	_ =	shalt  }
0x87: {  	_ =	shalt  }
.Lfunc_end0:
.L_simem_size_0:
called_computation_lowered:
.L_overlay_start_0:
0x88: {  	s2 =	sld [smem:$0x3FD9]  }
0x89: {  	s3 =	sld [smem:$0x3FFE];
	_ =	sdelay $0x1  }
0x8a: {  	s1 =	srdreg.scid  }
0x8b: {  	s0 =	sand.u32 $0x1, s1  }
0x8c: {  	s17 =	sshll.u32 s0, $0xA;
	s2 =	sadd.s32 s3, s2  }
0x8d: {  	s2 =	sadd.s32 s2, s17  }
0x8e: {  	[smem:$0x3FC6] =	sst s2  }
0x8f: {  	_ = 	snop  }
0x90: {  	(tm) =	ssettm $0x1  }
0x91: {  	s18 =	sld [smem:$0x3FFB];
	_ =	sdelay $0x3  }
0x92: {  	_ =	strace s18  }
0x93: {  	s2 =	sld [smem:$0x3FFC];
	_ =	sdelay $0x3  }
0x94: {  	_ =	strace s2  }
0x95: {  	s2 =	sld [smem:$0x3FFD];
	_ =	sdelay $0x3  }
0x96: {  	_ =	strace s2  }
0x97: {  	_ =	strace $0x8FFFFFFF  }
0x98: {  	s19 =	sld [smem:$0x3FDB];
	_ =	sdelay $0x1  }
0x99: {  	s20 =	simm.s32 $_scs_section_size  }
0x9a: {  	s4 =	simm.s32 $_size__tile_overlayer_lowered;
	s5 =	simm.s32 $_tile_overlayer_lowered  }
0x9b: {  	s6 =	simm.s32 $0x1BFF;
	s21 =	sshll.u32 s5, $0x1;
	s3 =	sadd.s32 s20, s19  }
0x9c: {  	s22 =	simm.s32 $0x0;
	s4 =	sshll.u32 s4, $0x1;
	s5 =	sadd.s32 s21, s3  }
0x9d: {  	[timem:s22], [sflag:s6] =	dma.local [hbm:s5], s4  }
0x9e: {  	_ =	swait.ge [sflag:s6], s4  }
0x9f: {  	s4 =	ssub.s32 $0x0, s4;
	[sflag:s6] =	ssyncset.done $0x0  }
0xa0: {  	[sflag:s6] =	ssyncadd.s32 s4;
	_ =	sdelay $0x1  }
0xa1: {  	s23 =	simm.s32 $0x1B8B  }
0xa2: {  	_ =	swait.ge [sflag:s23], $0x1  }
0xa3: {  	[sflag:s23] =	ssyncset.done $0x0  }
0xa4: {  	[sflag:s23] =	ssyncadd.s32 $0xFFFFFFFF  }
0xa5: {  	s4 =	sld [smem:$0x0]  }
0xa6: {  	s5 =	sand.u32 $0xFFFFFFFE, s1  }
0xa7: {  	p0 =	sne.s32 s1, s5  }
0xa8: {  	s5 =	sshll.u32 @p0 s5, $0xE  }
0xa9: {  	s5 =	sadd.s32 @p0 $0x11B8D, s5;
	s6 =	sshll.u32 @p0 s4, $0x11  }
0xaa: {  	s5 =	sor.u32 @p0 s6, s5  }
0xab: {  	[sflag:s5] =	ssyncadd.remote.s32 @p0 $0x1;
	_ =	sdelay $0x1  }
0xac: {  	s5 =	simm.s32 @p0 $0x1B8D  }
0xad: {  	_ =	swait.eq @p0 [sflag:s5], $0x1  }
0xae: {  	[sflag:s5] =	ssyncadd.s32 @p0 $0xFFFFFFFF  }
0xaf: {  	s6 =	sshll.u32 @!p0 s1, $0xE  }
0xb0: {  	s6 =	sor.u32 @!p0 $0x4000, s6;
	s5 =	simm.s32 @!p0 $0x1B8D  }
0xb1: {  	s4 =	sshll.u32 @!p0 s4, $0x11;
	s6 =	sadd.s32 @!p0 $0x11B8D, s6;
	_ =	swait.eq @!p0 [sflag:s5], $0x1  }
0xb2: {  	s4 =	sor.u32 @!p0 s4, s6;
	[sflag:s5] =	ssyncadd.s32 @!p0 $0xFFFFFFFF  }
0xb3: {  	s25 =	simm.s32 $0x1B8E;
	s24 =	sld [smem:$0x3FFE];
	[sflag:s4] =	ssyncadd.remote.s32 @!p0 $0x1  }
0xb4: {  	s26 =	simm.s32 $execute0_lowered;
	[smem:$0x3FD2] =	sst s25  }
0xb5: {  	s5 =	sshll.u32 s26, $0x1;
	_ =	strace $0x80000049;
	[dreg:$0x1] =	wrdreg $0xFFFFFFFF  }
0xb6: {  	s28 =	simm.s32 $_size_execute0_lowered;
	s3 =	sadd.s32 s3, s5;
	[dreg:$0x0] =	wrdreg $0x0  }
0xb7: {  	s5 =	sshll.u32 s28, $0x1;
	[dreg:$0x2] =	wrdreg s3  }
0xb8: {  	[dreg:$0x3] =	wrdreg s5  }
0xb9: {  	[dreg:$0x4] =	wrdreg $0xC0  }
0xba: {  	_ =	task [dreg:s22], $0x5FFFF  }
0xbb: {  	[dreg:$0x1] =	wrdreg $0xFFFFFFFF  }
0xbc: {  	[dreg:$0x0] =	wrdreg $0x60  }
0xbd: {  	[dreg:$0x2] =	wrdreg s24  }
0xbe: {  	[dreg:$0x3] =	wrdreg $0x9  }
0xbf: {  	_ =	task.clear_ibuf [dreg:s22], $0x4FFFF;
	_ =	strace $0x90000049  }
0xc0: {  	s29 =	simm.s32 $0x9;
	_ =	strace $0x8000004B  }
0xc1: {  	_ =	swait.ge [sflag:s29], $0x1  }
0xc2: {  	[sflag:s29] =	ssyncadd.s32 $0xFFFFFFFF  }
0xc3: {  	_ =	strace $0x9000004B  }
0xc4: {  	_ =	sfence  }
0xc5: {  	s30 =	sld [smem:$0x0];
	_ =	sdelay $0x2  }
0xc6: {  	s31 =	sshll.u32 s1, $0xD;
	s1 =	sshrl.u32 s1, $0x2  }
0xc7: {  	s4 =	sand.u32 $0x4000, s31;
	s1 =	sadd.s32 s1, s30  }
0xc8: {  	s0 =	sor.u32 s4, s0;
	s1 =	sshll.u32 s1, $0x11  }
0xc9: {  	s0 =	sor.u32 s1, s0  }
0xca: {  	s0 =	sadd.s32 $0x8F2B, s0  }
0xcb: {  	[sflag:s0] =	ssyncadd.remote.s32 $0x1  }
0xcc: {  	_ =	sfence.sel $0xFFFF  }
0xcd: {  	[dreg:$0x0] =	wrdreg $0xFFFFFFFF;
	(pc) =	sbr.abs _section_cstart, $3  }
0xce: {  	[dreg:$0x1] =	wrdreg $0xFFFFFFFF  }
0xcf: {  	_ =	task.clear_ibuf [dreg:s22], $0x2FFFF;
	_ =	strace $0x9FFFFFFF  }
0xd0: {  	(tm) =	ssettm $0x7FFFFFFF  }
0xd1: {  	_ =	shalt  }
tec
execute0_lowered:
.L_overlay_start_1:
0x0: {  	(tag) =	ssettag $0x1  }
0x1: {  	s0 =	rddreg [dreg:$0x0]  }
0x2: {  	s1 =	srdreg.scid;
	s10 =	stileid.u32;
	s2 =	simm.s32 $0x0  }
0x3: {  	s20 =	simm.s32 $0x1100;
	s28 =	simm.s32 $0x2900;
	s29 =	simm.s32 $0x6100  }
0x4: {  	s30 =	simm.s32 $0x6900;
	s31 =	simm.s32 $0x3100;
	s17 =	simm.s32 $0x7900  }
0x5: {  	s19 =	simm.s32 $0x3;
	s15 =	simm.s32 $0x0;
	s1 =	sand.u32 $0x1, s1  }
0x6: {  	s3 =	sshll.u32 s10, $0x9;
	[smem:$0x7FF] =	sst s2;
	s8 =	sadd.s32 $0x283C00, s0  }
0x7: {  	s14 =	sadd.s32 $0x303C00, s0;
	s22 =	sshll.u32 s10, $0xF;
	s4 =	sshll.u32 s1, $0x8  }
0x8: {  	_ =	strace $0x8000004A;
	s7 =	ssub.s32 $0x2, s1;
	s23 =	sadd.s32 s22, s14  }
0x9: {  	s1 =	sshll.u32 s1, $0xE;
	s5 =	sor.u32 s4, s3;
	s3 =	sadd.s32 $0x143400, s0  }
0xa: {  	s4 =	sadd.s32 $0x103400, s0;
	s9 =	sshrl.u32 s7, $0x1;
	s6 =	sshrl.u32 s5, $0x3  }
0xb: {  	s9 =	ssub.s32 s7, s9;
	s7 =	sadd.s32 $0x103500, s0;
	s5 =	sshll.u32 s5, $0x6  }
0xc: {  	s6 =	sadd.s32 s6, s0;
	s9 =	smax.u32 s9, $0x1;
	s24 =	sadd.s32 s5, s14  }
0xd: {  	s25 =	sadd.s32 s5, s8;
	s26 =	sor.u32 $0x400, s5;
	s5 =	simm.s32 $0x4  }
0xe: {  	s6 =	sadd.s32 $0x283800, s6;
	[dreg:$0x3] =	wrdreg s9;
	s9 =	sadd.s32 s1, s23  }
.Ltmp0:
0xf: {  	s11 =	sadd.s32 $0x600, s24;
	s12 =	sadd.s32 $0x600, s25;
	(pc) =	sbr.rel .LBB2_1-.Ltmp0, $4  }
0x10: {  	s13 =	sadd.s32 s26, s8;
	s14 =	sadd.s32 s26, s14;
	s24 =	simm.s32 $0x1  }
0x11: {  	v0 =	vlaneseq.u32;
	s25 =	simm.s32 $0x2;
	s26 =	simm.s32 $0x2100;
	[dreg:$0x2] =	wrdreg s6  }
0x12: {  	v1 =	vshrl.u32 v0, $0x3;
	s6 =	sadd.s32 $0x143500, s0;
	s0 =	sadd.s32 s22, s8;
	s22 =	simm.s32 $0x5100  }
0x13: {  	vm0 =	vmmov $0xffff;
	v0 =	vand.u32 $0x7, v0;
	v1 =	vmul.u32 $0x8, v1;
	s10 =	sadd.s32 s1, s0;
	s0 =	simm.s32 $0x3900;
	s1 =	simm.s32 $0x7100  }
.LBB2_4:
0x14: {  	_ =	swait.ge [sflag:s19], $0x1000  }
0x15: {  	[sflag:s19] =	ssyncset.done $0x0  }
0x16: {  	[sflag:s19] =	ssyncadd.s32 $0xFFFFF000  }
0x17: {  	_ =	swait.ge [sflag:s5], $0x1000  }
0x18: {  	[sflag:s5] =	ssyncset.done $0x0  }
0x19: {  	[sflag:s5] =	ssyncadd.s32 $0xFFFFF000  }
0x1a: {  	_ =	swait.ge [sflag:s19], $0x1000  }
0x1b: {  	[sflag:s19] =	ssyncset.done $0x0  }
0x1c: {  	[sflag:s19] =	ssyncadd.s32 $0xFFFFF000  }
0x1d: {  	_ =	swait.ge [sflag:s5], $0x1000  }
0x1e: {  	s15 =	rddreg [dreg:$0x4]  }
0x1f: {  	s8 =	rddreg [dreg:$0x3];
	s15 =	sadd.s32 $0x1, s15  }
0x20: {  	p0 =	sne.s32 s15, s8  }
.Ltmp1:
0x21: {  	_ = 	snop;
	(pc) =	sbr.rel @!p0 .LBB2_5-.Ltmp1, $3  }
0x22: {  	_ =	sdelay $0x1  }
0x23: {  	[sflag:s5] =	ssyncset.done $0x0  }
0x24: {  	[sflag:s5] =	ssyncadd.s32 $0xFFFFF000  }
.LBB2_1:
0x25: {  	[dreg:$0x4] =	wrdreg s15  }
0x26: {  	s8 =	rddreg [dreg:$0x2];
	s21 =	simm.s32 $0x5  }
0x27: {  	[tilespmem:s2], [sflag:$0x5] =	stream.linear.gather [hbm4b:s8+s2], $0x100, $0x38;
	[tilespmem:$0x8100] =	vst v63  }
0x28: {  	_ =	swait.ge [sflag:s21], $0x100  }
0x29: {  	[sflag:s21] =	ssyncset.done $0x0  }
0x2a: {  	[sflag:s21] =	ssyncadd.s32 $0xFFFFFF00  }
0x2b: {  	v2 =	vld.msk [tilespmem:$0x0], $0xff;
	_ =	sdelay $0x4  }
0x2c: {  	v3 =	vshll.u32 v2, $0x2  }
0x2d: {  	v2 =	vand.u32 $0x7, v2;
	v3 =	vand.u32 $0xFFFFFFE0, v3  }
0x2e: {  	v2 =	vor.u32 v2, v3  }
0x2f: {  	v2 =	vperm.xlane v2, v0;
	_ =	sdelay $0x1  }
0x30: {  	v2 =	vadd.s32 v1, v2;
	_ =	sdelay $0x3  }
0x31: {  	s23 =	simm.s32 $0x100  }
0x32: {  	[tilespmem:s23], [sflag:$0x1] =	stream.indirect_vreg.gather [hbm4b:s3+s2], $0x80, v2, vm0, $0xb8;
	[tilespmem:$0x8100] =	vst v63  }
0x33: {  	s15 =	simm.s32 $0x900  }
0x34: {  	[tilespmem:s15], [sflag:$0x1] =	stream.indirect_vreg.gather [hbm4b:s6+s2], $0x80, v2, vm0, $0xb8;
	[tilespmem:$0x8100] =	vst v63  }
0x35: {  	v2 =	vld.msk [tilespmem:$0x0], $0xff;
	_ =	sdelay $0x4  }
0x36: {  	v3 =	vshll.u32 v2, $0x2  }
0x37: {  	v2 =	vand.u32 $0x7, v2;
	v3 =	vand.u32 $0xFFFFFFE0, v3  }
0x38: {  	v2 =	vor.u32 v2, v3  }
0x39: {  	v2 =	vperm.xlane v2, v0;
	_ =	sdelay $0x1  }
0x3a: {  	v2 =	vadd.s32 v1, v2;
	_ =	sdelay $0x3  }
0x3b: {  	s16 =	simm.s32 $0x4100  }
0x3c: {  	[tilespmem:s16], [sflag:$0x2] =	stream.indirect_vreg.gather [hbm4b:s4+s2], $0x80, v2, vm0, $0xb8;
	[tilespmem:$0x8100] =	vst v63  }
0x3d: {  	s18 =	simm.s32 $0x4900  }
0x3e: {  	[tilespmem:s18], [sflag:$0x2] =	stream.indirect_vreg.gather [hbm4b:s7+s2], $0x80, v2, vm0, $0xb8;
	[tilespmem:$0x8100] =	vst v63  }
0x3f: {  	v2 =	vld.msk [tilespmem:$0x8], $0xff;
	_ =	sdelay $0x4  }
0x40: {  	v3 =	vshll.u32 v2, $0x2  }
0x41: {  	v2 =	vand.u32 $0x7, v2;
	v3 =	vand.u32 $0xFFFFFFE0, v3  }
0x42: {  	v2 =	vor.u32 v2, v3  }
0x43: {  	v2 =	vperm.xlane v2, v0;
	_ =	sdelay $0x1  }
0x44: {  	v2 =	vadd.s32 v1, v2;
	_ =	sdelay $0x4  }
0x45: {  	[tilespmem:s20], [sflag:$0x1] =	stream.indirect_vreg.gather [hbm4b:s3+s2], $0x80, v2, vm0, $0xb8;
	[tilespmem:$0x8100] =	vst v63  }
0x46: {  	s21 =	simm.s32 $0x1900  }
0x47: {  	[tilespmem:s21], [sflag:$0x1] =	stream.indirect_vreg.gather [hbm4b:s6+s2], $0x80, v2, vm0, $0xb8;
	[tilespmem:$0x8100] =	vst v63  }
0x48: {  	v2 =	vld.msk [tilespmem:$0x8], $0xff;
	_ =	sdelay $0x4  }
0x49: {  	v3 =	vshll.u32 v2, $0x2  }
0x4a: {  	v2 =	vand.u32 $0x7, v2;
	v3 =	vand.u32 $0xFFFFFFE0, v3  }
0x4b: {  	v2 =	vor.u32 v2, v3  }
0x4c: {  	v2 =	vperm.xlane v2, v0;
	_ =	sdelay $0x1  }
0x4d: {  	v2 =	vadd.s32 v1, v2;
	_ =	sdelay $0x4  }
0x4e: {  	[tilespmem:s22], [sflag:$0x2] =	stream.indirect_vreg.gather [hbm4b:s4+s2], $0x80, v2, vm0, $0xb8;
	[tilespmem:$0x8100] =	vst v63  }
0x4f: {  	s8 =	simm.s32 $0x0;
	s23 =	simm.s32 $0x5900;
	s15 =	simm.s32 $0x18  }
0x50: {  	[tilespmem:s23], [sflag:$0x2] =	stream.indirect_vreg.gather [hbm4b:s7+s2], $0x80, v2, vm0, $0xb8;
	[tilespmem:$0x8100] =	vst v63  }
.LBB2_2:
0x51: {  	_ =	swait.ge [sflag:s24], $0x1000  }
0x52: {  	[sflag:s24] =	ssyncset.done $0x0  }
0x53: {  	[sflag:s24] =	ssyncadd.s32 $0xFFFFF000  }
0x54: {  	_ =	swait.ge [sflag:s25], $0x1000  }
0x55: {  	s21 =	sadd.s32 s8, s10;
	[sflag:s25] =	ssyncset.done $0x0  }
0x56: {  	s16 =	simm.s32 $0x100;
	p0 =	seq.s32 s8, $0x0;
	[sflag:s25] =	ssyncadd.s32 $0xFFFFF000  }
0x57: {  	[hbm4b:s21+s2] =	stream.linear.scatter [tilespmem:s16], [sflag:$0x3], $0x1000, $0x38;
	[tilespmem:$0x8100] =	vst v63  }
0x58: {  	s23 =	sadd.s32 s8, s9;
	s18 =	simm.s32 $0x4100;
	s16 =	simm.s32 @!p0 $0x3  }
0x59: {  	[hbm4b:s23+s2] =	stream.linear.scatter [tilespmem:s18], [sflag:$0x4], $0x1000, $0x38;
	[tilespmem:$0x8100] =	vst v63  }
0x5a: {  	_ =	swait.ge @!p0 [sflag:s16], $0x1000  }
0x5b: {  	[sflag:s16] =	ssyncset.done @!p0 $0x0  }
0x5c: {  	s18 =	simm.s32 @!p0 $0x4;
	[sflag:s16] =	ssyncadd.s32 @!p0 $0xFFFFF000  }
0x5d: {  	_ =	swait.ge @!p0 [sflag:s18], $0x1000  }
0x5e: {  	[sflag:s18] =	ssyncset.done @!p0 $0x0  }
0x5f: {  	[sflag:s18] =	ssyncadd.s32 @!p0 $0xFFFFF000  }
0x60: {  	v2 =	vld.msk [tilespmem:s15+$0xFFFFFFF8], $0xff;
	_ =	sdelay $0x4  }
0x61: {  	v3 =	vshll.u32 v2, $0x2  }
0x62: {  	v2 =	vand.u32 $0x7, v2;
	v3 =	vand.u32 $0xFFFFFFE0, v3  }
0x63: {  	v2 =	vor.u32 v2, v3  }
0x64: {  	v2 =	vperm.xlane v2, v0;
	_ =	sdelay $0x1  }
0x65: {  	v2 =	vadd.s32 v1, v2;
	_ =	sdelay $0x4  }
0x66: {  	[tilespmem:s26], [sflag:$0x1] =	stream.indirect_vreg.gather [hbm4b:s3+s2], $0x80, v2, vm0, $0xb8;
	[tilespmem:$0x8100] =	vst v63  }
0x67: {  	_ = 	snop  }
0x68: {  	[tilespmem:s28], [sflag:$0x1] =	stream.indirect_vreg.gather [hbm4b:s6+s2], $0x80, v2, vm0, $0xb8;
	[tilespmem:$0x8100] =	vst v63  }
0x69: {  	v2 =	vld.msk [tilespmem:s15+$0xFFFFFFF8], $0xff;
	_ =	sdelay $0x4  }
0x6a: {  	v3 =	vshll.u32 v2, $0x2  }
0x6b: {  	v2 =	vand.u32 $0x7, v2;
	v3 =	vand.u32 $0xFFFFFFE0, v3  }
0x6c: {  	v2 =	vor.u32 v2, v3  }
0x6d: {  	v2 =	vperm.xlane v2, v0;
	_ =	sdelay $0x1  }
0x6e: {  	v2 =	vadd.s32 v1, v2;
	_ =	sdelay $0x4  }
0x6f: {  	[tilespmem:s29], [sflag:$0x2] =	stream.indirect_vreg.gather [hbm4b:s4+s2], $0x80, v2, vm0, $0xb8;
	[tilespmem:$0x8100] =	vst v63  }
0x70: {  	_ = 	snop  }
0x71: {  	[tilespmem:s30], [sflag:$0x2] =	stream.indirect_vreg.gather [hbm4b:s7+s2], $0x80, v2, vm0, $0xb8;
	[tilespmem:$0x8100] =	vst v63  }
0x72: {  	_ =	swait.ge [sflag:s24], $0x1000  }
0x73: {  	[sflag:s24] =	ssyncset.done $0x0  }
0x74: {  	[sflag:s24] =	ssyncadd.s32 $0xFFFFF000  }
0x75: {  	_ =	swait.ge [sflag:s25], $0x1000  }
0x76: {  	[sflag:s25] =	ssyncset.done $0x0  }
0x77: {  	s21 =	sadd.s32 $0x200, s21;
	[sflag:s25] =	ssyncadd.s32 $0xFFFFF000  }
0x78: {  	[hbm4b:s21+s2] =	stream.linear.scatter [tilespmem:s20], [sflag:$0x3], $0x1000, $0x38;
	[tilespmem:$0x8100] =	vst v63  }
0x79: {  	s23 =	sadd.s32 $0x200, s23  }
0x7a: {  	[hbm4b:s23+s2] =	stream.linear.scatter [tilespmem:s22], [sflag:$0x4], $0x1000, $0x38;
	[tilespmem:$0x8100] =	vst v63  }
0x7b: {  	_ =	swait.ge @!p0 [sflag:s16], $0x1000  }
0x7c: {  	[sflag:s16] =	ssyncset.done @!p0 $0x0  }
0x7d: {  	[sflag:s16] =	ssyncadd.s32 @!p0 $0xFFFFF000  }
0x7e: {  	_ =	swait.ge @!p0 [sflag:s18], $0x1000  }
0x7f: {  	[sflag:s18] =	ssyncset.done @!p0 $0x0  }
0x80: {  	[sflag:s18] =	ssyncadd.s32 @!p0 $0xFFFFF000  }
0x81: {  	v2 =	vld.msk [tilespmem:s15+$0x0], $0xff;
	_ =	sdelay $0x4  }
0x82: {  	v3 =	vshll.u32 v2, $0x2  }
0x83: {  	v2 =	vand.u32 $0x7, v2;
	v3 =	vand.u32 $0xFFFFFFE0, v3  }
0x84: {  	v2 =	vor.u32 v2, v3  }
0x85: {  	v2 =	vperm.xlane v2, v0;
	_ =	sdelay $0x1  }
0x86: {  	v2 =	vadd.s32 v1, v2;
	_ =	sdelay $0x4  }
0x87: {  	[tilespmem:s31], [sflag:$0x1] =	stream.indirect_vreg.gather [hbm4b:s3+s2], $0x80, v2, vm0, $0xb8;
	[tilespmem:$0x8100] =	vst v63  }
0x88: {  	_ = 	snop  }
0x89: {  	[tilespmem:s0], [sflag:$0x1] =	stream.indirect_vreg.gather [hbm4b:s6+s2], $0x80, v2, vm0, $0xb8;
	[tilespmem:$0x8100] =	vst v63  }
0x8a: {  	v2 =	vld.msk [tilespmem:s15+$0x0], $0xff;
	_ =	sdelay $0x4  }
0x8b: {  	v3 =	vshll.u32 v2, $0x2  }
0x8c: {  	v2 =	vand.u32 $0x7, v2;
	v3 =	vand.u32 $0xFFFFFFE0, v3  }
0x8d: {  	v2 =	vor.u32 v2, v3  }
0x8e: {  	v2 =	vperm.xlane v2, v0;
	_ =	sdelay $0x1  }
0x8f: {  	v2 =	vadd.s32 v1, v2;
	_ =	sdelay $0x4  }
0x90: {  	[tilespmem:s1], [sflag:$0x2] =	stream.indirect_vreg.gather [hbm4b:s4+s2], $0x80, v2, vm0, $0xb8;
	[tilespmem:$0x8100] =	vst v63  }
0x91: {  	_ = 	snop  }
0x92: {  	[tilespmem:s17], [sflag:$0x2] =	stream.indirect_vreg.gather [hbm4b:s7+s2], $0x80, v2, vm0, $0xb8;
	[tilespmem:$0x8100] =	vst v63  }
0x93: {  	_ =	swait.ge [sflag:s24], $0x1000  }
0x94: {  	[sflag:s24] =	ssyncset.done $0x0  }
0x95: {  	[sflag:s24] =	ssyncadd.s32 $0xFFFFF000  }
0x96: {  	_ =	swait.ge [sflag:s25], $0x1000  }
0x97: {  	[sflag:s25] =	ssyncset.done $0x0  }
0x98: {  	s23 =	sadd.s32 s8, s13;
	[sflag:s25] =	ssyncadd.s32 $0xFFFFF000  }
0x99: {  	[hbm4b:s23+s2] =	stream.linear.scatter [tilespmem:s26], [sflag:$0x3], $0x1000, $0x38;
	[tilespmem:$0x8100] =	vst v63  }
0x9a: {  	s18 =	sadd.s32 s8, s14  }
0x9b: {  	[hbm4b:s18+s2] =	stream.linear.scatter [tilespmem:s29], [sflag:$0x4], $0x1000, $0x38;
	[tilespmem:$0x8100] =	vst v63  }
0x9c: {  	_ =	swait.ge [sflag:s19], $0x1000  }
0x9d: {  	[sflag:s19] =	ssyncset.done $0x0  }
0x9e: {  	[sflag:s19] =	ssyncadd.s32 $0xFFFFF000  }
0x9f: {  	_ =	swait.ge [sflag:s5], $0x1000  }
0xa0: {  	[sflag:s5] =	ssyncset.done $0x0  }
0xa1: {  	p0 =	seq.s32 s8, $0x3800;
	[sflag:s5] =	ssyncadd.s32 $0xFFFFF000  }
0xa2: {  	v2 =	vld.msk @!p0 [tilespmem:s15+$0x8], $0xff;
	_ =	sdelay $0x4  }
0xa3: {  	v3 =	vshll.u32 @!p0 v2, $0x2  }
0xa4: {  	v4 =	vlaneseq.u32 @!p0;
	v2 =	vand.u32 @!p0 $0x7, v2;
	v3 =	vand.u32 @!p0 $0xFFFFFFE0, v3  }
0xa5: {  	v2 =	vor.u32 @!p0 v2, v3;
	v3 =	vand.u32 @!p0 $0x7, v4;
	v4 =	vshrl.u32 @!p0 v4, $0x3  }
0xa6: {  	v2 =	vperm.xlane @!p0 v2, v3;
	v4 =	vmul.u32 @!p0 $0x8, v4;
	_ =	sdelay $0x1  }
0xa7: {  	v2 =	vadd.s32 @!p0 v4, v2;
	_ =	sdelay $0x3  }
0xa8: {  	vm1 =	vmmov @!p0 $0xffff;
	s16 =	simm.s32 @!p0 $0x0;
	s18 =	simm.s32 @!p0 $0x100  }
0xa9: {  	[tilespmem:s18], [sflag:$0x1] =	stream.indirect_vreg.gather @!p0 [hbm4b:s3+s16], $0x80, v2, vm1, $0xb8;
	[tilespmem:$0x8100] =	vst v63  }
0xaa: {  	s18 =	simm.s32 @!p0 $0x900  }
0xab: {  	[tilespmem:s18], [sflag:$0x1] =	stream.indirect_vreg.gather @!p0 [hbm4b:s6+s16], $0x80, v2, vm1, $0xb8;
	[tilespmem:$0x8100] =	vst v63  }
0xac: {  	v2 =	vld.msk @!p0 [tilespmem:s15+$0x8], $0xff;
	_ =	sdelay $0x4  }
0xad: {  	v5 =	vshll.u32 @!p0 v2, $0x2  }
0xae: {  	v2 =	vand.u32 @!p0 $0x7, v2;
	v5 =	vand.u32 @!p0 $0xFFFFFFE0, v5  }
0xaf: {  	v2 =	vor.u32 @!p0 v2, v5  }
0xb0: {  	v2 =	vperm.xlane @!p0 v2, v3;
	_ =	sdelay $0x1  }
0xb1: {  	v2 =	vadd.s32 @!p0 v4, v2;
	_ =	sdelay $0x3  }
0xb2: {  	s18 =	simm.s32 @!p0 $0x4100  }
0xb3: {  	[tilespmem:s18], [sflag:$0x2] =	stream.indirect_vreg.gather @!p0 [hbm4b:s4+s16], $0x80, v2, vm1, $0xb8;
	[tilespmem:$0x8100] =	vst v63  }
0xb4: {  	s18 =	simm.s32 @!p0 $0x4900  }
0xb5: {  	[tilespmem:s18], [sflag:$0x2] =	stream.indirect_vreg.gather @!p0 [hbm4b:s7+s16], $0x80, v2, vm1, $0xb8;
	[tilespmem:$0x8100] =	vst v63  }
0xb6: {  	_ =	swait.ge [sflag:s24], $0x1000  }
0xb7: {  	[sflag:s24] =	ssyncset.done $0x0  }
0xb8: {  	[sflag:s24] =	ssyncadd.s32 $0xFFFFF000  }
0xb9: {  	_ =	swait.ge [sflag:s25], $0x1000  }
0xba: {  	[sflag:s25] =	ssyncset.done $0x0  }
0xbb: {  	s21 =	sadd.s32 s8, s12;
	[sflag:s25] =	ssyncadd.s32 $0xFFFFF000  }
0xbc: {  	[hbm4b:s21+s2] =	stream.linear.scatter [tilespmem:s31], [sflag:$0x3], $0x1000, $0x38;
	[tilespmem:$0x8100] =	vst v63  }
0xbd: {  	s23 =	sadd.s32 s8, s11  }
0xbe: {  	[hbm4b:s23+s2] =	stream.linear.scatter [tilespmem:s1], [sflag:$0x4], $0x1000, $0x38;
	[tilespmem:$0x8100] =	vst v63  }
0xbf: {  	_ =	swait.ge [sflag:s19], $0x1000  }
.Ltmp2:
0xc0: {  	[sflag:s19] =	ssyncset.done $0x0;
	(pc) =	sbr.rel @p0 .LBB2_4-.Ltmp2, $4  }
0xc1: {  	[sflag:s19] =	ssyncadd.s32 $0xFFFFF000  }
0xc2: {  	_ =	swait.ge [sflag:s5], $0x1000  }
0xc3: {  	[sflag:s5] =	ssyncset.done $0x0  }
0xc4: {  	[sflag:s5] =	ssyncadd.s32 $0xFFFFF000  }
0xc5: {  	v2 =	vld.msk [tilespmem:s15+$0x10], $0xff;
	_ =	sdelay $0x4  }
0xc6: {  	v3 =	vshll.u32 v2, $0x2  }
0xc7: {  	v2 =	vand.u32 $0x7, v2;
	v3 =	vand.u32 $0xFFFFFFE0, v3  }
0xc8: {  	v2 =	vor.u32 v2, v3  }
0xc9: {  	v2 =	vperm.xlane v2, v0;
	_ =	sdelay $0x1  }
0xca: {  	v2 =	vadd.s32 v1, v2;
	_ =	sdelay $0x4  }
0xcb: {  	[tilespmem:s20], [sflag:$0x1] =	stream.indirect_vreg.gather [hbm4b:s3+s2], $0x80, v2, vm0, $0xb8;
	[tilespmem:$0x8100] =	vst v63  }
0xcc: {  	s16 =	simm.s32 $0x1900  }
0xcd: {  	[tilespmem:s16], [sflag:$0x1] =	stream.indirect_vreg.gather [hbm4b:s6+s2], $0x80, v2, vm0, $0xb8;
	[tilespmem:$0x8100] =	vst v63  }
0xce: {  	v2 =	vld.msk [tilespmem:s15+$0x10], $0xff;
	_ =	sdelay $0x4  }
0xcf: {  	v3 =	vshll.u32 v2, $0x2  }
0xd0: {  	v2 =	vand.u32 $0x7, v2;
	v3 =	vand.u32 $0xFFFFFFE0, v3  }
0xd1: {  	v2 =	vor.u32 v2, v3  }
0xd2: {  	v2 =	vperm.xlane v2, v0;
	_ =	sdelay $0x1  }
0xd3: {  	v2 =	vadd.s32 v1, v2;
	_ =	sdelay $0x2  }
.Ltmp3:
0xd4: {  	_ = 	snop;
	(pc) =	sbr.rel .LBB2_2-.Ltmp3, $4  }
0xd5: {  	_ = 	snop  }
0xd6: {  	[tilespmem:s22], [sflag:$0x2] =	stream.indirect_vreg.gather [hbm4b:s4+s2], $0x80, v2, vm0, $0xb8;
	[tilespmem:$0x8100] =	vst v63  }
0xd7: {  	s23 =	simm.s32 $0x5900;
	s8 =	sadd.s32 $0x800, s8;
	s15 =	sadd.s32 $0x20, s15  }
0xd8: {  	[tilespmem:s23], [sflag:$0x2] =	stream.indirect_vreg.gather [hbm4b:s7+s2], $0x80, v2, vm0, $0xb8;
	[tilespmem:$0x8100] =	vst v63  }
.LBB2_5:
0xd9: {  	_ =	sfence.sel $0x180000  }
0xda: {  	[bflag:$0x0] =	sbarrier.arrive $0xFFFF  }
0xdb: {  	_ =	strace $0x9000004A  }
0xdc: {  	s0 =	stileid.u32;
	[bflag:$0x2] =	sbarrier.arrive $0xFFFF  }
0xdd: {  	p0 =	sne.s32 s0, $0x0;
	s0 =	rddreg [dreg:$0x1]  }
0xde: {  	s0 =	sadd.s32 @!p0 $0x100000, s0  }
0xdf: {  	[sflag:s0] =	ssyncadd.tile.s32 @!p0 $0x1;
	_ =	shalt  }
.Lfunc_end2:
_tile_overlayer_lowered:
.L_overlay_start_2:
0xe0: {  	(tag) =	ssettag $0x2  }
0xe1: {  	s0 =	rddreg [dreg:$0x0];
	s2 =	stileid.u32  }
0xe2: {  	s1 =	rddreg [dreg:$0x1];
	p0 =	sne.s32 s2, $0x0  }
0xe3: {  	s3 =	rddreg [dreg:$0x2];
	[bflag:$0x3] =	sbarrier.arrive $0xFFFF;
	s2 =	simm.s32 @!p0 $0x1C05  }
0xe4: {  	[timem:s3], [sflag:s2] =	dma.local @!p0 [hbm:s0], s1  }
0xe5: {  	s0 =	simm.s32 @!p0 $0x5  }
0xe6: {  	_ =	swait.ge @!p0 [sflag:s0], s1  }
0xe7: {  	s1 =	ssub.s32 @!p0 $0x0, s1;
	[sflag:s0] =	ssyncset.done @!p0 $0x0  }
0xe8: {  	[sflag:s0] =	ssyncadd.s32 @!p0 s1  }
0xe9: {  	[bflag:$0x3] =	sbarrier.arrive $0xFFFF  }
0xea: {  	_ =	shalt  }

</sc_bundles>
